<compile_context>
chip_gen: v7x
topology: tpu7x:2x2x1
jax: 0.10.2.dev20260603
libtpu: 0.0.44.dev20260713+nightly
codegen_flags: <defaults>
</compile_context>

<pallas_src>
import functools

import jax
import jax.numpy as jnp
from jax import lax
from jax.experimental import pallas as pl
from jax.experimental.pallas import tpu as pltpu
from jax.experimental.pallas import tpu_sc as plsc

_EMB = 64
_BATCH = 4096
_HIST = 50
_NTOT = _BATCH * _HIST

_info = plsc.get_sparse_core_info()
_NC, _NS = _info.num_cores, _info.num_subcores
_NW = _NC * _NS
_B_PER_W = _NTOT // _NW
_CHUNK = 800
_NCHUNK = _B_PER_W // _CHUNK

_mesh = plsc.VectorSubcoreMesh(core_axis_name="c", subcore_axis_name="s")


@functools.partial(
    pl.kernel,
    mesh=_mesh,
    out_type=jax.ShapeDtypeStruct((_NTOT,), jnp.int32),
    scratch_types=[
        pltpu.VMEM((8, 128), jnp.int32),
    ],
)
def _detile_idx(idxt_hbm, out_hbm, tile_v):
    wid = lax.axis_index("s") * _NC + lax.axis_index("c")
    col = wid * 128
    for a in range(7):
        rows = 8 if a < 6 else 2
        pltpu.sync_copy(
            idxt_hbm.at[pl.ds(a * 8, rows), pl.ds(col, 128)],
            tile_v.at[pl.ds(0, rows)],
        )
        for s in range(rows):
            pltpu.sync_copy(
                tile_v.at[s],
                out_hbm.at[pl.ds((a * 8 + s) * _BATCH + col, 128)],
            )


@functools.partial(
    pl.kernel,
    mesh=_mesh,
    out_type=jax.ShapeDtypeStruct((_NTOT, _EMB), jnp.float32),
    scratch_types=[
        pltpu.VMEM((_B_PER_W,), jnp.int32),
        pltpu.VMEM((2, _CHUNK, _EMB), jnp.float32),
        pltpu.SemaphoreType.DMA,
        pltpu.SemaphoreType.DMA,
    ],
    compiler_params=pltpu.CompilerParams(use_tc_tiling_on_sc=False),
)
def _emb_lookup(idx_hbm, table_hbm, out_hbm, idx_v, rows_v, gsem0, gsem1):
    wid = lax.axis_index("s") * _NC + lax.axis_index("c")
    base = wid * _B_PER_W
    pltpu.sync_copy(idx_hbm.at[pl.ds(base, _B_PER_W)], idx_v)

    pltpu.async_copy(
        table_hbm.at[idx_v.at[pl.ds(0, _CHUNK)]], rows_v.at[0], gsem0
    )

    def body(p, _):
        c0 = 2 * p
        pltpu.async_copy(
            table_hbm.at[idx_v.at[pl.ds((c0 + 1) * _CHUNK, _CHUNK)]],
            rows_v.at[1],
            gsem1,
        )
        pltpu.make_async_copy(
            table_hbm.at[idx_v.at[pl.ds(0, _CHUNK)]], rows_v.at[0], gsem0
        ).wait()
        pltpu.sync_copy(
            rows_v.at[0], out_hbm.at[pl.ds(base + c0 * _CHUNK, _CHUNK)]
        )
        nxt = lax.min(c0 + 2, _NCHUNK - 2)
        pltpu.async_copy(
            table_hbm.at[idx_v.at[pl.ds(nxt * _CHUNK, _CHUNK)]],
            rows_v.at[0],
            gsem0,
        )
        pltpu.make_async_copy(
            table_hbm.at[idx_v.at[pl.ds(0, _CHUNK)]], rows_v.at[1], gsem1
        ).wait()
        pltpu.sync_copy(
            rows_v.at[1], out_hbm.at[pl.ds(base + (c0 + 1) * _CHUNK, _CHUNK)]
        )
        return _

    lax.fori_loop(0, _NCHUNK // 2, body, 0)
    pltpu.make_async_copy(
        table_hbm.at[idx_v.at[pl.ds(0, _CHUNK)]], rows_v.at[0], gsem0
    ).wait()


def kernel(input, weight):
    idxt = jnp.transpose(input.astype(jnp.int32))
    flat = _detile_idx(idxt)
    out = _emb_lookup(flat, weight)
    out3 = jnp.reshape(out, (_HIST, _BATCH, _EMB))
    return jnp.transpose(out3, (1, 0, 2))

# --- scband reference (transcript-rebuilt; emitter-appended) ---
"""Pipeline reference for scband-embedding-69191923139073 (READ-ONLY COPY).

The authoritative reference and input builder live on the scoring server;
editing this copy changes nothing except your own understanding.
"""

import jax, jax.numpy as jnp
import numpy as np

VOCAB = 1000000
EMB = 64
BATCH = 4096
HIST = 50

def setup_inputs(seed: int = 0) -> dict:
    key = jax.random.key(seed)
    k_idx, k_w = jax.random.split(key)
    input_ids = jax.random.randint(k_idx, (BATCH, HIST), 0, VOCAB, dtype=jnp.int64 if jax.config.jax_enable_x64 else jnp.int32)
    # xavier_uniform init for embedding table: bound = sqrt(6/(fan_in+fan_out))
    bound = float(np.sqrt(6.0 / (VOCAB + EMB)))
    weight = jax.random.uniform(k_w, (VOCAB, EMB), minval=-bound, maxval=bound, dtype=jnp.float32)
    return {"input": input_ids, "weight": weight}

def reference(input, weight):
    # nn.Embedding forward: gather rows of weight by input indices
    result = jnp.take(weight, input, axis=0)
    return result

if __name__ == "__main__":
    import jax
    _d = setup_inputs()
    print(jax.jit(kernel)(*tuple(_d.values())))

</pallas_src>

<mosaic_0001>
#map = affine_map<(d0, d1) -> (0)>
#map1 = affine_map<(d0, d1) -> (0, 0)>
module attributes {stable_mosaic.version = 14 : i64} {
  func.func @_emb_lookup(%arg0: i32, %arg1: i32, %arg2: memref<204800xi32, #tpu.memory_space<hbm>>, %arg3: memref<1000000x64xf32, #tpu.memory_space<hbm>>, %arg4: memref<204800x64xf32, #tpu.memory_space<hbm>>, %arg5: memref<6400xi32, #tpu.memory_space<vmem>>, %arg6: memref<2x800x64xf32, #tpu.memory_space<vmem>>, %arg7: memref<!tpu.dma_semaphore, #tpu.memory_space<semaphore_mem>>, %arg8: memref<!tpu.dma_semaphore, #tpu.memory_space<semaphore_mem>>) attributes {dimension_semantics = [#tpu.dimension_semantics<core_parallel>, #tpu.dimension_semantics<subcore_parallel>], iteration_bounds = array<i64: 2, 16>, scalar_prefetch = 0 : i64, scratch_operands = 4 : i64, tpu.core_type = #tpu.core_type<sc_vector_subcore>, window_params = [{transform_indices = #map}, {transform_indices = #map1}, {transform_indices = #map1}]} {
    %mul3A = arith.constant 2 : i32
    %mul3A_0 = arith.muli %arg1, %mul3A : i32
    %add3A = arith.addi %mul3A_0, %arg0 : i32
    %mul3A_1 = arith.constant 6400 : i32
    %mul3A_2 = arith.muli %add3A, %mul3A_1 : i32
    "tpu.region"() ({
      %run_scoped3A = tpu.sem_alloc : memref<!tpu.dma_semaphore, #tpu.memory_space<semaphore_mem>>
      %dma_start3A_26 = tpu.memref_slice %arg2[%mul3A_2] : memref<204800xi32, #tpu.memory_space<hbm>> -> memref<6400xi32, #tpu.memory_space<hbm>>
      %dma_start3A_27 = tpu.memref_slice %arg2[%mul3A_2] : memref<204800xi32, #tpu.memory_space<hbm>> -> memref<6400xi32, #tpu.memory_space<hbm>>
      tpu.enqueue_dma source(%dma_start3A_27 : memref<6400xi32, #tpu.memory_space<hbm>>) target(%arg5 : memref<6400xi32, #tpu.memory_space<vmem>>) target_semaphore(%run_scoped3A : memref<!tpu.dma_semaphore, #tpu.memory_space<semaphore_mem>>)
      %dma_wait3A_28 = tpu.memref_slice %arg2[%mul3A_2] : memref<204800xi32, #tpu.memory_space<hbm>> -> memref<6400xi32, #tpu.memory_space<hbm>>
      %dma_wait3A_29 = tpu.memref_slice %arg2[%mul3A_2] : memref<204800xi32, #tpu.memory_space<hbm>> -> memref<6400xi32, #tpu.memory_space<hbm>>
      tpu.wait_dma2 semaphore(%run_scoped3A : memref<!tpu.dma_semaphore, #tpu.memory_space<semaphore_mem>>) src(%dma_wait3A_29 : memref<6400xi32, #tpu.memory_space<hbm>>) dst(%arg5 : memref<6400xi32, #tpu.memory_space<vmem>>)
      tpu.yield
    }) : () -> ()
    %dma_start3A = arith.constant 0 : i32
    %dma_start3A_3 = arith.constant 0 : i32
    %dma_start3A_4 = arith.constant 0 : i32
    %dma_start3A_5 = tpu.memref_slice %arg6[%dma_start3A, %dma_start3A_3, %dma_start3A_4] : memref<2x800x64xf32, #tpu.memory_space<vmem>> -> memref<1x800x64xf32, #tpu.memory_space<vmem>>
    %dma_start3A_6 = tpu.memref_squeeze %dma_start3A_5 : memref<1x800x64xf32, #tpu.memory_space<vmem>> -> memref<800x64xf32, #tpu.memory_space<vmem>>
    %dma_start3A_7 = arith.constant 0 : i32
    %dma_start3A_8 = tpu.memref_slice %arg5[%dma_start3A_7] : memref<6400xi32, #tpu.memory_space<vmem>> -> memref<800xi32, #tpu.memory_space<vmem>>
    %dma_start3A_9 = arith.constant 0 : i32
    %dma_start3A_10 = arith.constant 0 : i32
    %dma_start3A_11 = tpu.memref_slice %arg3[%dma_start3A_9, %dma_start3A_10] : memref<1000000x64xf32, #tpu.memory_space<hbm>> -> memref<1000000x64xf32, #tpu.memory_space<hbm>>
    tpu.enqueue_indirect_dma source(%dma_start3A_11 : memref<1000000x64xf32, #tpu.memory_space<hbm>>) target(%dma_start3A_6 : memref<800x64xf32, #tpu.memory_space<vmem>>) offsets(%dma_start3A_8 : memref<800xi32, #tpu.memory_space<vmem>>) semaphore(%arg7 : memref<!tpu.dma_semaphore, #tpu.memory_space<semaphore_mem>>)
    %scan3A = arith.constant 0 : i32
    %scan3A_12 = arith.constant 0 : i32
    %scan3A_13 = arith.constant 4 : i32
    %scan3A_14 = arith.addi %scan3A_12, %scan3A_13 : i32
    %scan3A_15 = arith.constant 1 : i32
    scf.for %scan3A_26 = %scan3A_12 to %scan3A_14 step %scan3A_15  : i32 {
      %mul3A_27 = arith.constant 2 : i32
      %mul3A_28 = arith.muli %mul3A_27, %scan3A_26 : i32
      %add3A_29 = arith.constant 1 : i32
      %add3A_30 = arith.addi %mul3A_28, %add3A_29 : i32
      %mul3A_31 = arith.constant 800 : i32
      %mul3A_32 = arith.muli %add3A_30, %mul3A_31 : i32
      %dma_start3A_33 = arith.constant 1 : i32
      %dma_start3A_34 = arith.constant 0 : i32
      %dma_start3A_35 = arith.constant 0 : i32
      %dma_start3A_36 = tpu.memref_slice %arg6[%dma_start3A_33, %dma_start3A_34, %dma_start3A_35] : memref<2x800x64xf32, #tpu.memory_space<vmem>> -> memref<1x800x64xf32, #tpu.memory_space<vmem>>
      %dma_start3A_37 = tpu.memref_squeeze %dma_start3A_36 : memref<1x800x64xf32, #tpu.memory_space<vmem>> -> memref<800x64xf32, #tpu.memory_space<vmem>>
      %dma_start3A_38 = tpu.memref_slice %arg5[%mul3A_32] : memref<6400xi32, #tpu.memory_space<vmem>> -> memref<800xi32, #tpu.memory_space<vmem>>
      %dma_start3A_39 = arith.constant 0 : i32
      %dma_start3A_40 = arith.constant 0 : i32
      %dma_start3A_41 = tpu.memref_slice %arg3[%dma_start3A_39, %dma_start3A_40] : memref<1000000x64xf32, #tpu.memory_space<hbm>> -> memref<1000000x64xf32, #tpu.memory_space<hbm>>
      tpu.enqueue_indirect_dma source(%dma_start3A_41 : memref<1000000x64xf32, #tpu.memory_space<hbm>>) target(%dma_start3A_37 : memref<800x64xf32, #tpu.memory_space<vmem>>) offsets(%dma_start3A_38 : memref<800xi32, #tpu.memory_space<vmem>>) semaphore(%arg8 : memref<!tpu.dma_semaphore, #tpu.memory_space<semaphore_mem>>)
      %dma_wait3A_42 = arith.constant 0 : i32
      %dma_wait3A_43 = arith.constant 0 : i32
      %dma_wait3A_44 = arith.constant 0 : i32
      %dma_wait3A_45 = tpu.memref_slice %arg6[%dma_wait3A_42, %dma_wait3A_43, %dma_wait3A_44] : memref<2x800x64xf32, #tpu.memory_space<vmem>> -> memref<1x800x64xf32, #tpu.memory_space<vmem>>
      %dma_wait3A_46 = tpu.memref_squeeze %dma_wait3A_45 : memref<1x800x64xf32, #tpu.memory_space<vmem>> -> memref<800x64xf32, #tpu.memory_space<vmem>>
      %dma_wait3A_47 = arith.constant 0 : i32
      %dma_wait3A_48 = tpu.memref_slice %arg5[%dma_wait3A_47] : memref<6400xi32, #tpu.memory_space<vmem>> -> memref<800xi32, #tpu.memory_space<vmem>>
      %dma_wait3A_49 = arith.constant 0 : i32
      %dma_wait3A_50 = arith.constant 0 : i32
      %dma_wait3A_51 = tpu.memref_slice %arg3[%dma_wait3A_49, %dma_wait3A_50] : memref<1000000x64xf32, #tpu.memory_space<hbm>> -> memref<1000000x64xf32, #tpu.memory_space<hbm>>
      tpu.wait_indirect_dma semaphore(%arg7 : memref<!tpu.dma_semaphore, #tpu.memory_space<semaphore_mem>>) src(%dma_wait3A_51 : memref<1000000x64xf32, #tpu.memory_space<hbm>>) dst(%dma_wait3A_46 : memref<800x64xf32, #tpu.memory_space<vmem>>)
      %mul3A_52 = arith.constant 800 : i32
      %mul3A_53 = arith.muli %mul3A_28, %mul3A_52 : i32
      %add3A_54 = arith.addi %mul3A_2, %mul3A_53 : i32
      %run_scoped3A = arith.constant 0 : i32
      "tpu.region"() ({
        %run_scoped3A_85 = tpu.sem_alloc : memref<!tpu.dma_semaphore, #tpu.memory_space<semaphore_mem>>
        %dma_start3A_86 = arith.constant 0 : i32
        %dma_start3A_87 = arith.constant 0 : i32
        %dma_start3A_88 = tpu.memref_slice %arg6[%run_scoped3A, %dma_start3A_86, %dma_start3A_87] : memref<2x800x64xf32, #tpu.memory_space<vmem>> -> memref<1x800x64xf32, #tpu.memory_space<vmem>>
        %dma_start3A_89 = tpu.memref_squeeze %dma_start3A_88 : memref<1x800x64xf32, #tpu.memory_space<vmem>> -> memref<800x64xf32, #tpu.memory_space<vmem>>
        %dma_start3A_90 = arith.constant 0 : i32
        %dma_start3A_91 = tpu.memref_slice %arg4[%add3A_54, %dma_start3A_90] : memref<204800x64xf32, #tpu.memory_space<hbm>> -> memref<800x64xf32, #tpu.memory_space<hbm>>
        %dma_start3A_92 = arith.constant 0 : i32
        %dma_start3A_93 = tpu.memref_slice %arg4[%add3A_54, %dma_start3A_92] : memref<204800x64xf32, #tpu.memory_space<hbm>> -> memref<800x64xf32, #tpu.memory_space<hbm>>
        %dma_start3A_94 = arith.constant 0 : i32
        %dma_start3A_95 = arith.constant 0 : i32
        %dma_start3A_96 = tpu.memref_slice %arg6[%run_scoped3A, %dma_start3A_94, %dma_start3A_95] : memref<2x800x64xf32, #tpu.memory_space<vmem>> -> memref<1x800x64xf32, #tpu.memory_space<vmem>>
        %dma_start3A_97 = tpu.memref_squeeze %dma_start3A_96 : memref<1x800x64xf32, #tpu.memory_space<vmem>> -> memref<800x64xf32, #tpu.memory_space<vmem>>
        tpu.enqueue_dma source(%dma_start3A_97 : memref<800x64xf32, #tpu.memory_space<vmem>>) target(%dma_start3A_93 : memref<800x64xf32, #tpu.memory_space<hbm>>) target_semaphore(%run_scoped3A_85 : memref<!tpu.dma_semaphore, #tpu.memory_space<semaphore_mem>>)
        %dma_wait3A_98 = arith.constant 0 : i32
        %dma_wait3A_99 = arith.constant 0 : i32
        %dma_wait3A_100 = tpu.memref_slice %arg6[%run_scoped3A, %dma_wait3A_98, %dma_wait3A_99] : memref<2x800x64xf32, #tpu.memory_space<vmem>> -> memref<1x800x64xf32, #tpu.memory_space<vmem>>
        %dma_wait3A_101 = tpu.memref_squeeze %dma_wait3A_100 : memref<1x800x64xf32, #tpu.memory_space<vmem>> -> memref<800x64xf32, #tpu.memory_space<vmem>>
        %dma_wait3A_102 = arith.constant 0 : i32
        %dma_wait3A_103 = tpu.memref_slice %arg4[%add3A_54, %dma_wait3A_102] : memref<204800x64xf32, #tpu.memory_space<hbm>> -> memref<800x64xf32, #tpu.memory_space<hbm>>
        %dma_wait3A_104 = arith.constant 0 : i32
        %dma_wait3A_105 = tpu.memref_slice %arg4[%add3A_54, %dma_wait3A_104] : memref<204800x64xf32, #tpu.memory_space<hbm>> -> memref<800x64xf32, #tpu.memory_space<hbm>>
        %dma_wait3A_106 = arith.constant 0 : i32
        %dma_wait3A_107 = arith.constant 0 : i32
        %dma_wait3A_108 = tpu.memref_slice %arg6[%run_scoped3A, %dma_wait3A_106, %dma_wait3A_107] : memref<2x800x64xf32, #tpu.memory_space<vmem>> -> memref<1x800x64xf32, #tpu.memory_space<vmem>>
        %dma_wait3A_109 = tpu.memref_squeeze %dma_wait3A_108 : memref<1x800x64xf32, #tpu.memory_space<vmem>> -> memref<800x64xf32, #tpu.memory_space<vmem>>
        tpu.wait_dma2 semaphore(%run_scoped3A_85 : memref<!tpu.dma_semaphore, #tpu.memory_space<semaphore_mem>>) src(%dma_wait3A_109 : memref<800x64xf32, #tpu.memory_space<vmem>>) dst(%dma_wait3A_105 : memref<800x64xf32, #tpu.memory_space<hbm>>)
        tpu.yield
      }) : () -> ()
      %add3A_55 = arith.constant 2 : i32
      %add3A_56 = arith.addi %mul3A_28, %add3A_55 : i32
      %min3A = arith.constant 6 : i32
      %min3A_57 = arith.minsi %add3A_56, %min3A : i32
      %mul3A_58 = arith.constant 800 : i32
      %mul3A_59 = arith.muli %min3A_57, %mul3A_58 : i32
      %dma_start3A_60 = arith.constant 0 : i32
      %dma_start3A_61 = arith.constant 0 : i32
      %dma_start3A_62 = arith.constant 0 : i32
      %dma_start3A_63 = tpu.memref_slice %arg6[%dma_start3A_60, %dma_start3A_61, %dma_start3A_62] : memref<2x800x64xf32, #tpu.memory_space<vmem>> -> memref<1x800x64xf32, #tpu.memory_space<vmem>>
      %dma_start3A_64 = tpu.memref_squeeze %dma_start3A_63 : memref<1x800x64xf32, #tpu.memory_space<vmem>> -> memref<800x64xf32, #tpu.memory_space<vmem>>
      %dma_start3A_65 = tpu.memref_slice %arg5[%mul3A_59] : memref<6400xi32, #tpu.memory_space<vmem>> -> memref<800xi32, #tpu.memory_space<vmem>>
      %dma_start3A_66 = arith.constant 0 : i32
      %dma_start3A_67 = arith.constant 0 : i32
      %dma_start3A_68 = tpu.memref_slice %arg3[%dma_start3A_66, %dma_start3A_67] : memref<1000000x64xf32, #tpu.memory_space<hbm>> -> memref<1000000x64xf32, #tpu.memory_space<hbm>>
      tpu.enqueue_indirect_dma source(%dma_start3A_68 : memref<1000000x64xf32, #tpu.memory_space<hbm>>) target(%dma_start3A_64 : memref<800x64xf32, #tpu.memory_space<vmem>>) offsets(%dma_start3A_65 : memref<800xi32, #tpu.memory_space<vmem>>) semaphore(%arg7 : memref<!tpu.dma_semaphore, #tpu.memory_space<semaphore_mem>>)
      %dma_wait3A_69 = arith.constant 1 : i32
      %dma_wait3A_70 = arith.constant 0 : i32
      %dma_wait3A_71 = arith.constant 0 : i32
      %dma_wait3A_72 = tpu.memref_slice %arg6[%dma_wait3A_69, %dma_wait3A_70, %dma_wait3A_71] : memref<2x800x64xf32, #tpu.memory_space<vmem>> -> memref<1x800x64xf32, #tpu.memory_space<vmem>>
      %dma_wait3A_73 = tpu.memref_squeeze %dma_wait3A_72 : memref<1x800x64xf32, #tpu.memory_space<vmem>> -> memref<800x64xf32, #tpu.memory_space<vmem>>
      %dma_wait3A_74 = arith.constant 0 : i32
      %dma_wait3A_75 = tpu.memref_slice %arg5[%dma_wait3A_74] : memref<6400xi32, #tpu.memory_space<vmem>> -> memref<800xi32, #tpu.memory_space<vmem>>
      %dma_wait3A_76 = arith.constant 0 : i32
      %dma_wait3A_77 = arith.constant 0 : i32
      %dma_wait3A_78 = tpu.memref_slice %arg3[%dma_wait3A_76, %dma_wait3A_77] : memref<1000000x64xf32, #tpu.memory_space<hbm>> -> memref<1000000x64xf32, #tpu.memory_space<hbm>>
      tpu.wait_indirect_dma semaphore(%arg8 : memref<!tpu.dma_semaphore, #tpu.memory_space<semaphore_mem>>) src(%dma_wait3A_78 : memref<1000000x64xf32, #tpu.memory_space<hbm>>) dst(%dma_wait3A_73 : memref<800x64xf32, #tpu.memory_space<vmem>>)
      %add3A_79 = arith.constant 1 : i32
      %add3A_80 = arith.addi %mul3A_28, %add3A_79 : i32
      %mul3A_81 = arith.constant 800 : i32
      %mul3A_82 = arith.muli %add3A_80, %mul3A_81 : i32
      %add3A_83 = arith.addi %mul3A_2, %mul3A_82 : i32
      %run_scoped3A_84 = arith.constant 1 : i32
      "tpu.region"() ({
        %run_scoped3A_85 = tpu.sem_alloc : memref<!tpu.dma_semaphore, #tpu.memory_space<semaphore_mem>>
        %dma_start3A_86 = arith.constant 0 : i32
        %dma_start3A_87 = arith.constant 0 : i32
        %dma_start3A_88 = tpu.memref_slice %arg6[%run_scoped3A_84, %dma_start3A_86, %dma_start3A_87] : memref<2x800x64xf32, #tpu.memory_space<vmem>> -> memref<1x800x64xf32, #tpu.memory_space<vmem>>
        %dma_start3A_89 = tpu.memref_squeeze %dma_start3A_88 : memref<1x800x64xf32, #tpu.memory_space<vmem>> -> memref<800x64xf32, #tpu.memory_space<vmem>>
        %dma_start3A_90 = arith.constant 0 : i32
        %dma_start3A_91 = tpu.memref_slice %arg4[%add3A_83, %dma_start3A_90] : memref<204800x64xf32, #tpu.memory_space<hbm>> -> memref<800x64xf32, #tpu.memory_space<hbm>>
        %dma_start3A_92 = arith.constant 0 : i32
        %dma_start3A_93 = tpu.memref_slice %arg4[%add3A_83, %dma_start3A_92] : memref<204800x64xf32, #tpu.memory_space<hbm>> -> memref<800x64xf32, #tpu.memory_space<hbm>>
        %dma_start3A_94 = arith.constant 0 : i32
        %dma_start3A_95 = arith.constant 0 : i32
        %dma_start3A_96 = tpu.memref_slice %arg6[%run_scoped3A_84, %dma_start3A_94, %dma_start3A_95] : memref<2x800x64xf32, #tpu.memory_space<vmem>> -> memref<1x800x64xf32, #tpu.memory_space<vmem>>
        %dma_start3A_97 = tpu.memref_squeeze %dma_start3A_96 : memref<1x800x64xf32, #tpu.memory_space<vmem>> -> memref<800x64xf32, #tpu.memory_space<vmem>>
        tpu.enqueue_dma source(%dma_start3A_97 : memref<800x64xf32, #tpu.memory_space<vmem>>) target(%dma_start3A_93 : memref<800x64xf32, #tpu.memory_space<hbm>>) target_semaphore(%run_scoped3A_85 : memref<!tpu.dma_semaphore, #tpu.memory_space<semaphore_mem>>)
        %dma_wait3A_98 = arith.constant 0 : i32
        %dma_wait3A_99 = arith.constant 0 : i32
        %dma_wait3A_100 = tpu.memref_slice %arg6[%run_scoped3A_84, %dma_wait3A_98, %dma_wait3A_99] : memref<2x800x64xf32, #tpu.memory_space<vmem>> -> memref<1x800x64xf32, #tpu.memory_space<vmem>>
        %dma_wait3A_101 = tpu.memref_squeeze %dma_wait3A_100 : memref<1x800x64xf32, #tpu.memory_space<vmem>> -> memref<800x64xf32, #tpu.memory_space<vmem>>
        %dma_wait3A_102 = arith.constant 0 : i32
        %dma_wait3A_103 = tpu.memref_slice %arg4[%add3A_83, %dma_wait3A_102] : memref<204800x64xf32, #tpu.memory_space<hbm>> -> memref<800x64xf32, #tpu.memory_space<hbm>>
        %dma_wait3A_104 = arith.constant 0 : i32
        %dma_wait3A_105 = tpu.memref_slice %arg4[%add3A_83, %dma_wait3A_104] : memref<204800x64xf32, #tpu.memory_space<hbm>> -> memref<800x64xf32, #tpu.memory_space<hbm>>
        %dma_wait3A_106 = arith.constant 0 : i32
        %dma_wait3A_107 = arith.constant 0 : i32
        %dma_wait3A_108 = tpu.memref_slice %arg6[%run_scoped3A_84, %dma_wait3A_106, %dma_wait3A_107] : memref<2x800x64xf32, #tpu.memory_space<vmem>> -> memref<1x800x64xf32, #tpu.memory_space<vmem>>
        %dma_wait3A_109 = tpu.memref_squeeze %dma_wait3A_108 : memref<1x800x64xf32, #tpu.memory_space<vmem>> -> memref<800x64xf32, #tpu.memory_space<vmem>>
        tpu.wait_dma2 semaphore(%run_scoped3A_85 : memref<!tpu.dma_semaphore, #tpu.memory_space<semaphore_mem>>) src(%dma_wait3A_109 : memref<800x64xf32, #tpu.memory_space<vmem>>) dst(%dma_wait3A_105 : memref<800x64xf32, #tpu.memory_space<hbm>>)
        tpu.yield
      }) : () -> ()
    }
    %scan3A_16 = arith.constant 4 : i32
    %dma_wait3A = arith.constant 0 : i32
    %dma_wait3A_17 = arith.constant 0 : i32
    %dma_wait3A_18 = arith.constant 0 : i32
    %dma_wait3A_19 = tpu.memref_slice %arg6[%dma_wait3A, %dma_wait3A_17, %dma_wait3A_18] : memref<2x800x64xf32, #tpu.memory_space<vmem>> -> memref<1x800x64xf32, #tpu.memory_space<vmem>>
    %dma_wait3A_20 = tpu.memref_squeeze %dma_wait3A_19 : memref<1x800x64xf32, #tpu.memory_space<vmem>> -> memref<800x64xf32, #tpu.memory_space<vmem>>
    %dma_wait3A_21 = arith.constant 0 : i32
    %dma_wait3A_22 = tpu.memref_slice %arg5[%dma_wait3A_21] : memref<6400xi32, #tpu.memory_space<vmem>> -> memref<800xi32, #tpu.memory_space<vmem>>
    %dma_wait3A_23 = arith.constant 0 : i32
    %dma_wait3A_24 = arith.constant 0 : i32
    %dma_wait3A_25 = tpu.memref_slice %arg3[%dma_wait3A_23, %dma_wait3A_24] : memref<1000000x64xf32, #tpu.memory_space<hbm>> -> memref<1000000x64xf32, #tpu.memory_space<hbm>>
    tpu.wait_indirect_dma semaphore(%arg7 : memref<!tpu.dma_semaphore, #tpu.memory_space<semaphore_mem>>) src(%dma_wait3A_25 : memref<1000000x64xf32, #tpu.memory_space<hbm>>) dst(%dma_wait3A_20 : memref<800x64xf32, #tpu.memory_space<vmem>>)
    return
  }
}

#map = affine_map<(d0, d1) -> (0, 0)>
#map1 = affine_map<(d0, d1) -> (0)>
module attributes {stable_mosaic.version = 14 : i64} {
  func.func @_detile_idx(%arg0: i32, %arg1: i32, %arg2: memref<50x4096xi32, #tpu.memory_space<hbm>>, %arg3: memref<204800xi32, #tpu.memory_space<hbm>>, %arg4: memref<8x128xi32, #tpu.memory_space<vmem>>) attributes {dimension_semantics = [#tpu.dimension_semantics<core_parallel>, #tpu.dimension_semantics<subcore_parallel>], iteration_bounds = array<i64: 2, 16>, scalar_prefetch = 0 : i64, scratch_operands = 1 : i64, tpu.core_type = #tpu.core_type<sc_vector_subcore>, window_params = [{transform_indices = #map}, {transform_indices = #map1}]} {
    %mul3A = arith.constant 2 : i32
    %mul3A_0 = arith.muli %arg1, %mul3A : i32
    %add3A = arith.addi %mul3A_0, %arg0 : i32
    %mul3A_1 = arith.constant 128 : i32
    %mul3A_2 = arith.muli %add3A, %mul3A_1 : i32
    "tpu.region"() ({
      %run_scoped3A_152 = tpu.sem_alloc : memref<!tpu.dma_semaphore, #tpu.memory_space<semaphore_mem>>
      %dma_start3A = arith.constant 0 : i32
      %dma_start3A_153 = arith.constant 0 : i32
      %dma_start3A_154 = tpu.memref_slice %arg4[%dma_start3A, %dma_start3A_153] : memref<8x128xi32, #tpu.memory_space<vmem>> -> memref<8x128xi32, #tpu.memory_space<vmem>>
      %dma_start3A_155 = arith.constant 0 : i32
      %dma_start3A_156 = tpu.memref_slice %arg2[%dma_start3A_155, %mul3A_2] : memref<50x4096xi32, #tpu.memory_space<hbm>> -> memref<8x128xi32, #tpu.memory_space<hbm>>
      %dma_start3A_157 = arith.constant 0 : i32
      %dma_start3A_158 = arith.constant 0 : i32
      %dma_start3A_159 = tpu.memref_slice %arg4[%dma_start3A_157, %dma_start3A_158] : memref<8x128xi32, #tpu.memory_space<vmem>> -> memref<8x128xi32, #tpu.memory_space<vmem>>
      %dma_start3A_160 = arith.constant 0 : i32
      %dma_start3A_161 = tpu.memref_slice %arg2[%dma_start3A_160, %mul3A_2] : memref<50x4096xi32, #tpu.memory_space<hbm>> -> memref<8x128xi32, #tpu.memory_space<hbm>>
      tpu.enqueue_dma source(%dma_start3A_161 : memref<8x128xi32, #tpu.memory_space<hbm>>) target(%dma_start3A_159 : memref<8x128xi32, #tpu.memory_space<vmem>>) target_semaphore(%run_scoped3A_152 : memref<!tpu.dma_semaphore, #tpu.memory_space<semaphore_mem>>)
      %dma_wait3A = arith.constant 0 : i32
      %dma_wait3A_162 = arith.constant 0 : i32
      %dma_wait3A_163 = tpu.memref_slice %arg4[%dma_wait3A, %dma_wait3A_162] : memref<8x128xi32, #tpu.memory_space<vmem>> -> memref<8x128xi32, #tpu.memory_space<vmem>>
      %dma_wait3A_164 = arith.constant 0 : i32
      %dma_wait3A_165 = tpu.memref_slice %arg2[%dma_wait3A_164, %mul3A_2] : memref<50x4096xi32, #tpu.memory_space<hbm>> -> memref<8x128xi32, #tpu.memory_space<hbm>>
      %dma_wait3A_166 = arith.constant 0 : i32
      %dma_wait3A_167 = arith.constant 0 : i32
      %dma_wait3A_168 = tpu.memref_slice %arg4[%dma_wait3A_166, %dma_wait3A_167] : memref<8x128xi32, #tpu.memory_space<vmem>> -> memref<8x128xi32, #tpu.memory_space<vmem>>
      %dma_wait3A_169 = arith.constant 0 : i32
      %dma_wait3A_170 = tpu.memref_slice %arg2[%dma_wait3A_169, %mul3A_2] : memref<50x4096xi32, #tpu.memory_space<hbm>> -> memref<8x128xi32, #tpu.memory_space<hbm>>
      tpu.wait_dma2 semaphore(%run_scoped3A_152 : memref<!tpu.dma_semaphore, #tpu.memory_space<semaphore_mem>>) src(%dma_wait3A_170 : memref<8x128xi32, #tpu.memory_space<hbm>>) dst(%dma_wait3A_168 : memref<8x128xi32, #tpu.memory_space<vmem>>)
      tpu.yield
    }) : () -> ()
    %add3A_3 = arith.constant 0 : i32
    %add3A_4 = arith.addi %add3A_3, %mul3A_2 : i32
    %run_scoped3A = arith.constant 0 : i32
    "tpu.region"() ({
      %run_scoped3A_152 = tpu.sem_alloc : memref<!tpu.dma_semaphore, #tpu.memory_space<semaphore_mem>>
      %dma_start3A = arith.constant 0 : i32
      %dma_start3A_153 = tpu.memref_slice %arg4[%run_scoped3A, %dma_start3A] : memref<8x128xi32, #tpu.memory_space<vmem>> -> memref<1x128xi32, #tpu.memory_space<vmem>>
      %dma_start3A_154 = tpu.memref_squeeze %dma_start3A_153 : memref<1x128xi32, #tpu.memory_space<vmem>> -> memref<128xi32, #tpu.memory_space<vmem>>
      %dma_start3A_155 = tpu.memref_slice %arg3[%add3A_4] : memref<204800xi32, #tpu.memory_space<hbm>> -> memref<128xi32, #tpu.memory_space<hbm>>
      %dma_start3A_156 = tpu.memref_slice %arg3[%add3A_4] : memref<204800xi32, #tpu.memory_space<hbm>> -> memref<128xi32, #tpu.memory_space<hbm>>
      %dma_start3A_157 = arith.constant 0 : i32
      %dma_start3A_158 = tpu.memref_slice %arg4[%run_scoped3A, %dma_start3A_157] : memref<8x128xi32, #tpu.memory_space<vmem>> -> memref<1x128xi32, #tpu.memory_space<vmem>>
      %dma_start3A_159 = tpu.memref_squeeze %dma_start3A_158 : memref<1x128xi32, #tpu.memory_space<vmem>> -> memref<128xi32, #tpu.memory_space<vmem>>
      tpu.enqueue_dma source(%dma_start3A_159 : memref<128xi32, #tpu.memory_space<vmem>>) target(%dma_start3A_156 : memref<128xi32, #tpu.memory_space<hbm>>) target_semaphore(%run_scoped3A_152 : memref<!tpu.dma_semaphore, #tpu.memory_space<semaphore_mem>>)
      %dma_wait3A = arith.constant 0 : i32
      %dma_wait3A_160 = tpu.memref_slice %arg4[%run_scoped3A, %dma_wait3A] : memref<8x128xi32, #tpu.memory_space<vmem>> -> memref<1x128xi32, #tpu.memory_space<vmem>>
      %dma_wait3A_161 = tpu.memref_squeeze %dma_wait3A_160 : memref<1x128xi32, #tpu.memory_space<vmem>> -> memref<128xi32, #tpu.memory_space<vmem>>
      %dma_wait3A_162 = tpu.memref_slice %arg3[%add3A_4] : memref<204800xi32, #tpu.memory_space<hbm>> -> memref<128xi32, #tpu.memory_space<hbm>>
      %dma_wait3A_163 = tpu.memref_slice %arg3[%add3A_4] : memref<204800xi32, #tpu.memory_space<hbm>> -> memref<128xi32, #tpu.memory_space<hbm>>
      %dma_wait3A_164 = arith.constant 0 : i32
      %dma_wait3A_165 = tpu.memref_slice %arg4[%run_scoped3A, %dma_wait3A_164] : memref<8x128xi32, #tpu.memory_space<vmem>> -> memref<1x128xi32, #tpu.memory_space<vmem>>
      %dma_wait3A_166 = tpu.memref_squeeze %dma_wait3A_165 : memref<1x128xi32, #tpu.memory_space<vmem>> -> memref<128xi32, #tpu.memory_space<vmem>>
      tpu.wait_dma2 semaphore(%run_scoped3A_152 : memref<!tpu.dma_semaphore, #tpu.memory_space<semaphore_mem>>) src(%dma_wait3A_166 : memref<128xi32, #tpu.memory_space<vmem>>) dst(%dma_wait3A_163 : memref<128xi32, #tpu.memory_space<hbm>>)
      tpu.yield
    }) : () -> ()
    %add3A_5 = arith.constant 4096 : i32
    %add3A_6 = arith.addi %add3A_5, %mul3A_2 : i32
    %run_scoped3A_7 = arith.constant 1 : i32
    "tpu.region"() ({
      %run_scoped3A_152 = tpu.sem_alloc : memref<!tpu.dma_semaphore, #tpu.memory_space<semaphore_mem>>
      %dma_start3A = arith.constant 0 : i32
      %dma_start3A_153 = tpu.memref_slice %arg4[%run_scoped3A_7, %dma_start3A] : memref<8x128xi32, #tpu.memory_space<vmem>> -> memref<1x128xi32, #tpu.memory_space<vmem>>
      %dma_start3A_154 = tpu.memref_squeeze %dma_start3A_153 : memref<1x128xi32, #tpu.memory_space<vmem>> -> memref<128xi32, #tpu.memory_space<vmem>>
      %dma_start3A_155 = tpu.memref_slice %arg3[%add3A_6] : memref<204800xi32, #tpu.memory_space<hbm>> -> memref<128xi32, #tpu.memory_space<hbm>>
      %dma_start3A_156 = tpu.memref_slice %arg3[%add3A_6] : memref<204800xi32, #tpu.memory_space<hbm>> -> memref<128xi32, #tpu.memory_space<hbm>>
      %dma_start3A_157 = arith.constant 0 : i32
      %dma_start3A_158 = tpu.memref_slice %arg4[%run_scoped3A_7, %dma_start3A_157] : memref<8x128xi32, #tpu.memory_space<vmem>> -> memref<1x128xi32, #tpu.memory_space<vmem>>
      %dma_start3A_159 = tpu.memref_squeeze %dma_start3A_158 : memref<1x128xi32, #tpu.memory_space<vmem>> -> memref<128xi32, #tpu.memory_space<vmem>>
      tpu.enqueue_dma source(%dma_start3A_159 : memref<128xi32, #tpu.memory_space<vmem>>) target(%dma_start3A_156 : memref<128xi32, #tpu.memory_space<hbm>>) target_semaphore(%run_scoped3A_152 : memref<!tpu.dma_semaphore, #tpu.memory_space<semaphore_mem>>)
      %dma_wait3A = arith.constant 0 : i32
      %dma_wait3A_160 = tpu.memref_slice %arg4[%run_scoped3A_7, %dma_wait3A] : memref<8x128xi32, #tpu.memory_space<vmem>> -> memref<1x128xi32, #tpu.memory_space<vmem>>
      %dma_wait3A_161 = tpu.memref_squeeze %dma_wait3A_160 : memref<1x128xi32, #tpu.memory_space<vmem>> -> memref<128xi32, #tpu.memory_space<vmem>>
      %dma_wait3A_162 = tpu.memref_slice %arg3[%add3A_6] : memref<204800xi32, #tpu.memory_space<hbm>> -> memref<128xi32, #tpu.memory_space<hbm>>
      %dma_wait3A_163 = tpu.memref_slice %arg3[%add3A_6] : memref<204800xi32, #tpu.memory_space<hbm>> -> memref<128xi32, #tpu.memory_space<hbm>>
      %dma_wait3A_164 = arith.constant 0 : i32
      %dma_wait3A_165 = tpu.memref_slice %arg4[%run_scoped3A_7, %dma_wait3A_164] : memref<8x128xi32, #tpu.memory_space<vmem>> -> memref<1x128xi32, #tpu.memory_space<vmem>>
      %dma_wait3A_166 = tpu.memref_squeeze %dma_wait3A_165 : memref<1x128xi32, #tpu.memory_space<vmem>> -> memref<128xi32, #tpu.memory_space<vmem>>
      tpu.wait_dma2 semaphore(%run_scoped3A_152 : memref<!tpu.dma_semaphore, #tpu.memory_space<semaphore_mem>>) src(%dma_wait3A_166 : memref<128xi32, #tpu.memory_space<vmem>>) dst(%dma_wait3A_163 : memref<128xi32, #tpu.memory_space<hbm>>)
      tpu.yield
    }) : () -> ()
    %add3A_8 = arith.constant 8192 : i32
    %add3A_9 = arith.addi %add3A_8, %mul3A_2 : i32
    %run_scoped3A_10 = arith.constant 2 : i32
    "tpu.region"() ({
      %run_scoped3A_152 = tpu.sem_alloc : memref<!tpu.dma_semaphore, #tpu.memory_space<semaphore_mem>>
      %dma_start3A = arith.constant 0 : i32
      %dma_start3A_153 = tpu.memref_slice %arg4[%run_scoped3A_10, %dma_start3A] : memref<8x128xi32, #tpu.memory_space<vmem>> -> memref<1x128xi32, #tpu.memory_space<vmem>>
      %dma_start3A_154 = tpu.memref_squeeze %dma_start3A_153 : memref<1x128xi32, #tpu.memory_space<vmem>> -> memref<128xi32, #tpu.memory_space<vmem>>
      %dma_start3A_155 = tpu.memref_slice %arg3[%add3A_9] : memref<204800xi32, #tpu.memory_space<hbm>> -> memref<128xi32, #tpu.memory_space<hbm>>
      %dma_start3A_156 = tpu.memref_slice %arg3[%add3A_9] : memref<204800xi32, #tpu.memory_space<hbm>> -> memref<128xi32, #tpu.memory_space<hbm>>
      %dma_start3A_157 = arith.constant 0 : i32
      %dma_start3A_158 = tpu.memref_slice %arg4[%run_scoped3A_10, %dma_start3A_157] : memref<8x128xi32, #tpu.memory_space<vmem>> -> memref<1x128xi32, #tpu.memory_space<vmem>>
      %dma_start3A_159 = tpu.memref_squeeze %dma_start3A_158 : memref<1x128xi32, #tpu.memory_space<vmem>> -> memref<128xi32, #tpu.memory_space<vmem>>
      tpu.enqueue_dma source(%dma_start3A_159 : memref<128xi32, #tpu.memory_space<vmem>>) target(%dma_start3A_156 : memref<128xi32, #tpu.memory_space<hbm>>) target_semaphore(%run_scoped3A_152 : memref<!tpu.dma_semaphore, #tpu.memory_space<semaphore_mem>>)
      %dma_wait3A = arith.constant 0 : i32
      %dma_wait3A_160 = tpu.memref_slice %arg4[%run_scoped3A_10, %dma_wait3A] : memref<8x128xi32, #tpu.memory_space<vmem>> -> memref<1x128xi32, #tpu.memory_space<vmem>>
      %dma_wait3A_161 = tpu.memref_squeeze %dma_wait3A_160 : memref<1x128xi32, #tpu.memory_space<vmem>> -> memref<128xi32, #tpu.memory_space<vmem>>
      %dma_wait3A_162 = tpu.memref_slice %arg3[%add3A_9] : memref<204800xi32, #tpu.memory_space<hbm>> -> memref<128xi32, #tpu.memory_space<hbm>>
      %dma_wait3A_163 = tpu.memref_slice %arg3[%add3A_9] : memref<204800xi32, #tpu.memory_space<hbm>> -> memref<128xi32, #tpu.memory_space<hbm>>
      %dma_wait3A_164 = arith.constant 0 : i32
      %dma_wait3A_165 = tpu.memref_slice %arg4[%run_scoped3A_10, %dma_wait3A_164] : memref<8x128xi32, #tpu.memory_space<vmem>> -> memref<1x128xi32, #tpu.memory_space<vmem>>
      %dma_wait3A_166 = tpu.memref_squeeze %dma_wait3A_165 : memref<1x128xi32, #tpu.memory_space<vmem>> -> memref<128xi32, #tpu.memory_space<vmem>>
      tpu.wait_dma2 semaphore(%run_scoped3A_152 : memref<!tpu.dma_semaphore, #tpu.memory_space<semaphore_mem>>) src(%dma_wait3A_166 : memref<128xi32, #tpu.memory_space<vmem>>) dst(%dma_wait3A_163 : memref<128xi32, #tpu.memory_space<hbm>>)
      tpu.yield
    }) : () -> ()
    %add3A_11 = arith.constant 12288 : i32
    %add3A_12 = arith.addi %add3A_11, %mul3A_2 : i32
    %run_scoped3A_13 = arith.constant 3 : i32
    "tpu.region"() ({
      %run_scoped3A_152 = tpu.sem_alloc : memref<!tpu.dma_semaphore, #tpu.memory_space<semaphore_mem>>
      %dma_start3A = arith.constant 0 : i32
      %dma_start3A_153 = tpu.memref_slice %arg4[%run_scoped3A_13, %dma_start3A] : memref<8x128xi32, #tpu.memory_space<vmem>> -> memref<1x128xi32, #tpu.memory_space<vmem>>
      %dma_start3A_154 = tpu.memref_squeeze %dma_start3A_153 : memref<1x128xi32, #tpu.memory_space<vmem>> -> memref<128xi32, #tpu.memory_space<vmem>>
      %dma_start3A_155 = tpu.memref_slice %arg3[%add3A_12] : memref<204800xi32, #tpu.memory_space<hbm>> -> memref<128xi32, #tpu.memory_space<hbm>>
      %dma_start3A_156 = tpu.memref_slice %arg3[%add3A_12] : memref<204800xi32, #tpu.memory_space<hbm>> -> memref<128xi32, #tpu.memory_space<hbm>>
      %dma_start3A_157 = arith.constant 0 : i32
      %dma_start3A_158 = tpu.memref_slice %arg4[%run_scoped3A_13, %dma_start3A_157] : memref<8x128xi32, #tpu.memory_space<vmem>> -> memref<1x128xi32, #tpu.memory_space<vmem>>
      %dma_start3A_159 = tpu.memref_squeeze %dma_start3A_158 : memref<1x128xi32, #tpu.memory_space<vmem>> -> memref<128xi32, #tpu.memory_space<vmem>>
      tpu.enqueue_dma source(%dma_start3A_159 : memref<128xi32, #tpu.memory_space<vmem>>) target(%dma_start3A_156 : memref<128xi32, #tpu.memory_space<hbm>>) target_semaphore(%run_scoped3A_152 : memref<!tpu.dma_semaphore, #tpu.memory_space<semaphore_mem>>)
      %dma_wait3A = arith.constant 0 : i32
      %dma_wait3A_160 = tpu.memref_slice %arg4[%run_scoped3A_13, %dma_wait3A] : memref<8x128xi32, #tpu.memory_space<vmem>> -> memref<1x128xi32, #tpu.memory_space<vmem>>
      %dma_wait3A_161 = tpu.memref_squeeze %dma_wait3A_160 : memref<1x128xi32, #tpu.memory_space<vmem>> -> memref<128xi32, #tpu.memory_space<vmem>>
      %dma_wait3A_162 = tpu.memref_slice %arg3[%add3A_12] : memref<204800xi32, #tpu.memory_space<hbm>> -> memref<128xi32, #tpu.memory_space<hbm>>
      %dma_wait3A_163 = tpu.memref_slice %arg3[%add3A_12] : memref<204800xi32, #tpu.memory_space<hbm>> -> memref<128xi32, #tpu.memory_space<hbm>>
      %dma_wait3A_164 = arith.constant 0 : i32
      %dma_wait3A_165 = tpu.memref_slice %arg4[%run_scoped3A_13, %dma_wait3A_164] : memref<8x128xi32, #tpu.memory_space<vmem>> -> memref<1x128xi32, #tpu.memory_space<vmem>>
      %dma_wait3A_166 = tpu.memref_squeeze %dma_wait3A_165 : memref<1x128xi32, #tpu.memory_space<vmem>> -> memref<128xi32, #tpu.memory_space<vmem>>
      tpu.wait_dma2 semaphore(%run_scoped3A_152 : memref<!tpu.dma_semaphore, #tpu.memory_space<semaphore_mem>>) src(%dma_wait3A_166 : memref<128xi32, #tpu.memory_space<vmem>>) dst(%dma_wait3A_163 : memref<128xi32, #tpu.memory_space<hbm>>)
      tpu.yield
    }) : () -> ()
    %add3A_14 = arith.constant 16384 : i32
    %add3A_15 = arith.addi %add3A_14, %mul3A_2 : i32
    %run_scoped3A_16 = arith.constant 4 : i32
    "tpu.region"() ({
      %run_scoped3A_152 = tpu.sem_alloc : memref<!tpu.dma_semaphore, #tpu.memory_space<semaphore_mem>>
      %dma_start3A = arith.constant 0 : i32
      %dma_start3A_153 = tpu.memref_slice %arg4[%run_scoped3A_16, %dma_start3A] : memref<8x128xi32, #tpu.memory_space<vmem>> -> memref<1x128xi32, #tpu.memory_space<vmem>>
      %dma_start3A_154 = tpu.memref_squeeze %dma_start3A_153 : memref<1x128xi32, #tpu.memory_space<vmem>> -> memref<128xi32, #tpu.memory_space<vmem>>
      %dma_start3A_155 = tpu.memref_slice %arg3[%add3A_15] : memref<204800xi32, #tpu.memory_space<hbm>> -> memref<128xi32, #tpu.memory_space<hbm>>
      %dma_start3A_156 = tpu.memref_slice %arg3[%add3A_15] : memref<204800xi32, #tpu.memory_space<hbm>> -> memref<128xi32, #tpu.memory_space<hbm>>
      %dma_start3A_157 = arith.constant 0 : i32
      %dma_start3A_158 = tpu.memref_slice %arg4[%run_scoped3A_16, %dma_start3A_157] : memref<8x128xi32, #tpu.memory_space<vmem>> -> memref<1x128xi32, #tpu.memory_space<vmem>>
      %dma_start3A_159 = tpu.memref_squeeze %dma_start3A_158 : memref<1x128xi32, #tpu.memory_space<vmem>> -> memref<128xi32, #tpu.memory_space<vmem>>
      tpu.enqueue_dma source(%dma_start3A_159 : memref<128xi32, #tpu.memory_space<vmem>>) target(%dma_start3A_156 : memref<128xi32, #tpu.memory_space<hbm>>) target_semaphore(%run_scoped3A_152 : memref<!tpu.dma_semaphore, #tpu.memory_space<semaphore_mem>>)
      %dma_wait3A = arith.constant 0 : i32
      %dma_wait3A_160 = tpu.memref_slice %arg4[%run_scoped3A_16, %dma_wait3A] : memref<8x128xi32, #tpu.memory_space<vmem>> -> memref<1x128xi32, #tpu.memory_space<vmem>>
      %dma_wait3A_161 = tpu.memref_squeeze %dma_wait3A_160 : memref<1x128xi32, #tpu.memory_space<vmem>> -> memref<128xi32, #tpu.memory_space<vmem>>
      %dma_wait3A_162 = tpu.memref_slice %arg3[%add3A_15] : memref<204800xi32, #tpu.memory_space<hbm>> -> memref<128xi32, #tpu.memory_space<hbm>>
      %dma_wait3A_163 = tpu.memref_slice %arg3[%add3A_15] : memref<204800xi32, #tpu.memory_space<hbm>> -> memref<128xi32, #tpu.memory_space<hbm>>
      %dma_wait3A_164 = arith.constant 0 : i32
      %dma_wait3A_165 = tpu.memref_slice %arg4[%run_scoped3A_16, %dma_wait3A_164] : memref<8x128xi32, #tpu.memory_space<vmem>> -> memref<1x128xi32, #tpu.memory_space<vmem>>
      %dma_wait3A_166 = tpu.memref_squeeze %dma_wait3A_165 : memref<1x128xi32, #tpu.memory_space<vmem>> -> memref<128xi32, #tpu.memory_space<vmem>>
      tpu.wait_dma2 semaphore(%run_scoped3A_152 : memref<!tpu.dma_semaphore, #tpu.memory_space<semaphore_mem>>) src(%dma_wait3A_166 : memref<128xi32, #tpu.memory_space<vmem>>) dst(%dma_wait3A_163 : memref<128xi32, #tpu.memory_space<hbm>>)
      tpu.yield
    }) : () -> ()
    %add3A_17 = arith.constant 20480 : i32
    %add3A_18 = arith.addi %add3A_17, %mul3A_2 : i32
    %run_scoped3A_19 = arith.constant 5 : i32
    "tpu.region"() ({
      %run_scoped3A_152 = tpu.sem_alloc : memref<!tpu.dma_semaphore, #tpu.memory_space<semaphore_mem>>
      %dma_start3A = arith.constant 0 : i32
      %dma_start3A_153 = tpu.memref_slice %arg4[%run_scoped3A_19, %dma_start3A] : memref<8x128xi32, #tpu.memory_space<vmem>> -> memref<1x128xi32, #tpu.memory_space<vmem>>
      %dma_start3A_154 = tpu.memref_squeeze %dma_start3A_153 : memref<1x128xi32, #tpu.memory_space<vmem>> -> memref<128xi32, #tpu.memory_space<vmem>>
      %dma_start3A_155 = tpu.memref_slice %arg3[%add3A_18] : memref<204800xi32, #tpu.memory_space<hbm>> -> memref<128xi32, #tpu.memory_space<hbm>>
      %dma_start3A_156 = tpu.memref_slice %arg3[%add3A_18] : memref<204800xi32, #tpu.memory_space<hbm>> -> memref<128xi32, #tpu.memory_space<hbm>>
      %dma_start3A_157 = arith.constant 0 : i32
      %dma_start3A_158 = tpu.memref_slice %arg4[%run_scoped3A_19, %dma_start3A_157] : memref<8x128xi32, #tpu.memory_space<vmem>> -> memref<1x128xi32, #tpu.memory_space<vmem>>
      %dma_start3A_159 = tpu.memref_squeeze %dma_start3A_158 : memref<1x128xi32, #tpu.memory_space<vmem>> -> memref<128xi32, #tpu.memory_space<vmem>>
      tpu.enqueue_dma source(%dma_start3A_159 : memref<128xi32, #tpu.memory_space<vmem>>) target(%dma_start3A_156 : memref<128xi32, #tpu.memory_space<hbm>>) target_semaphore(%run_scoped3A_152 : memref<!tpu.dma_semaphore, #tpu.memory_space<semaphore_mem>>)
      %dma_wait3A = arith.constant 0 : i32
      %dma_wait3A_160 = tpu.memref_slice %arg4[%run_scoped3A_19, %dma_wait3A] : memref<8x128xi32, #tpu.memory_space<vmem>> -> memref<1x128xi32, #tpu.memory_space<vmem>>
      %dma_wait3A_161 = tpu.memref_squeeze %dma_wait3A_160 : memref<1x128xi32, #tpu.memory_space<vmem>> -> memref<128xi32, #tpu.memory_space<vmem>>
      %dma_wait3A_162 = tpu.memref_slice %arg3[%add3A_18] : memref<204800xi32, #tpu.memory_space<hbm>> -> memref<128xi32, #tpu.memory_space<hbm>>
      %dma_wait3A_163 = tpu.memref_slice %arg3[%add3A_18] : memref<204800xi32, #tpu.memory_space<hbm>> -> memref<128xi32, #tpu.memory_space<hbm>>
      %dma_wait3A_164 = arith.constant 0 : i32
      %dma_wait3A_165 = tpu.memref_slice %arg4[%run_scoped3A_19, %dma_wait3A_164] : memref<8x128xi32, #tpu.memory_space<vmem>> -> memref<1x128xi32, #tpu.memory_space<vmem>>
      %dma_wait3A_166 = tpu.memref_squeeze %dma_wait3A_165 : memref<1x128xi32, #tpu.memory_space<vmem>> -> memref<128xi32, #tpu.memory_space<vmem>>
      tpu.wait_dma2 semaphore(%run_scoped3A_152 : memref<!tpu.dma_semaphore, #tpu.memory_space<semaphore_mem>>) src(%dma_wait3A_166 : memref<128xi32, #tpu.memory_space<vmem>>) dst(%dma_wait3A_163 : memref<128xi32, #tpu.memory_space<hbm>>)
      tpu.yield
    }) : () -> ()
    %add3A_20 = arith.constant 24576 : i32
    %add3A_21 = arith.addi %add3A_20, %mul3A_2 : i32
    %run_scoped3A_22 = arith.constant 6 : i32
    "tpu.region"() ({
      %run_scoped3A_152 = tpu.sem_alloc : memref<!tpu.dma_semaphore, #tpu.memory_space<semaphore_mem>>
      %dma_start3A = arith.constant 0 : i32
      %dma_start3A_153 = tpu.memref_slice %arg4[%run_scoped3A_22, %dma_start3A] : memref<8x128xi32, #tpu.memory_space<vmem>> -> memref<1x128xi32, #tpu.memory_space<vmem>>
      %dma_start3A_154 = tpu.memref_squeeze %dma_start3A_153 : memref<1x128xi32, #tpu.memory_space<vmem>> -> memref<128xi32, #tpu.memory_space<vmem>>
      %dma_start3A_155 = tpu.memref_slice %arg3[%add3A_21] : memref<204800xi32, #tpu.memory_space<hbm>> -> memref<128xi32, #tpu.memory_space<hbm>>
      %dma_start3A_156 = tpu.memref_slice %arg3[%add3A_21] : memref<204800xi32, #tpu.memory_space<hbm>> -> memref<128xi32, #tpu.memory_space<hbm>>
      %dma_start3A_157 = arith.constant 0 : i32
      %dma_start3A_158 = tpu.memref_slice %arg4[%run_scoped3A_22, %dma_start3A_157] : memref<8x128xi32, #tpu.memory_space<vmem>> -> memref<1x128xi32, #tpu.memory_space<vmem>>
      %dma_start3A_159 = tpu.memref_squeeze %dma_start3A_158 : memref<1x128xi32, #tpu.memory_space<vmem>> -> memref<128xi32, #tpu.memory_space<vmem>>
      tpu.enqueue_dma source(%dma_start3A_159 : memref<128xi32, #tpu.memory_space<vmem>>) target(%dma_start3A_156 : memref<128xi32, #tpu.memory_space<hbm>>) target_semaphore(%run_scoped3A_152 : memref<!tpu.dma_semaphore, #tpu.memory_space<semaphore_mem>>)
      %dma_wait3A = arith.constant 0 : i32
      %dma_wait3A_160 = tpu.memref_slice %arg4[%run_scoped3A_22, %dma_wait3A] : memref<8x128xi32, #tpu.memory_space<vmem>> -> memref<1x128xi32, #tpu.memory_space<vmem>>
      %dma_wait3A_161 = tpu.memref_squeeze %dma_wait3A_160 : memref<1x128xi32, #tpu.memory_space<vmem>> -> memref<128xi32, #tpu.memory_space<vmem>>
      %dma_wait3A_162 = tpu.memref_slice %arg3[%add3A_21] : memref<204800xi32, #tpu.memory_space<hbm>> -> memref<128xi32, #tpu.memory_space<hbm>>
      %dma_wait3A_163 = tpu.memref_slice %arg3[%add3A_21] : memref<204800xi32, #tpu.memory_space<hbm>> -> memref<128xi32, #tpu.memory_space<hbm>>
      %dma_wait3A_164 = arith.constant 0 : i32
      %dma_wait3A_165 = tpu.memref_slice %arg4[%run_scoped3A_22, %dma_wait3A_164] : memref<8x128xi32, #tpu.memory_space<vmem>> -> memref<1x128xi32, #tpu.memory_space<vmem>>
      %dma_wait3A_166 = tpu.memref_squeeze %dma_wait3A_165 : memref<1x128xi32, #tpu.memory_space<vmem>> -> memref<128xi32, #tpu.memory_space<vmem>>
      tpu.wait_dma2 semaphore(%run_scoped3A_152 : memref<!tpu.dma_semaphore, #tpu.memory_space<semaphore_mem>>) src(%dma_wait3A_166 : memref<128xi32, #tpu.memory_space<vmem>>) dst(%dma_wait3A_163 : memref<128xi32, #tpu.memory_space<hbm>>)
      tpu.yield
    }) : () -> ()
    %add3A_23 = arith.constant 28672 : i32
    %add3A_24 = arith.addi %add3A_23, %mul3A_2 : i32
    %run_scoped3A_25 = arith.constant 7 : i32
    "tpu.region"() ({
      %run_scoped3A_152 = tpu.sem_alloc : memref<!tpu.dma_semaphore, #tpu.memory_space<semaphore_mem>>
      %dma_start3A = arith.constant 0 : i32
      %dma_start3A_153 = tpu.memref_slice %arg4[%run_scoped3A_25, %dma_start3A] : memref<8x128xi32, #tpu.memory_space<vmem>> -> memref<1x128xi32, #tpu.memory_space<vmem>>
      %dma_start3A_154 = tpu.memref_squeeze %dma_start3A_153 : memref<1x128xi32, #tpu.memory_space<vmem>> -> memref<128xi32, #tpu.memory_space<vmem>>
      %dma_start3A_155 = tpu.memref_slice %arg3[%add3A_24] : memref<204800xi32, #tpu.memory_space<hbm>> -> memref<128xi32, #tpu.memory_space<hbm>>
      %dma_start3A_156 = tpu.memref_slice %arg3[%add3A_24] : memref<204800xi32, #tpu.memory_space<hbm>> -> memref<128xi32, #tpu.memory_space<hbm>>
      %dma_start3A_157 = arith.constant 0 : i32
      %dma_start3A_158 = tpu.memref_slice %arg4[%run_scoped3A_25, %dma_start3A_157] : memref<8x128xi32, #tpu.memory_space<vmem>> -> memref<1x128xi32, #tpu.memory_space<vmem>>
      %dma_start3A_159 = tpu.memref_squeeze %dma_start3A_158 : memref<1x128xi32, #tpu.memory_space<vmem>> -> memref<128xi32, #tpu.memory_space<vmem>>
      tpu.enqueue_dma source(%dma_start3A_159 : memref<128xi32, #tpu.memory_space<vmem>>) target(%dma_start3A_156 : memref<128xi32, #tpu.memory_space<hbm>>) target_semaphore(%run_scoped3A_152 : memref<!tpu.dma_semaphore, #tpu.memory_space<semaphore_mem>>)
      %dma_wait3A = arith.constant 0 : i32
      %dma_wait3A_160 = tpu.memref_slice %arg4[%run_scoped3A_25, %dma_wait3A] : memref<8x128xi32, #tpu.memory_space<vmem>> -> memref<1x128xi32, #tpu.memory_space<vmem>>
      %dma_wait3A_161 = tpu.memref_squeeze %dma_wait3A_160 : memref<1x128xi32, #tpu.memory_space<vmem>> -> memref<128xi32, #tpu.memory_space<vmem>>
      %dma_wait3A_162 = tpu.memref_slice %arg3[%add3A_24] : memref<204800xi32, #tpu.memory_space<hbm>> -> memref<128xi32, #tpu.memory_space<hbm>>
      %dma_wait3A_163 = tpu.memref_slice %arg3[%add3A_24] : memref<204800xi32, #tpu.memory_space<hbm>> -> memref<128xi32, #tpu.memory_space<hbm>>
      %dma_wait3A_164 = arith.constant 0 : i32
      %dma_wait3A_165 = tpu.memref_slice %arg4[%run_scoped3A_25, %dma_wait3A_164] : memref<8x128xi32, #tpu.memory_space<vmem>> -> memref<1x128xi32, #tpu.memory_space<vmem>>
      %dma_wait3A_166 = tpu.memref_squeeze %dma_wait3A_165 : memref<1x128xi32, #tpu.memory_space<vmem>> -> memref<128xi32, #tpu.memory_space<vmem>>
      tpu.wait_dma2 semaphore(%run_scoped3A_152 : memref<!tpu.dma_semaphore, #tpu.memory_space<semaphore_mem>>) src(%dma_wait3A_166 : memref<128xi32, #tpu.memory_space<vmem>>) dst(%dma_wait3A_163 : memref<128xi32, #tpu.memory_space<hbm>>)
      tpu.yield
    }) : () -> ()
    "tpu.region"() ({
      %run_scoped3A_152 = tpu.sem_alloc : memref<!tpu.dma_semaphore, #tpu.memory_space<semaphore_mem>>
      %dma_start3A = arith.constant 0 : i32
      %dma_start3A_153 = arith.constant 0 : i32
      %dma_start3A_154 = tpu.memref_slice %arg4[%dma_start3A, %dma_start3A_153] : memref<8x128xi32, #tpu.memory_space<vmem>> -> memref<8x128xi32, #tpu.memory_space<vmem>>
      %dma_start3A_155 = arith.constant 8 : i32
      %dma_start3A_156 = tpu.memref_slice %arg2[%dma_start3A_155, %mul3A_2] : memref<50x4096xi32, #tpu.memory_space<hbm>> -> memref<8x128xi32, #tpu.memory_space<hbm>>
      %dma_start3A_157 = arith.constant 0 : i32
      %dma_start3A_158 = arith.constant 0 : i32
      %dma_start3A_159 = tpu.memref_slice %arg4[%dma_start3A_157, %dma_start3A_158] : memref<8x128xi32, #tpu.memory_space<vmem>> -> memref<8x128xi32, #tpu.memory_space<vmem>>
      %dma_start3A_160 = arith.constant 8 : i32
      %dma_start3A_161 = tpu.memref_slice %arg2[%dma_start3A_160, %mul3A_2] : memref<50x4096xi32, #tpu.memory_space<hbm>> -> memref<8x128xi32, #tpu.memory_space<hbm>>
      tpu.enqueue_dma source(%dma_start3A_161 : memref<8x128xi32, #tpu.memory_space<hbm>>) target(%dma_start3A_159 : memref<8x128xi32, #tpu.memory_space<vmem>>) target_semaphore(%run_scoped3A_152 : memref<!tpu.dma_semaphore, #tpu.memory_space<semaphore_mem>>)
      %dma_wait3A = arith.constant 0 : i32
      %dma_wait3A_162 = arith.constant 0 : i32
      %dma_wait3A_163 = tpu.memref_slice %arg4[%dma_wait3A, %dma_wait3A_162] : memref<8x128xi32, #tpu.memory_space<vmem>> -> memref<8x128xi32, #tpu.memory_space<vmem>>
      %dma_wait3A_164 = arith.constant 8 : i32
      %dma_wait3A_165 = tpu.memref_slice %arg2[%dma_wait3A_164, %mul3A_2] : memref<50x4096xi32, #tpu.memory_space<hbm>> -> memref<8x128xi32, #tpu.memory_space<hbm>>
      %dma_wait3A_166 = arith.constant 0 : i32
      %dma_wait3A_167 = arith.constant 0 : i32
      %dma_wait3A_168 = tpu.memref_slice %arg4[%dma_wait3A_166, %dma_wait3A_167] : memref<8x128xi32, #tpu.memory_space<vmem>> -> memref<8x128xi32, #tpu.memory_space<vmem>>
      %dma_wait3A_169 = arith.constant 8 : i32
      %dma_wait3A_170 = tpu.memref_slice %arg2[%dma_wait3A_169, %mul3A_2] : memref<50x4096xi32, #tpu.memory_space<hbm>> -> memref<8x128xi32, #tpu.memory_space<hbm>>
      tpu.wait_dma2 semaphore(%run_scoped3A_152 : memref<!tpu.dma_semaphore, #tpu.memory_space<semaphore_mem>>) src(%dma_wait3A_170 : memref<8x128xi32, #tpu.memory_space<hbm>>) dst(%dma_wait3A_168 : memref<8x128xi32, #tpu.memory_space<vmem>>)
      tpu.yield
    }) : () -> ()
    %add3A_26 = arith.constant 32768 : i32
    %add3A_27 = arith.addi %add3A_26, %mul3A_2 : i32
    %run_scoped3A_28 = arith.constant 0 : i32
    "tpu.region"() ({
      %run_scoped3A_152 = tpu.sem_alloc : memref<!tpu.dma_semaphore, #tpu.memory_space<semaphore_mem>>
      %dma_start3A = arith.constant 0 : i32
      %dma_start3A_153 = tpu.memref_slice %arg4[%run_scoped3A_28, %dma_start3A] : memref<8x128xi32, #tpu.memory_space<vmem>> -> memref<1x128xi32, #tpu.memory_space<vmem>>
      %dma_start3A_154 = tpu.memref_squeeze %dma_start3A_153 : memref<1x128xi32, #tpu.memory_space<vmem>> -> memref<128xi32, #tpu.memory_space<vmem>>
      %dma_start3A_155 = tpu.memref_slice %arg3[%add3A_27] : memref<204800xi32, #tpu.memory_space<hbm>> -> memref<128xi32, #tpu.memory_space<hbm>>
      %dma_start3A_156 = tpu.memref_slice %arg3[%add3A_27] : memref<204800xi32, #tpu.memory_space<hbm>> -> memref<128xi32, #tpu.memory_space<hbm>>
      %dma_start3A_157 = arith.constant 0 : i32
      %dma_start3A_158 = tpu.memref_slice %arg4[%run_scoped3A_28, %dma_start3A_157] : memref<8x128xi32, #tpu.memory_space<vmem>> -> memref<1x128xi32, #tpu.memory_space<vmem>>
      %dma_start3A_159 = tpu.memref_squeeze %dma_start3A_158 : memref<1x128xi32, #tpu.memory_space<vmem>> -> memref<128xi32, #tpu.memory_space<vmem>>
      tpu.enqueue_dma source(%dma_start3A_159 : memref<128xi32, #tpu.memory_space<vmem>>) target(%dma_start3A_156 : memref<128xi32, #tpu.memory_space<hbm>>) target_semaphore(%run_scoped3A_152 : memref<!tpu.dma_semaphore, #tpu.memory_space<semaphore_mem>>)
      %dma_wait3A = arith.constant 0 : i32
      %dma_wait3A_160 = tpu.memref_slice %arg4[%run_scoped3A_28, %dma_wait3A] : memref<8x128xi32, #tpu.memory_space<vmem>> -> memref<1x128xi32, #tpu.memory_space<vmem>>
      %dma_wait3A_161 = tpu.memref_squeeze %dma_wait3A_160 : memref<1x128xi32, #tpu.memory_space<vmem>> -> memref<128xi32, #tpu.memory_space<vmem>>
      %dma_wait3A_162 = tpu.memref_slice %arg3[%add3A_27] : memref<204800xi32, #tpu.memory_space<hbm>> -> memref<128xi32, #tpu.memory_space<hbm>>
      %dma_wait3A_163 = tpu.memref_slice %arg3[%add3A_27] : memref<204800xi32, #tpu.memory_space<hbm>> -> memref<128xi32, #tpu.memory_space<hbm>>
      %dma_wait3A_164 = arith.constant 0 : i32
      %dma_wait3A_165 = tpu.memref_slice %arg4[%run_scoped3A_28, %dma_wait3A_164] : memref<8x128xi32, #tpu.memory_space<vmem>> -> memref<1x128xi32, #tpu.memory_space<vmem>>
      %dma_wait3A_166 = tpu.memref_squeeze %dma_wait3A_165 : memref<1x128xi32, #tpu.memory_space<vmem>> -> memref<128xi32, #tpu.memory_space<vmem>>
      tpu.wait_dma2 semaphore(%run_scoped3A_152 : memref<!tpu.dma_semaphore, #tpu.memory_space<semaphore_mem>>) src(%dma_wait3A_166 : memref<128xi32, #tpu.memory_space<vmem>>) dst(%dma_wait3A_163 : memref<128xi32, #tpu.memory_space<hbm>>)
      tpu.yield
    }) : () -> ()
    %add3A_29 = arith.constant 36864 : i32
    %add3A_30 = arith.addi %add3A_29, %mul3A_2 : i32
    %run_scoped3A_31 = arith.constant 1 : i32
    "tpu.region"() ({
      %run_scoped3A_152 = tpu.sem_alloc : memref<!tpu.dma_semaphore, #tpu.memory_space<semaphore_mem>>
      %dma_start3A = arith.constant 0 : i32
      %dma_start3A_153 = tpu.memref_slice %arg4[%run_scoped3A_31, %dma_start3A] : memref<8x128xi32, #tpu.memory_space<vmem>> -> memref<1x128xi32, #tpu.memory_space<vmem>>
      %dma_start3A_154 = tpu.memref_squeeze %dma_start3A_153 : memref<1x128xi32, #tpu.memory_space<vmem>> -> memref<128xi32, #tpu.memory_space<vmem>>
      %dma_start3A_155 = tpu.memref_slice %arg3[%add3A_30] : memref<204800xi32, #tpu.memory_space<hbm>> -> memref<128xi32, #tpu.memory_space<hbm>>
      %dma_start3A_156 = tpu.memref_slice %arg3[%add3A_30] : memref<204800xi32, #tpu.memory_space<hbm>> -> memref<128xi32, #tpu.memory_space<hbm>>
      %dma_start3A_157 = arith.constant 0 : i32
      %dma_start3A_158 = tpu.memref_slice %arg4[%run_scoped3A_31, %dma_start3A_157] : memref<8x128xi32, #tpu.memory_space<vmem>> -> memref<1x128xi32, #tpu.memory_space<vmem>>
      %dma_start3A_159 = tpu.memref_squeeze %dma_start3A_158 : memref<1x128xi32, #tpu.memory_space<vmem>> -> memref<128xi32, #tpu.memory_space<vmem>>
      tpu.enqueue_dma source(%dma_start3A_159 : memref<128xi32, #tpu.memory_space<vmem>>) target(%dma_start3A_156 : memref<128xi32, #tpu.memory_space<hbm>>) target_semaphore(%run_scoped3A_152 : memref<!tpu.dma_semaphore, #tpu.memory_space<semaphore_mem>>)
      %dma_wait3A = arith.constant 0 : i32
      %dma_wait3A_160 = tpu.memref_slice %arg4[%run_scoped3A_31, %dma_wait3A] : memref<8x128xi32, #tpu.memory_space<vmem>> -> memref<1x128xi32, #tpu.memory_space<vmem>>
      %dma_wait3A_161 = tpu.memref_squeeze %dma_wait3A_160 : memref<1x128xi32, #tpu.memory_space<vmem>> -> memref<128xi32, #tpu.memory_space<vmem>>
      %dma_wait3A_162 = tpu.memref_slice %arg3[%add3A_30] : memref<204800xi32, #tpu.memory_space<hbm>> -> memref<128xi32, #tpu.memory_space<hbm>>
      %dma_wait3A_163 = tpu.memref_slice %arg3[%add3A_30] : memref<204800xi32, #tpu.memory_space<hbm>> -> memref<128xi32, #tpu.memory_space<hbm>>
      %dma_wait3A_164 = arith.constant 0 : i32
      %dma_wait3A_165 = tpu.memref_slice %arg4[%run_scoped3A_31, %dma_wait3A_164] : memref<8x128xi32, #tpu.memory_space<vmem>> -> memref<1x128xi32, #tpu.memory_space<vmem>>
      %dma_wait3A_166 = tpu.memref_squeeze %dma_wait3A_165 : memref<1x128xi32, #tpu.memory_space<vmem>> -> memref<128xi32, #tpu.memory_space<vmem>>
      tpu.wait_dma2 semaphore(%run_scoped3A_152 : memref<!tpu.dma_semaphore, #tpu.memory_space<semaphore_mem>>) src(%dma_wait3A_166 : memref<128xi32, #tpu.memory_space<vmem>>) dst(%dma_wait3A_163 : memref<128xi32, #tpu.memory_space<hbm>>)
      tpu.yield
    }) : () -> ()
    %add3A_32 = arith.constant 40960 : i32
    %add3A_33 = arith.addi %add3A_32, %mul3A_2 : i32
    %run_scoped3A_34 = arith.constant 2 : i32
    "tpu.region"() ({
      %run_scoped3A_152 = tpu.sem_alloc : memref<!tpu.dma_semaphore, #tpu.memory_space<semaphore_mem>>
      %dma_start3A = arith.constant 0 : i32
      %dma_start3A_153 = tpu.memref_slice %arg4[%run_scoped3A_34, %dma_start3A] : memref<8x128xi32, #tpu.memory_space<vmem>> -> memref<1x128xi32, #tpu.memory_space<vmem>>
      %dma_start3A_154 = tpu.memref_squeeze %dma_start3A_153 : memref<1x128xi32, #tpu.memory_space<vmem>> -> memref<128xi32, #tpu.memory_space<vmem>>
      %dma_start3A_155 = tpu.memref_slice %arg3[%add3A_33] : memref<204800xi32, #tpu.memory_space<hbm>> -> memref<128xi32, #tpu.memory_space<hbm>>
      %dma_start3A_156 = tpu.memref_slice %arg3[%add3A_33] : memref<204800xi32, #tpu.memory_space<hbm>> -> memref<128xi32, #tpu.memory_space<hbm>>
      %dma_start3A_157 = arith.constant 0 : i32
      %dma_start3A_158 = tpu.memref_slice %arg4[%run_scoped3A_34, %dma_start3A_157] : memref<8x128xi32, #tpu.memory_space<vmem>> -> memref<1x128xi32, #tpu.memory_space<vmem>>
      %dma_start3A_159 = tpu.memref_squeeze %dma_start3A_158 : memref<1x128xi32, #tpu.memory_space<vmem>> -> memref<128xi32, #tpu.memory_space<vmem>>
      tpu.enqueue_dma source(%dma_start3A_159 : memref<128xi32, #tpu.memory_space<vmem>>) target(%dma_start3A_156 : memref<128xi32, #tpu.memory_space<hbm>>) target_semaphore(%run_scoped3A_152 : memref<!tpu.dma_semaphore, #tpu.memory_space<semaphore_mem>>)
      %dma_wait3A = arith.constant 0 : i32
      %dma_wait3A_160 = tpu.memref_slice %arg4[%run_scoped3A_34, %dma_wait3A] : memref<8x128xi32, #tpu.memory_space<vmem>> -> memref<1x128xi32, #tpu.memory_space<vmem>>
      %dma_wait3A_161 = tpu.memref_squeeze %dma_wait3A_160 : memref<1x128xi32, #tpu.memory_space<vmem>> -> memref<128xi32, #tpu.memory_space<vmem>>
      %dma_wait3A_162 = tpu.memref_slice %arg3[%add3A_33] : memref<204800xi32, #tpu.memory_space<hbm>> -> memref<128xi32, #tpu.memory_space<hbm>>
      %dma_wait3A_163 = tpu.memref_slice %arg3[%add3A_33] : memref<204800xi32, #tpu.memory_space<hbm>> -> memref<128xi32, #tpu.memory_space<hbm>>
      %dma_wait3A_164 = arith.constant 0 : i32
      %dma_wait3A_165 = tpu.memref_slice %arg4[%run_scoped3A_34, %dma_wait3A_164] : memref<8x128xi32, #tpu.memory_space<vmem>> -> memref<1x128xi32, #tpu.memory_space<vmem>>
      %dma_wait3A_166 = tpu.memref_squeeze %dma_wait3A_165 : memref<1x128xi32, #tpu.memory_space<vmem>> -> memref<128xi32, #tpu.memory_space<vmem>>
      tpu.wait_dma2 semaphore(%run_scoped3A_152 : memref<!tpu.dma_semaphore, #tpu.memory_space<semaphore_mem>>) src(%dma_wait3A_166 : memref<128xi32, #tpu.memory_space<vmem>>) dst(%dma_wait3A_163 : memref<128xi32, #tpu.memory_space<hbm>>)
      tpu.yield
    }) : () -> ()
    %add3A_35 = arith.constant 45056 : i32
    %add3A_36 = arith.addi %add3A_35, %mul3A_2 : i32
    %run_scoped3A_37 = arith.constant 3 : i32
    "tpu.region"() ({
      %run_scoped3A_152 = tpu.sem_alloc : memref<!tpu.dma_semaphore, #tpu.memory_space<semaphore_mem>>
      %dma_start3A = arith.constant 0 : i32
      %dma_start3A_153 = tpu.memref_slice %arg4[%run_scoped3A_37, %dma_start3A] : memref<8x128xi32, #tpu.memory_space<vmem>> -> memref<1x128xi32, #tpu.memory_space<vmem>>
      %dma_start3A_154 = tpu.memref_squeeze %dma_start3A_153 : memref<1x128xi32, #tpu.memory_space<vmem>> -> memref<128xi32, #tpu.memory_space<vmem>>
      %dma_start3A_155 = tpu.memref_slice %arg3[%add3A_36] : memref<204800xi32, #tpu.memory_space<hbm>> -> memref<128xi32, #tpu.memory_space<hbm>>
      %dma_start3A_156 = tpu.memref_slice %arg3[%add3A_36] : memref<204800xi32, #tpu.memory_space<hbm>> -> memref<128xi32, #tpu.memory_space<hbm>>
      %dma_start3A_157 = arith.constant 0 : i32
      %dma_start3A_158 = tpu.memref_slice %arg4[%run_scoped3A_37, %dma_start3A_157] : memref<8x128xi32, #tpu.memory_space<vmem>> -> memref<1x128xi32, #tpu.memory_space<vmem>>
      %dma_start3A_159 = tpu.memref_squeeze %dma_start3A_158 : memref<1x128xi32, #tpu.memory_space<vmem>> -> memref<128xi32, #tpu.memory_space<vmem>>
      tpu.enqueue_dma source(%dma_start3A_159 : memref<128xi32, #tpu.memory_space<vmem>>) target(%dma_start3A_156 : memref<128xi32, #tpu.memory_space<hbm>>) target_semaphore(%run_scoped3A_152 : memref<!tpu.dma_semaphore, #tpu.memory_space<semaphore_mem>>)
      %dma_wait3A = arith.constant 0 : i32
      %dma_wait3A_160 = tpu.memref_slice %arg4[%run_scoped3A_37, %dma_wait3A] : memref<8x128xi32, #tpu.memory_space<vmem>> -> memref<1x128xi32, #tpu.memory_space<vmem>>
      %dma_wait3A_161 = tpu.memref_squeeze %dma_wait3A_160 : memref<1x128xi32, #tpu.memory_space<vmem>> -> memref<128xi32, #tpu.memory_space<vmem>>
      %dma_wait3A_162 = tpu.memref_slice %arg3[%add3A_36] : memref<204800xi32, #tpu.memory_space<hbm>> -> memref<128xi32, #tpu.memory_space<hbm>>
      %dma_wait3A_163 = tpu.memref_slice %arg3[%add3A_36] : memref<204800xi32, #tpu.memory_space<hbm>> -> memref<128xi32, #tpu.memory_space<hbm>>
      %dma_wait3A_164 = arith.constant 0 : i32
      %dma_wait3A_165 = tpu.memref_slice %arg4[%run_scoped3A_37, %dma_wait3A_164] : memref<8x128xi32, #tpu.memory_space<vmem>> -> memref<1x128xi32, #tpu.memory_space<vmem>>
      %dma_wait3A_166 = tpu.memref_squeeze %dma_wait3A_165 : memref<1x128xi32, #tpu.memory_space<vmem>> -> memref<128xi32, #tpu.memory_space<vmem>>
      tpu.wait_dma2 semaphore(%run_scoped3A_152 : memref<!tpu.dma_semaphore, #tpu.memory_space<semaphore_mem>>) src(%dma_wait3A_166 : memref<128xi32, #tpu.memory_space<vmem>>) dst(%dma_wait3A_163 : memref<128xi32, #tpu.memory_space<hbm>>)
      tpu.yield
    }) : () -> ()
    %add3A_38 = arith.constant 49152 : i32
    %add3A_39 = arith.addi %add3A_38, %mul3A_2 : i32
    %run_scoped3A_40 = arith.constant 4 : i32
    "tpu.region"() ({
      %run_scoped3A_152 = tpu.sem_alloc : memref<!tpu.dma_semaphore, #tpu.memory_space<semaphore_mem>>
      %dma_start3A = arith.constant 0 : i32
      %dma_start3A_153 = tpu.memref_slice %arg4[%run_scoped3A_40, %dma_start3A] : memref<8x128xi32, #tpu.memory_space<vmem>> -> memref<1x128xi32, #tpu.memory_space<vmem>>
      %dma_start3A_154 = tpu.memref_squeeze %dma_start3A_153 : memref<1x128xi32, #tpu.memory_space<vmem>> -> memref<128xi32, #tpu.memory_space<vmem>>
      %dma_start3A_155 = tpu.memref_slice %arg3[%add3A_39] : memref<204800xi32, #tpu.memory_space<hbm>> -> memref<128xi32, #tpu.memory_space<hbm>>
      %dma_start3A_156 = tpu.memref_slice %arg3[%add3A_39] : memref<204800xi32, #tpu.memory_space<hbm>> -> memref<128xi32, #tpu.memory_space<hbm>>
      %dma_start3A_157 = arith.constant 0 : i32
      %dma_start3A_158 = tpu.memref_slice %arg4[%run_scoped3A_40, %dma_start3A_157] : memref<8x128xi32, #tpu.memory_space<vmem>> -> memref<1x128xi32, #tpu.memory_space<vmem>>
      %dma_start3A_159 = tpu.memref_squeeze %dma_start3A_158 : memref<1x128xi32, #tpu.memory_space<vmem>> -> memref<128xi32, #tpu.memory_space<vmem>>
      tpu.enqueue_dma source(%dma_start3A_159 : memref<128xi32, #tpu.memory_space<vmem>>) target(%dma_start3A_156 : memref<128xi32, #tpu.memory_space<hbm>>) target_semaphore(%run_scoped3A_152 : memref<!tpu.dma_semaphore, #tpu.memory_space<semaphore_mem>>)
      %dma_wait3A = arith.constant 0 : i32
      %dma_wait3A_160 = tpu.memref_slice %arg4[%run_scoped3A_40, %dma_wait3A] : memref<8x128xi32, #tpu.memory_space<vmem>> -> memref<1x128xi32, #tpu.memory_space<vmem>>
      %dma_wait3A_161 = tpu.memref_squeeze %dma_wait3A_160 : memref<1x128xi32, #tpu.memory_space<vmem>> -> memref<128xi32, #tpu.memory_space<vmem>>
      %dma_wait3A_162 = tpu.memref_slice %arg3[%add3A_39] : memref<204800xi32, #tpu.memory_space<hbm>> -> memref<128xi32, #tpu.memory_space<hbm>>
      %dma_wait3A_163 = tpu.memref_slice %arg3[%add3A_39] : memref<204800xi32, #tpu.memory_space<hbm>> -> memref<128xi32, #tpu.memory_space<hbm>>
      %dma_wait3A_164 = arith.constant 0 : i32
      %dma_wait3A_165 = tpu.memref_slice %arg4[%run_scoped3A_40, %dma_wait3A_164] : memref<8x128xi32, #tpu.memory_space<vmem>> -> memref<1x128xi32, #tpu.memory_space<vmem>>
      %dma_wait3A_166 = tpu.memref_squeeze %dma_wait3A_165 : memref<1x128xi32, #tpu.memory_space<vmem>> -> memref<128xi32, #tpu.memory_space<vmem>>
      tpu.wait_dma2 semaphore(%run_scoped3A_152 : memref<!tpu.dma_semaphore, #tpu.memory_space<semaphore_mem>>) src(%dma_wait3A_166 : memref<128xi32, #tpu.memory_space<vmem>>) dst(%dma_wait3A_163 : memref<128xi32, #tpu.memory_space<hbm>>)
      tpu.yield
    }) : () -> ()
    %add3A_41 = arith.constant 53248 : i32
    %add3A_42 = arith.addi %add3A_41, %mul3A_2 : i32
    %run_scoped3A_43 = arith.constant 5 : i32
    "tpu.region"() ({
      %run_scoped3A_152 = tpu.sem_alloc : memref<!tpu.dma_semaphore, #tpu.memory_space<semaphore_mem>>
      %dma_start3A = arith.constant 0 : i32
      %dma_start3A_153 = tpu.memref_slice %arg4[%run_scoped3A_43, %dma_start3A] : memref<8x128xi32, #tpu.memory_space<vmem>> -> memref<1x128xi32, #tpu.memory_space<vmem>>
      %dma_start3A_154 = tpu.memref_squeeze %dma_start3A_153 : memref<1x128xi32, #tpu.memory_space<vmem>> -> memref<128xi32, #tpu.memory_space<vmem>>
      %dma_start3A_155 = tpu.memref_slice %arg3[%add3A_42] : memref<204800xi32, #tpu.memory_space<hbm>> -> memref<128xi32, #tpu.memory_space<hbm>>
      %dma_start3A_156 = tpu.memref_slice %arg3[%add3A_42] : memref<204800xi32, #tpu.memory_space<hbm>> -> memref<128xi32, #tpu.memory_space<hbm>>
      %dma_start3A_157 = arith.constant 0 : i32
      %dma_start3A_158 = tpu.memref_slice %arg4[%run_scoped3A_43, %dma_start3A_157] : memref<8x128xi32, #tpu.memory_space<vmem>> -> memref<1x128xi32, #tpu.memory_space<vmem>>
      %dma_start3A_159 = tpu.memref_squeeze %dma_start3A_158 : memref<1x128xi32, #tpu.memory_space<vmem>> -> memref<128xi32, #tpu.memory_space<vmem>>
      tpu.enqueue_dma source(%dma_start3A_159 : memref<128xi32, #tpu.memory_space<vmem>>) target(%dma_start3A_156 : memref<128xi32, #tpu.memory_space<hbm>>) target_semaphore(%run_scoped3A_152 : memref<!tpu.dma_semaphore, #tpu.memory_space<semaphore_mem>>)
      %dma_wait3A = arith.constant 0 : i32
      %dma_wait3A_160 = tpu.memref_slice %arg4[%run_scoped3A_43, %dma_wait3A] : memref<8x128xi32, #tpu.memory_space<vmem>> -> memref<1x128xi32, #tpu.memory_space<vmem>>
      %dma_wait3A_161 = tpu.memref_squeeze %dma_wait3A_160 : memref<1x128xi32, #tpu.memory_space<vmem>> -> memref<128xi32, #tpu.memory_space<vmem>>
      %dma_wait3A_162 = tpu.memref_slice %arg3[%add3A_42] : memref<204800xi32, #tpu.memory_space<hbm>> -> memref<128xi32, #tpu.memory_space<hbm>>
      %dma_wait3A_163 = tpu.memref_slice %arg3[%add3A_42] : memref<204800xi32, #tpu.memory_space<hbm>> -> memref<128xi32, #tpu.memory_space<hbm>>
      %dma_wait3A_164 = arith.constant 0 : i32
      %dma_wait3A_165 = tpu.memref_slice %arg4[%run_scoped3A_43, %dma_wait3A_164] : memref<8x128xi32, #tpu.memory_space<vmem>> -> memref<1x128xi32, #tpu.memory_space<vmem>>
      %dma_wait3A_166 = tpu.memref_squeeze %dma_wait3A_165 : memref<1x128xi32, #tpu.memory_space<vmem>> -> memref<128xi32, #tpu.memory_space<vmem>>
      tpu.wait_dma2 semaphore(%run_scoped3A_152 : memref<!tpu.dma_semaphore, #tpu.memory_space<semaphore_mem>>) src(%dma_wait3A_166 : memref<128xi32, #tpu.memory_space<vmem>>) dst(%dma_wait3A_163 : memref<128xi32, #tpu.memory_space<hbm>>)
      tpu.yield
    }) : () -> ()
    %add3A_44 = arith.constant 57344 : i32
    %add3A_45 = arith.addi %add3A_44, %mul3A_2 : i32
    %run_scoped3A_46 = arith.constant 6 : i32
    "tpu.region"() ({
      %run_scoped3A_152 = tpu.sem_alloc : memref<!tpu.dma_semaphore, #tpu.memory_space<semaphore_mem>>
      %dma_start3A = arith.constant 0 : i32
      %dma_start3A_153 = tpu.memref_slice %arg4[%run_scoped3A_46, %dma_start3A] : memref<8x128xi32, #tpu.memory_space<vmem>> -> memref<1x128xi32, #tpu.memory_space<vmem>>
      %dma_start3A_154 = tpu.memref_squeeze %dma_start3A_153 : memref<1x128xi32, #tpu.memory_space<vmem>> -> memref<128xi32, #tpu.memory_space<vmem>>
      %dma_start3A_155 = tpu.memref_slice %arg3[%add3A_45] : memref<204800xi32, #tpu.memory_space<hbm>> -> memref<128xi32, #tpu.memory_space<hbm>>
      %dma_start3A_156 = tpu.memref_slice %arg3[%add3A_45] : memref<204800xi32, #tpu.memory_space<hbm>> -> memref<128xi32, #tpu.memory_space<hbm>>
      %dma_start3A_157 = arith.constant 0 : i32
      %dma_start3A_158 = tpu.memref_slice %arg4[%run_scoped3A_46, %dma_start3A_157] : memref<8x128xi32, #tpu.memory_space<vmem>> -> memref<1x128xi32, #tpu.memory_space<vmem>>
      %dma_start3A_159 = tpu.memref_squeeze %dma_start3A_158 : memref<1x128xi32, #tpu.memory_space<vmem>> -> memref<128xi32, #tpu.memory_space<vmem>>
      tpu.enqueue_dma source(%dma_start3A_159 : memref<128xi32, #tpu.memory_space<vmem>>) target(%dma_start3A_156 : memref<128xi32, #tpu.memory_space<hbm>>) target_semaphore(%run_scoped3A_152 : memref<!tpu.dma_semaphore, #tpu.memory_space<semaphore_mem>>)
      %dma_wait3A = arith.constant 0 : i32
      %dma_wait3A_160 = tpu.memref_slice %arg4[%run_scoped3A_46, %dma_wait3A] : memref<8x128xi32, #tpu.memory_space<vmem>> -> memref<1x128xi32, #tpu.memory_space<vmem>>
      %dma_wait3A_161 = tpu.memref_squeeze %dma_wait3A_160 : memref<1x128xi32, #tpu.memory_space<vmem>> -> memref<128xi32, #tpu.memory_space<vmem>>
      %dma_wait3A_162 = tpu.memref_slice %arg3[%add3A_45] : memref<204800xi32, #tpu.memory_space<hbm>> -> memref<128xi32, #tpu.memory_space<hbm>>
      %dma_wait3A_163 = tpu.memref_slice %arg3[%add3A_45] : memref<204800xi32, #tpu.memory_space<hbm>> -> memref<128xi32, #tpu.memory_space<hbm>>
      %dma_wait3A_164 = arith.constant 0 : i32
      %dma_wait3A_165 = tpu.memref_slice %arg4[%run_scoped3A_46, %dma_wait3A_164] : memref<8x128xi32, #tpu.memory_space<vmem>> -> memref<1x128xi32, #tpu.memory_space<vmem>>
      %dma_wait3A_166 = tpu.memref_squeeze %dma_wait3A_165 : memref<1x128xi32, #tpu.memory_space<vmem>> -> memref<128xi32, #tpu.memory_space<vmem>>
      tpu.wait_dma2 semaphore(%run_scoped3A_152 : memref<!tpu.dma_semaphore, #tpu.memory_space<semaphore_mem>>) src(%dma_wait3A_166 : memref<128xi32, #tpu.memory_space<vmem>>) dst(%dma_wait3A_163 : memref<128xi32, #tpu.memory_space<hbm>>)
      tpu.yield
    }) : () -> ()
    %add3A_47 = arith.constant 61440 : i32
    %add3A_48 = arith.addi %add3A_47, %mul3A_2 : i32
    %run_scoped3A_49 = arith.constant 7 : i32
    "tpu.region"() ({
      %run_scoped3A_152 = tpu.sem_alloc : memref<!tpu.dma_semaphore, #tpu.memory_space<semaphore_mem>>
      %dma_start3A = arith.constant 0 : i32
      %dma_start3A_153 = tpu.memref_slice %arg4[%run_scoped3A_49, %dma_start3A] : memref<8x128xi32, #tpu.memory_space<vmem>> -> memref<1x128xi32, #tpu.memory_space<vmem>>
      %dma_start3A_154 = tpu.memref_squeeze %dma_start3A_153 : memref<1x128xi32, #tpu.memory_space<vmem>> -> memref<128xi32, #tpu.memory_space<vmem>>
      %dma_start3A_155 = tpu.memref_slice %arg3[%add3A_48] : memref<204800xi32, #tpu.memory_space<hbm>> -> memref<128xi32, #tpu.memory_space<hbm>>
      %dma_start3A_156 = tpu.memref_slice %arg3[%add3A_48] : memref<204800xi32, #tpu.memory_space<hbm>> -> memref<128xi32, #tpu.memory_space<hbm>>
      %dma_start3A_157 = arith.constant 0 : i32
      %dma_start3A_158 = tpu.memref_slice %arg4[%run_scoped3A_49, %dma_start3A_157] : memref<8x128xi32, #tpu.memory_space<vmem>> -> memref<1x128xi32, #tpu.memory_space<vmem>>
      %dma_start3A_159 = tpu.memref_squeeze %dma_start3A_158 : memref<1x128xi32, #tpu.memory_space<vmem>> -> memref<128xi32, #tpu.memory_space<vmem>>
      tpu.enqueue_dma source(%dma_start3A_159 : memref<128xi32, #tpu.memory_space<vmem>>) target(%dma_start3A_156 : memref<128xi32, #tpu.memory_space<hbm>>) target_semaphore(%run_scoped3A_152 : memref<!tpu.dma_semaphore, #tpu.memory_space<semaphore_mem>>)
      %dma_wait3A = arith.constant 0 : i32
      %dma_wait3A_160 = tpu.memref_slice %arg4[%run_scoped3A_49, %dma_wait3A] : memref<8x128xi32, #tpu.memory_space<vmem>> -> memref<1x128xi32, #tpu.memory_space<vmem>>
      %dma_wait3A_161 = tpu.memref_squeeze %dma_wait3A_160 : memref<1x128xi32, #tpu.memory_space<vmem>> -> memref<128xi32, #tpu.memory_space<vmem>>
      %dma_wait3A_162 = tpu.memref_slice %arg3[%add3A_48] : memref<204800xi32, #tpu.memory_space<hbm>> -> memref<128xi32, #tpu.memory_space<hbm>>
      %dma_wait3A_163 = tpu.memref_slice %arg3[%add3A_48] : memref<204800xi32, #tpu.memory_space<hbm>> -> memref<128xi32, #tpu.memory_space<hbm>>
      %dma_wait3A_164 = arith.constant 0 : i32
      %dma_wait3A_165 = tpu.memref_slice %arg4[%run_scoped3A_49, %dma_wait3A_164] : memref<8x128xi32, #tpu.memory_space<vmem>> -> memref<1x128xi32, #tpu.memory_space<vmem>>
      %dma_wait3A_166 = tpu.memref_squeeze %dma_wait3A_165 : memref<1x128xi32, #tpu.memory_space<vmem>> -> memref<128xi32, #tpu.memory_space<vmem>>
      tpu.wait_dma2 semaphore(%run_scoped3A_152 : memref<!tpu.dma_semaphore, #tpu.memory_space<semaphore_mem>>) src(%dma_wait3A_166 : memref<128xi32, #tpu.memory_space<vmem>>) dst(%dma_wait3A_163 : memref<128xi32, #tpu.memory_space<hbm>>)
      tpu.yield
    }) : () -> ()
    "tpu.region"() ({
      %run_scoped3A_152 = tpu.sem_alloc : memref<!tpu.dma_semaphore, #tpu.memory_space<semaphore_mem>>
      %dma_start3A = arith.constant 0 : i32
      %dma_start3A_153 = arith.constant 0 : i32
      %dma_start3A_154 = tpu.memref_slice %arg4[%dma_start3A, %dma_start3A_153] : memref<8x128xi32, #tpu.memory_space<vmem>> -> memref<8x128xi32, #tpu.memory_space<vmem>>
      %dma_start3A_155 = arith.constant 16 : i32
      %dma_start3A_156 = tpu.memref_slice %arg2[%dma_start3A_155, %mul3A_2] : memref<50x4096xi32, #tpu.memory_space<hbm>> -> memref<8x128xi32, #tpu.memory_space<hbm>>
      %dma_start3A_157 = arith.constant 0 : i32
      %dma_start3A_158 = arith.constant 0 : i32
      %dma_start3A_159 = tpu.memref_slice %arg4[%dma_start3A_157, %dma_start3A_158] : memref<8x128xi32, #tpu.memory_space<vmem>> -> memref<8x128xi32, #tpu.memory_space<vmem>>
      %dma_start3A_160 = arith.constant 16 : i32
      %dma_start3A_161 = tpu.memref_slice %arg2[%dma_start3A_160, %mul3A_2] : memref<50x4096xi32, #tpu.memory_space<hbm>> -> memref<8x128xi32, #tpu.memory_space<hbm>>
      tpu.enqueue_dma source(%dma_start3A_161 : memref<8x128xi32, #tpu.memory_space<hbm>>) target(%dma_start3A_159 : memref<8x128xi32, #tpu.memory_space<vmem>>) target_semaphore(%run_scoped3A_152 : memref<!tpu.dma_semaphore, #tpu.memory_space<semaphore_mem>>)
      %dma_wait3A = arith.constant 0 : i32
      %dma_wait3A_162 = arith.constant 0 : i32
      %dma_wait3A_163 = tpu.memref_slice %arg4[%dma_wait3A, %dma_wait3A_162] : memref<8x128xi32, #tpu.memory_space<vmem>> -> memref<8x128xi32, #tpu.memory_space<vmem>>
      %dma_wait3A_164 = arith.constant 16 : i32
      %dma_wait3A_165 = tpu.memref_slice %arg2[%dma_wait3A_164, %mul3A_2] : memref<50x4096xi32, #tpu.memory_space<hbm>> -> memref<8x128xi32, #tpu.memory_space<hbm>>
      %dma_wait3A_166 = arith.constant 0 : i32
      %dma_wait3A_167 = arith.constant 0 : i32
      %dma_wait3A_168 = tpu.memref_slice %arg4[%dma_wait3A_166, %dma_wait3A_167] : memref<8x128xi32, #tpu.memory_space<vmem>> -> memref<8x128xi32, #tpu.memory_space<vmem>>
      %dma_wait3A_169 = arith.constant 16 : i32
      %dma_wait3A_170 = tpu.memref_slice %arg2[%dma_wait3A_169, %mul3A_2] : memref<50x4096xi32, #tpu.memory_space<hbm>> -> memref<8x128xi32, #tpu.memory_space<hbm>>
      tpu.wait_dma2 semaphore(%run_scoped3A_152 : memref<!tpu.dma_semaphore, #tpu.memory_space<semaphore_mem>>) src(%dma_wait3A_170 : memref<8x128xi32, #tpu.memory_space<hbm>>) dst(%dma_wait3A_168 : memref<8x128xi32, #tpu.memory_space<vmem>>)
      tpu.yield
    }) : () -> ()
    %add3A_50 = arith.constant 65536 : i32
    %add3A_51 = arith.addi %add3A_50, %mul3A_2 : i32
    %run_scoped3A_52 = arith.constant 0 : i32
    "tpu.region"() ({
      %run_scoped3A_152 = tpu.sem_alloc : memref<!tpu.dma_semaphore, #tpu.memory_space<semaphore_mem>>
      %dma_start3A = arith.constant 0 : i32
      %dma_start3A_153 = tpu.memref_slice %arg4[%run_scoped3A_52, %dma_start3A] : memref<8x128xi32, #tpu.memory_space<vmem>> -> memref<1x128xi32, #tpu.memory_space<vmem>>
      %dma_start3A_154 = tpu.memref_squeeze %dma_start3A_153 : memref<1x128xi32, #tpu.memory_space<vmem>> -> memref<128xi32, #tpu.memory_space<vmem>>
      %dma_start3A_155 = tpu.memref_slice %arg3[%add3A_51] : memref<204800xi32, #tpu.memory_space<hbm>> -> memref<128xi32, #tpu.memory_space<hbm>>
      %dma_start3A_156 = tpu.memref_slice %arg3[%add3A_51] : memref<204800xi32, #tpu.memory_space<hbm>> -> memref<128xi32, #tpu.memory_space<hbm>>
      %dma_start3A_157 = arith.constant 0 : i32
      %dma_start3A_158 = tpu.memref_slice %arg4[%run_scoped3A_52, %dma_start3A_157] : memref<8x128xi32, #tpu.memory_space<vmem>> -> memref<1x128xi32, #tpu.memory_space<vmem>>
      %dma_start3A_159 = tpu.memref_squeeze %dma_start3A_158 : memref<1x128xi32, #tpu.memory_space<vmem>> -> memref<128xi32, #tpu.memory_space<vmem>>
      tpu.enqueue_dma source(%dma_start3A_159 : memref<128xi32, #tpu.memory_space<vmem>>) target(%dma_start3A_156 : memref<128xi32, #tpu.memory_space<hbm>>) target_semaphore(%run_scoped3A_152 : memref<!tpu.dma_semaphore, #tpu.memory_space<semaphore_mem>>)
      %dma_wait3A = arith.constant 0 : i32
      %dma_wait3A_160 = tpu.memref_slice %arg4[%run_scoped3A_52, %dma_wait3A] : memref<8x128xi32, #tpu.memory_space<vmem>> -> memref<1x128xi32, #tpu.memory_space<vmem>>
      %dma_wait3A_161 = tpu.memref_squeeze %dma_wait3A_160 : memref<1x128xi32, #tpu.memory_space<vmem>> -> memref<128xi32, #tpu.memory_space<vmem>>
      %dma_wait3A_162 = tpu.memref_slice %arg3[%add3A_51] : memref<204800xi32, #tpu.memory_space<hbm>> -> memref<128xi32, #tpu.memory_space<hbm>>
      %dma_wait3A_163 = tpu.memref_slice %arg3[%add3A_51] : memref<204800xi32, #tpu.memory_space<hbm>> -> memref<128xi32, #tpu.memory_space<hbm>>
      %dma_wait3A_164 = arith.constant 0 : i32
      %dma_wait3A_165 = tpu.memref_slice %arg4[%run_scoped3A_52, %dma_wait3A_164] : memref<8x128xi32, #tpu.memory_space<vmem>> -> memref<1x128xi32, #tpu.memory_space<vmem>>
      %dma_wait3A_166 = tpu.memref_squeeze %dma_wait3A_165 : memref<1x128xi32, #tpu.memory_space<vmem>> -> memref<128xi32, #tpu.memory_space<vmem>>
      tpu.wait_dma2 semaphore(%run_scoped3A_152 : memref<!tpu.dma_semaphore, #tpu.memory_space<semaphore_mem>>) src(%dma_wait3A_166 : memref<128xi32, #tpu.memory_space<vmem>>) dst(%dma_wait3A_163 : memref<128xi32, #tpu.memory_space<hbm>>)
      tpu.yield
    }) : () -> ()
    %add3A_53 = arith.constant 69632 : i32
    %add3A_54 = arith.addi %add3A_53, %mul3A_2 : i32
    %run_scoped3A_55 = arith.constant 1 : i32
    "tpu.region"() ({
      %run_scoped3A_152 = tpu.sem_alloc : memref<!tpu.dma_semaphore, #tpu.memory_space<semaphore_mem>>
      %dma_start3A = arith.constant 0 : i32
      %dma_start3A_153 = tpu.memref_slice %arg4[%run_scoped3A_55, %dma_start3A] : memref<8x128xi32, #tpu.memory_space<vmem>> -> memref<1x128xi32, #tpu.memory_space<vmem>>
      %dma_start3A_154 = tpu.memref_squeeze %dma_start3A_153 : memref<1x128xi32, #tpu.memory_space<vmem>> -> memref<128xi32, #tpu.memory_space<vmem>>
      %dma_start3A_155 = tpu.memref_slice %arg3[%add3A_54] : memref<204800xi32, #tpu.memory_space<hbm>> -> memref<128xi32, #tpu.memory_space<hbm>>
      %dma_start3A_156 = tpu.memref_slice %arg3[%add3A_54] : memref<204800xi32, #tpu.memory_space<hbm>> -> memref<128xi32, #tpu.memory_space<hbm>>
      %dma_start3A_157 = arith.constant 0 : i32
      %dma_start3A_158 = tpu.memref_slice %arg4[%run_scoped3A_55, %dma_start3A_157] : memref<8x128xi32, #tpu.memory_space<vmem>> -> memref<1x128xi32, #tpu.memory_space<vmem>>
      %dma_start3A_159 = tpu.memref_squeeze %dma_start3A_158 : memref<1x128xi32, #tpu.memory_space<vmem>> -> memref<128xi32, #tpu.memory_space<vmem>>
      tpu.enqueue_dma source(%dma_start3A_159 : memref<128xi32, #tpu.memory_space<vmem>>) target(%dma_start3A_156 : memref<128xi32, #tpu.memory_space<hbm>>) target_semaphore(%run_scoped3A_152 : memref<!tpu.dma_semaphore, #tpu.memory_space<semaphore_mem>>)
      %dma_wait3A = arith.constant 0 : i32
      %dma_wait3A_160 = tpu.memref_slice %arg4[%run_scoped3A_55, %dma_wait3A] : memref<8x128xi32, #tpu.memory_space<vmem>> -> memref<1x128xi32, #tpu.memory_space<vmem>>
      %dma_wait3A_161 = tpu.memref_squeeze %dma_wait3A_160 : memref<1x128xi32, #tpu.memory_space<vmem>> -> memref<128xi32, #tpu.memory_space<vmem>>
      %dma_wait3A_162 = tpu.memref_slice %arg3[%add3A_54] : memref<204800xi32, #tpu.memory_space<hbm>> -> memref<128xi32, #tpu.memory_space<hbm>>
      %dma_wait3A_163 = tpu.memref_slice %arg3[%add3A_54] : memref<204800xi32, #tpu.memory_space<hbm>> -> memref<128xi32, #tpu.memory_space<hbm>>
      %dma_wait3A_164 = arith.constant 0 : i32
      %dma_wait3A_165 = tpu.memref_slice %arg4[%run_scoped3A_55, %dma_wait3A_164] : memref<8x128xi32, #tpu.memory_space<vmem>> -> memref<1x128xi32, #tpu.memory_space<vmem>>
      %dma_wait3A_166 = tpu.memref_squeeze %dma_wait3A_165 : memref<1x128xi32, #tpu.memory_space<vmem>> -> memref<128xi32, #tpu.memory_space<vmem>>
      tpu.wait_dma2 semaphore(%run_scoped3A_152 : memref<!tpu.dma_semaphore, #tpu.memory_space<semaphore_mem>>) src(%dma_wait3A_166 : memref<128xi32, #tpu.memory_space<vmem>>) dst(%dma_wait3A_163 : memref<128xi32, #tpu.memory_space<hbm>>)
      tpu.yield
    }) : () -> ()
    %add3A_56 = arith.constant 73728 : i32
    %add3A_57 = arith.addi %add3A_56, %mul3A_2 : i32
    %run_scoped3A_58 = arith.constant 2 : i32
    "tpu.region"() ({
      %run_scoped3A_152 = tpu.sem_alloc : memref<!tpu.dma_semaphore, #tpu.memory_space<semaphore_mem>>
      %dma_start3A = arith.constant 0 : i32
      %dma_start3A_153 = tpu.memref_slice %arg4[%run_scoped3A_58, %dma_start3A] : memref<8x128xi32, #tpu.memory_space<vmem>> -> memref<1x128xi32, #tpu.memory_space<vmem>>
      %dma_start3A_154 = tpu.memref_squeeze %dma_start3A_153 : memref<1x128xi32, #tpu.memory_space<vmem>> -> memref<128xi32, #tpu.memory_space<vmem>>
      %dma_start3A_155 = tpu.memref_slice %arg3[%add3A_57] : memref<204800xi32, #tpu.memory_space<hbm>> -> memref<128xi32, #tpu.memory_space<hbm>>
      %dma_start3A_156 = tpu.memref_slice %arg3[%add3A_57] : memref<204800xi32, #tpu.memory_space<hbm>> -> memref<128xi32, #tpu.memory_space<hbm>>
      %dma_start3A_157 = arith.constant 0 : i32
      %dma_start3A_158 = tpu.memref_slice %arg4[%run_scoped3A_58, %dma_start3A_157] : memref<8x128xi32, #tpu.memory_space<vmem>> -> memref<1x128xi32, #tpu.memory_space<vmem>>
      %dma_start3A_159 = tpu.memref_squeeze %dma_start3A_158 : memref<1x128xi32, #tpu.memory_space<vmem>> -> memref<128xi32, #tpu.memory_space<vmem>>
      tpu.enqueue_dma source(%dma_start3A_159 : memref<128xi32, #tpu.memory_space<vmem>>) target(%dma_start3A_156 : memref<128xi32, #tpu.memory_space<hbm>>) target_semaphore(%run_scoped3A_152 : memref<!tpu.dma_semaphore, #tpu.memory_space<semaphore_mem>>)
      %dma_wait3A = arith.constant 0 : i32
      %dma_wait3A_160 = tpu.memref_slice %arg4[%run_scoped3A_58, %dma_wait3A] : memref<8x128xi32, #tpu.memory_space<vmem>> -> memref<1x128xi32, #tpu.memory_space<vmem>>
      %dma_wait3A_161 = tpu.memref_squeeze %dma_wait3A_160 : memref<1x128xi32, #tpu.memory_space<vmem>> -> memref<128xi32, #tpu.memory_space<vmem>>
      %dma_wait3A_162 = tpu.memref_slice %arg3[%add3A_57] : memref<204800xi32, #tpu.memory_space<hbm>> -> memref<128xi32, #tpu.memory_space<hbm>>
      %dma_wait3A_163 = tpu.memref_slice %arg3[%add3A_57] : memref<204800xi32, #tpu.memory_space<hbm>> -> memref<128xi32, #tpu.memory_space<hbm>>
      %dma_wait3A_164 = arith.constant 0 : i32
      %dma_wait3A_165 = tpu.memref_slice %arg4[%run_scoped3A_58, %dma_wait3A_164] : memref<8x128xi32, #tpu.memory_space<vmem>> -> memref<1x128xi32, #tpu.memory_space<vmem>>
      %dma_wait3A_166 = tpu.memref_squeeze %dma_wait3A_165 : memref<1x128xi32, #tpu.memory_space<vmem>> -> memref<128xi32, #tpu.memory_space<vmem>>
      tpu.wait_dma2 semaphore(%run_scoped3A_152 : memref<!tpu.dma_semaphore, #tpu.memory_space<semaphore_mem>>) src(%dma_wait3A_166 : memref<128xi32, #tpu.memory_space<vmem>>) dst(%dma_wait3A_163 : memref<128xi32, #tpu.memory_space<hbm>>)
      tpu.yield
    }) : () -> ()
    %add3A_59 = arith.constant 77824 : i32
    %add3A_60 = arith.addi %add3A_59, %mul3A_2 : i32
    %run_scoped3A_61 = arith.constant 3 : i32
    "tpu.region"() ({
      %run_scoped3A_152 = tpu.sem_alloc : memref<!tpu.dma_semaphore, #tpu.memory_space<semaphore_mem>>
      %dma_start3A = arith.constant 0 : i32
      %dma_start3A_153 = tpu.memref_slice %arg4[%run_scoped3A_61, %dma_start3A] : memref<8x128xi32, #tpu.memory_space<vmem>> -> memref<1x128xi32, #tpu.memory_space<vmem>>
      %dma_start3A_154 = tpu.memref_squeeze %dma_start3A_153 : memref<1x128xi32, #tpu.memory_space<vmem>> -> memref<128xi32, #tpu.memory_space<vmem>>
      %dma_start3A_155 = tpu.memref_slice %arg3[%add3A_60] : memref<204800xi32, #tpu.memory_space<hbm>> -> memref<128xi32, #tpu.memory_space<hbm>>
      %dma_start3A_156 = tpu.memref_slice %arg3[%add3A_60] : memref<204800xi32, #tpu.memory_space<hbm>> -> memref<128xi32, #tpu.memory_space<hbm>>
      %dma_start3A_157 = arith.constant 0 : i32
      %dma_start3A_158 = tpu.memref_slice %arg4[%run_scoped3A_61, %dma_start3A_157] : memref<8x128xi32, #tpu.memory_space<vmem>> -> memref<1x128xi32, #tpu.memory_space<vmem>>
      %dma_start3A_159 = tpu.memref_squeeze %dma_start3A_158 : memref<1x128xi32, #tpu.memory_space<vmem>> -> memref<128xi32, #tpu.memory_space<vmem>>
      tpu.enqueue_dma source(%dma_start3A_159 : memref<128xi32, #tpu.memory_space<vmem>>) target(%dma_start3A_156 : memref<128xi32, #tpu.memory_space<hbm>>) target_semaphore(%run_scoped3A_152 : memref<!tpu.dma_semaphore, #tpu.memory_space<semaphore_mem>>)
      %dma_wait3A = arith.constant 0 : i32
      %dma_wait3A_160 = tpu.memref_slice %arg4[%run_scoped3A_61, %dma_wait3A] : memref<8x128xi32, #tpu.memory_space<vmem>> -> memref<1x128xi32, #tpu.memory_space<vmem>>
      %dma_wait3A_161 = tpu.memref_squeeze %dma_wait3A_160 : memref<1x128xi32, #tpu.memory_space<vmem>> -> memref<128xi32, #tpu.memory_space<vmem>>
      %dma_wait3A_162 = tpu.memref_slice %arg3[%add3A_60] : memref<204800xi32, #tpu.memory_space<hbm>> -> memref<128xi32, #tpu.memory_space<hbm>>
      %dma_wait3A_163 = tpu.memref_slice %arg3[%add3A_60] : memref<204800xi32, #tpu.memory_space<hbm>> -> memref<128xi32, #tpu.memory_space<hbm>>
      %dma_wait3A_164 = arith.constant 0 : i32
      %dma_wait3A_165 = tpu.memref_slice %arg4[%run_scoped3A_61, %dma_wait3A_164] : memref<8x128xi32, #tpu.memory_space<vmem>> -> memref<1x128xi32, #tpu.memory_space<vmem>>
      %dma_wait3A_166 = tpu.memref_squeeze %dma_wait3A_165 : memref<1x128xi32, #tpu.memory_space<vmem>> -> memref<128xi32, #tpu.memory_space<vmem>>
      tpu.wait_dma2 semaphore(%run_scoped3A_152 : memref<!tpu.dma_semaphore, #tpu.memory_space<semaphore_mem>>) src(%dma_wait3A_166 : memref<128xi32, #tpu.memory_space<vmem>>) dst(%dma_wait3A_163 : memref<128xi32, #tpu.memory_space<hbm>>)
      tpu.yield
    }) : () -> ()
    %add3A_62 = arith.constant 81920 : i32
    %add3A_63 = arith.addi %add3A_62, %mul3A_2 : i32
    %run_scoped3A_64 = arith.constant 4 : i32
    "tpu.region"() ({
      %run_scoped3A_152 = tpu.sem_alloc : memref<!tpu.dma_semaphore, #tpu.memory_space<semaphore_mem>>
      %dma_start3A = arith.constant 0 : i32
      %dma_start3A_153 = tpu.memref_slice %arg4[%run_scoped3A_64, %dma_start3A] : memref<8x128xi32, #tpu.memory_space<vmem>> -> memref<1x128xi32, #tpu.memory_space<vmem>>
      %dma_start3A_154 = tpu.memref_squeeze %dma_start3A_153 : memref<1x128xi32, #tpu.memory_space<vmem>> -> memref<128xi32, #tpu.memory_space<vmem>>
      %dma_start3A_155 = tpu.memref_slice %arg3[%add3A_63] : memref<204800xi32, #tpu.memory_space<hbm>> -> memref<128xi32, #tpu.memory_space<hbm>>
      %dma_start3A_156 = tpu.memref_slice %arg3[%add3A_63] : memref<204800xi32, #tpu.memory_space<hbm>> -> memref<128xi32, #tpu.memory_space<hbm>>
      %dma_start3A_157 = arith.constant 0 : i32
      %dma_start3A_158 = tpu.memref_slice %arg4[%run_scoped3A_64, %dma_start3A_157] : memref<8x128xi32, #tpu.memory_space<vmem>> -> memref<1x128xi32, #tpu.memory_space<vmem>>
      %dma_start3A_159 = tpu.memref_squeeze %dma_start3A_158 : memref<1x128xi32, #tpu.memory_space<vmem>> -> memref<128xi32, #tpu.memory_space<vmem>>
      tpu.enqueue_dma source(%dma_start3A_159 : memref<128xi32, #tpu.memory_space<vmem>>) target(%dma_start3A_156 : memref<128xi32, #tpu.memory_space<hbm>>) target_semaphore(%run_scoped3A_152 : memref<!tpu.dma_semaphore, #tpu.memory_space<semaphore_mem>>)
      %dma_wait3A = arith.constant 0 : i32
      %dma_wait3A_160 = tpu.memref_slice %arg4[%run_scoped3A_64, %dma_wait3A] : memref<8x128xi32, #tpu.memory_space<vmem>> -> memref<1x128xi32, #tpu.memory_space<vmem>>
      %dma_wait3A_161 = tpu.memref_squeeze %dma_wait3A_160 : memref<1x128xi32, #tpu.memory_space<vmem>> -> memref<128xi32, #tpu.memory_space<vmem>>
      %dma_wait3A_162 = tpu.memref_slice %arg3[%add3A_63] : memref<204800xi32, #tpu.memory_space<hbm>> -> memref<128xi32, #tpu.memory_space<hbm>>
      %dma_wait3A_163 = tpu.memref_slice %arg3[%add3A_63] : memref<204800xi32, #tpu.memory_space<hbm>> -> memref<128xi32, #tpu.memory_space<hbm>>
      %dma_wait3A_164 = arith.constant 0 : i32
      %dma_wait3A_165 = tpu.memref_slice %arg4[%run_scoped3A_64, %dma_wait3A_164] : memref<8x128xi32, #tpu.memory_space<vmem>> -> memref<1x128xi32, #tpu.memory_space<vmem>>
      %dma_wait3A_166 = tpu.memref_squeeze %dma_wait3A_165 : memref<1x128xi32, #tpu.memory_space<vmem>> -> memref<128xi32, #tpu.memory_space<vmem>>
      tpu.wait_dma2 semaphore(%run_scoped3A_152 : memref<!tpu.dma_semaphore, #tpu.memory_space<semaphore_mem>>) src(%dma_wait3A_166 : memref<128xi32, #tpu.memory_space<vmem>>) dst(%dma_wait3A_163 : memref<128xi32, #tpu.memory_space<hbm>>)
      tpu.yield
    }) : () -> ()
    %add3A_65 = arith.constant 86016 : i32
    %add3A_66 = arith.addi %add3A_65, %mul3A_2 : i32
    %run_scoped3A_67 = arith.constant 5 : i32
    "tpu.region"() ({
      %run_scoped3A_152 = tpu.sem_alloc : memref<!tpu.dma_semaphore, #tpu.memory_space<semaphore_mem>>
      %dma_start3A = arith.constant 0 : i32
      %dma_start3A_153 = tpu.memref_slice %arg4[%run_scoped3A_67, %dma_start3A] : memref<8x128xi32, #tpu.memory_space<vmem>> -> memref<1x128xi32, #tpu.memory_space<vmem>>
      %dma_start3A_154 = tpu.memref_squeeze %dma_start3A_153 : memref<1x128xi32, #tpu.memory_space<vmem>> -> memref<128xi32, #tpu.memory_space<vmem>>
      %dma_start3A_155 = tpu.memref_slice %arg3[%add3A_66] : memref<204800xi32, #tpu.memory_space<hbm>> -> memref<128xi32, #tpu.memory_space<hbm>>
      %dma_start3A_156 = tpu.memref_slice %arg3[%add3A_66] : memref<204800xi32, #tpu.memory_space<hbm>> -> memref<128xi32, #tpu.memory_space<hbm>>
      %dma_start3A_157 = arith.constant 0 : i32
      %dma_start3A_158 = tpu.memref_slice %arg4[%run_scoped3A_67, %dma_start3A_157] : memref<8x128xi32, #tpu.memory_space<vmem>> -> memref<1x128xi32, #tpu.memory_space<vmem>>
      %dma_start3A_159 = tpu.memref_squeeze %dma_start3A_158 : memref<1x128xi32, #tpu.memory_space<vmem>> -> memref<128xi32, #tpu.memory_space<vmem>>
      tpu.enqueue_dma source(%dma_start3A_159 : memref<128xi32, #tpu.memory_space<vmem>>) target(%dma_start3A_156 : memref<128xi32, #tpu.memory_space<hbm>>) target_semaphore(%run_scoped3A_152 : memref<!tpu.dma_semaphore, #tpu.memory_space<semaphore_mem>>)
      %dma_wait3A = arith.constant 0 : i32
      %dma_wait3A_160 = tpu.memref_slice %arg4[%run_scoped3A_67, %dma_wait3A] : memref<8x128xi32, #tpu.memory_space<vmem>> -> memref<1x128xi32, #tpu.memory_space<vmem>>
      %dma_wait3A_161 = tpu.memref_squeeze %dma_wait3A_160 : memref<1x128xi32, #tpu.memory_space<vmem>> -> memref<128xi32, #tpu.memory_space<vmem>>
      %dma_wait3A_162 = tpu.memref_slice %arg3[%add3A_66] : memref<204800xi32, #tpu.memory_space<hbm>> -> memref<128xi32, #tpu.memory_space<hbm>>
      %dma_wait3A_163 = tpu.memref_slice %arg3[%add3A_66] : memref<204800xi32, #tpu.memory_space<hbm>> -> memref<128xi32, #tpu.memory_space<hbm>>
      %dma_wait3A_164 = arith.constant 0 : i32
      %dma_wait3A_165 = tpu.memref_slice %arg4[%run_scoped3A_67, %dma_wait3A_164] : memref<8x128xi32, #tpu.memory_space<vmem>> -> memref<1x128xi32, #tpu.memory_space<vmem>>
      %dma_wait3A_166 = tpu.memref_squeeze %dma_wait3A_165 : memref<1x128xi32, #tpu.memory_space<vmem>> -> memref<128xi32, #tpu.memory_space<vmem>>
      tpu.wait_dma2 semaphore(%run_scoped3A_152 : memref<!tpu.dma_semaphore, #tpu.memory_space<semaphore_mem>>) src(%dma_wait3A_166 : memref<128xi32, #tpu.memory_space<vmem>>) dst(%dma_wait3A_163 : memref<128xi32, #tpu.memory_space<hbm>>)
      tpu.yield
    }) : () -> ()
    %add3A_68 = arith.constant 90112 : i32
    %add3A_69 = arith.addi %add3A_68, %mul3A_2 : i32
    %run_scoped3A_70 = arith.constant 6 : i32
    "tpu.region"() ({
      %run_scoped3A_152 = tpu.sem_alloc : memref<!tpu.dma_semaphore, #tpu.memory_space<semaphore_mem>>
      %dma_start3A = arith.constant 0 : i32
      %dma_start3A_153 = tpu.memref_slice %arg4[%run_scoped3A_70, %dma_start3A] : memref<8x128xi32, #tpu.memory_space<vmem>> -> memref<1x128xi32, #tpu.memory_space<vmem>>
      %dma_start3A_154 = tpu.memref_squeeze %dma_start3A_153 : memref<1x128xi32, #tpu.memory_space<vmem>> -> memref<128xi32, #tpu.memory_space<vmem>>
      %dma_start3A_155 = tpu.memref_slice %arg3[%add3A_69] : memref<204800xi32, #tpu.memory_space<hbm>> -> memref<128xi32, #tpu.memory_space<hbm>>
      %dma_start3A_156 = tpu.memref_slice %arg3[%add3A_69] : memref<204800xi32, #tpu.memory_space<hbm>> -> memref<128xi32, #tpu.memory_space<hbm>>
      %dma_start3A_157 = arith.constant 0 : i32
      %dma_start3A_158 = tpu.memref_slice %arg4[%run_scoped3A_70, %dma_start3A_157] : memref<8x128xi32, #tpu.memory_space<vmem>> -> memref<1x128xi32, #tpu.memory_space<vmem>>
      %dma_start3A_159 = tpu.memref_squeeze %dma_start3A_158 : memref<1x128xi32, #tpu.memory_space<vmem>> -> memref<128xi32, #tpu.memory_space<vmem>>
      tpu.enqueue_dma source(%dma_start3A_159 : memref<128xi32, #tpu.memory_space<vmem>>) target(%dma_start3A_156 : memref<128xi32, #tpu.memory_space<hbm>>) target_semaphore(%run_scoped3A_152 : memref<!tpu.dma_semaphore, #tpu.memory_space<semaphore_mem>>)
      %dma_wait3A = arith.constant 0 : i32
      %dma_wait3A_160 = tpu.memref_slice %arg4[%run_scoped3A_70, %dma_wait3A] : memref<8x128xi32, #tpu.memory_space<vmem>> -> memref<1x128xi32, #tpu.memory_space<vmem>>
      %dma_wait3A_161 = tpu.memref_squeeze %dma_wait3A_160 : memref<1x128xi32, #tpu.memory_space<vmem>> -> memref<128xi32, #tpu.memory_space<vmem>>
      %dma_wait3A_162 = tpu.memref_slice %arg3[%add3A_69] : memref<204800xi32, #tpu.memory_space<hbm>> -> memref<128xi32, #tpu.memory_space<hbm>>
      %dma_wait3A_163 = tpu.memref_slice %arg3[%add3A_69] : memref<204800xi32, #tpu.memory_space<hbm>> -> memref<128xi32, #tpu.memory_space<hbm>>
      %dma_wait3A_164 = arith.constant 0 : i32
      %dma_wait3A_165 = tpu.memref_slice %arg4[%run_scoped3A_70, %dma_wait3A_164] : memref<8x128xi32, #tpu.memory_space<vmem>> -> memref<1x128xi32, #tpu.memory_space<vmem>>
      %dma_wait3A_166 = tpu.memref_squeeze %dma_wait3A_165 : memref<1x128xi32, #tpu.memory_space<vmem>> -> memref<128xi32, #tpu.memory_space<vmem>>
      tpu.wait_dma2 semaphore(%run_scoped3A_152 : memref<!tpu.dma_semaphore, #tpu.memory_space<semaphore_mem>>) src(%dma_wait3A_166 : memref<128xi32, #tpu.memory_space<vmem>>) dst(%dma_wait3A_163 : memref<128xi32, #tpu.memory_space<hbm>>)
      tpu.yield
    }) : () -> ()
    %add3A_71 = arith.constant 94208 : i32
    %add3A_72 = arith.addi %add3A_71, %mul3A_2 : i32
    %run_scoped3A_73 = arith.constant 7 : i32
    "tpu.region"() ({
      %run_scoped3A_152 = tpu.sem_alloc : memref<!tpu.dma_semaphore, #tpu.memory_space<semaphore_mem>>
      %dma_start3A = arith.constant 0 : i32
      %dma_start3A_153 = tpu.memref_slice %arg4[%run_scoped3A_73, %dma_start3A] : memref<8x128xi32, #tpu.memory_space<vmem>> -> memref<1x128xi32, #tpu.memory_space<vmem>>
      %dma_start3A_154 = tpu.memref_squeeze %dma_start3A_153 : memref<1x128xi32, #tpu.memory_space<vmem>> -> memref<128xi32, #tpu.memory_space<vmem>>
      %dma_start3A_155 = tpu.memref_slice %arg3[%add3A_72] : memref<204800xi32, #tpu.memory_space<hbm>> -> memref<128xi32, #tpu.memory_space<hbm>>
      %dma_start3A_156 = tpu.memref_slice %arg3[%add3A_72] : memref<204800xi32, #tpu.memory_space<hbm>> -> memref<128xi32, #tpu.memory_space<hbm>>
      %dma_start3A_157 = arith.constant 0 : i32
      %dma_start3A_158 = tpu.memref_slice %arg4[%run_scoped3A_73, %dma_start3A_157] : memref<8x128xi32, #tpu.memory_space<vmem>> -> memref<1x128xi32, #tpu.memory_space<vmem>>
      %dma_start3A_159 = tpu.memref_squeeze %dma_start3A_158 : memref<1x128xi32, #tpu.memory_space<vmem>> -> memref<128xi32, #tpu.memory_space<vmem>>
      tpu.enqueue_dma source(%dma_start3A_159 : memref<128xi32, #tpu.memory_space<vmem>>) target(%dma_start3A_156 : memref<128xi32, #tpu.memory_space<hbm>>) target_semaphore(%run_scoped3A_152 : memref<!tpu.dma_semaphore, #tpu.memory_space<semaphore_mem>>)
      %dma_wait3A = arith.constant 0 : i32
      %dma_wait3A_160 = tpu.memref_slice %arg4[%run_scoped3A_73, %dma_wait3A] : memref<8x128xi32, #tpu.memory_space<vmem>> -> memref<1x128xi32, #tpu.memory_space<vmem>>
      %dma_wait3A_161 = tpu.memref_squeeze %dma_wait3A_160 : memref<1x128xi32, #tpu.memory_space<vmem>> -> memref<128xi32, #tpu.memory_space<vmem>>
      %dma_wait3A_162 = tpu.memref_slice %arg3[%add3A_72] : memref<204800xi32, #tpu.memory_space<hbm>> -> memref<128xi32, #tpu.memory_space<hbm>>
      %dma_wait3A_163 = tpu.memref_slice %arg3[%add3A_72] : memref<204800xi32, #tpu.memory_space<hbm>> -> memref<128xi32, #tpu.memory_space<hbm>>
      %dma_wait3A_164 = arith.constant 0 : i32
      %dma_wait3A_165 = tpu.memref_slice %arg4[%run_scoped3A_73, %dma_wait3A_164] : memref<8x128xi32, #tpu.memory_space<vmem>> -> memref<1x128xi32, #tpu.memory_space<vmem>>
      %dma_wait3A_166 = tpu.memref_squeeze %dma_wait3A_165 : memref<1x128xi32, #tpu.memory_space<vmem>> -> memref<128xi32, #tpu.memory_space<vmem>>
      tpu.wait_dma2 semaphore(%run_scoped3A_152 : memref<!tpu.dma_semaphore, #tpu.memory_space<semaphore_mem>>) src(%dma_wait3A_166 : memref<128xi32, #tpu.memory_space<vmem>>) dst(%dma_wait3A_163 : memref<128xi32, #tpu.memory_space<hbm>>)
      tpu.yield
    }) : () -> ()
    "tpu.region"() ({
      %run_scoped3A_152 = tpu.sem_alloc : memref<!tpu.dma_semaphore, #tpu.memory_space<semaphore_mem>>
      %dma_start3A = arith.constant 0 : i32
      %dma_start3A_153 = arith.constant 0 : i32
      %dma_start3A_154 = tpu.memref_slice %arg4[%dma_start3A, %dma_start3A_153] : memref<8x128xi32, #tpu.memory_space<vmem>> -> memref<8x128xi32, #tpu.memory_space<vmem>>
      %dma_start3A_155 = arith.constant 24 : i32
      %dma_start3A_156 = tpu.memref_slice %arg2[%dma_start3A_155, %mul3A_2] : memref<50x4096xi32, #tpu.memory_space<hbm>> -> memref<8x128xi32, #tpu.memory_space<hbm>>
      %dma_start3A_157 = arith.constant 0 : i32
      %dma_start3A_158 = arith.constant 0 : i32
      %dma_start3A_159 = tpu.memref_slice %arg4[%dma_start3A_157, %dma_start3A_158] : memref<8x128xi32, #tpu.memory_space<vmem>> -> memref<8x128xi32, #tpu.memory_space<vmem>>
      %dma_start3A_160 = arith.constant 24 : i32
      %dma_start3A_161 = tpu.memref_slice %arg2[%dma_start3A_160, %mul3A_2] : memref<50x4096xi32, #tpu.memory_space<hbm>> -> memref<8x128xi32, #tpu.memory_space<hbm>>
      tpu.enqueue_dma source(%dma_start3A_161 : memref<8x128xi32, #tpu.memory_space<hbm>>) target(%dma_start3A_159 : memref<8x128xi32, #tpu.memory_space<vmem>>) target_semaphore(%run_scoped3A_152 : memref<!tpu.dma_semaphore, #tpu.memory_space<semaphore_mem>>)
      %dma_wait3A = arith.constant 0 : i32
      %dma_wait3A_162 = arith.constant 0 : i32
      %dma_wait3A_163 = tpu.memref_slice %arg4[%dma_wait3A, %dma_wait3A_162] : memref<8x128xi32, #tpu.memory_space<vmem>> -> memref<8x128xi32, #tpu.memory_space<vmem>>
      %dma_wait3A_164 = arith.constant 24 : i32
      %dma_wait3A_165 = tpu.memref_slice %arg2[%dma_wait3A_164, %mul3A_2] : memref<50x4096xi32, #tpu.memory_space<hbm>> -> memref<8x128xi32, #tpu.memory_space<hbm>>
      %dma_wait3A_166 = arith.constant 0 : i32
      %dma_wait3A_167 = arith.constant 0 : i32
      %dma_wait3A_168 = tpu.memref_slice %arg4[%dma_wait3A_166, %dma_wait3A_167] : memref<8x128xi32, #tpu.memory_space<vmem>> -> memref<8x128xi32, #tpu.memory_space<vmem>>
      %dma_wait3A_169 = arith.constant 24 : i32
      %dma_wait3A_170 = tpu.memref_slice %arg2[%dma_wait3A_169, %mul3A_2] : memref<50x4096xi32, #tpu.memory_space<hbm>> -> memref<8x128xi32, #tpu.memory_space<hbm>>
      tpu.wait_dma2 semaphore(%run_scoped3A_152 : memref<!tpu.dma_semaphore, #tpu.memory_space<semaphore_mem>>) src(%dma_wait3A_170 : memref<8x128xi32, #tpu.memory_space<hbm>>) dst(%dma_wait3A_168 : memref<8x128xi32, #tpu.memory_space<vmem>>)
      tpu.yield
    }) : () -> ()
    %add3A_74 = arith.constant 98304 : i32
    %add3A_75 = arith.addi %add3A_74, %mul3A_2 : i32
    %run_scoped3A_76 = arith.constant 0 : i32
    "tpu.region"() ({
      %run_scoped3A_152 = tpu.sem_alloc : memref<!tpu.dma_semaphore, #tpu.memory_space<semaphore_mem>>
      %dma_start3A = arith.constant 0 : i32
      %dma_start3A_153 = tpu.memref_slice %arg4[%run_scoped3A_76, %dma_start3A] : memref<8x128xi32, #tpu.memory_space<vmem>> -> memref<1x128xi32, #tpu.memory_space<vmem>>
      %dma_start3A_154 = tpu.memref_squeeze %dma_start3A_153 : memref<1x128xi32, #tpu.memory_space<vmem>> -> memref<128xi32, #tpu.memory_space<vmem>>
      %dma_start3A_155 = tpu.memref_slice %arg3[%add3A_75] : memref<204800xi32, #tpu.memory_space<hbm>> -> memref<128xi32, #tpu.memory_space<hbm>>
      %dma_start3A_156 = tpu.memref_slice %arg3[%add3A_75] : memref<204800xi32, #tpu.memory_space<hbm>> -> memref<128xi32, #tpu.memory_space<hbm>>
      %dma_start3A_157 = arith.constant 0 : i32
      %dma_start3A_158 = tpu.memref_slice %arg4[%run_scoped3A_76, %dma_start3A_157] : memref<8x128xi32, #tpu.memory_space<vmem>> -> memref<1x128xi32, #tpu.memory_space<vmem>>
      %dma_start3A_159 = tpu.memref_squeeze %dma_start3A_158 : memref<1x128xi32, #tpu.memory_space<vmem>> -> memref<128xi32, #tpu.memory_space<vmem>>
      tpu.enqueue_dma source(%dma_start3A_159 : memref<128xi32, #tpu.memory_space<vmem>>) target(%dma_start3A_156 : memref<128xi32, #tpu.memory_space<hbm>>) target_semaphore(%run_scoped3A_152 : memref<!tpu.dma_semaphore, #tpu.memory_space<semaphore_mem>>)
      %dma_wait3A = arith.constant 0 : i32
      %dma_wait3A_160 = tpu.memref_slice %arg4[%run_scoped3A_76, %dma_wait3A] : memref<8x128xi32, #tpu.memory_space<vmem>> -> memref<1x128xi32, #tpu.memory_space<vmem>>
      %dma_wait3A_161 = tpu.memref_squeeze %dma_wait3A_160 : memref<1x128xi32, #tpu.memory_space<vmem>> -> memref<128xi32, #tpu.memory_space<vmem>>
      %dma_wait3A_162 = tpu.memref_slice %arg3[%add3A_75] : memref<204800xi32, #tpu.memory_space<hbm>> -> memref<128xi32, #tpu.memory_space<hbm>>
      %dma_wait3A_163 = tpu.memref_slice %arg3[%add3A_75] : memref<204800xi32, #tpu.memory_space<hbm>> -> memref<128xi32, #tpu.memory_space<hbm>>
      %dma_wait3A_164 = arith.constant 0 : i32
      %dma_wait3A_165 = tpu.memref_slice %arg4[%run_scoped3A_76, %dma_wait3A_164] : memref<8x128xi32, #tpu.memory_space<vmem>> -> memref<1x128xi32, #tpu.memory_space<vmem>>
      %dma_wait3A_166 = tpu.memref_squeeze %dma_wait3A_165 : memref<1x128xi32, #tpu.memory_space<vmem>> -> memref<128xi32, #tpu.memory_space<vmem>>
      tpu.wait_dma2 semaphore(%run_scoped3A_152 : memref<!tpu.dma_semaphore, #tpu.memory_space<semaphore_mem>>) src(%dma_wait3A_166 : memref<128xi32, #tpu.memory_space<vmem>>) dst(%dma_wait3A_163 : memref<128xi32, #tpu.memory_space<hbm>>)
      tpu.yield
    }) : () -> ()
    %add3A_77 = arith.constant 102400 : i32
    %add3A_78 = arith.addi %add3A_77, %mul3A_2 : i32
    %run_scoped3A_79 = arith.constant 1 : i32
    "tpu.region"() ({
      %run_scoped3A_152 = tpu.sem_alloc : memref<!tpu.dma_semaphore, #tpu.memory_space<semaphore_mem>>
      %dma_start3A = arith.constant 0 : i32
      %dma_start3A_153 = tpu.memref_slice %arg4[%run_scoped3A_79, %dma_start3A] : memref<8x128xi32, #tpu.memory_space<vmem>> -> memref<1x128xi32, #tpu.memory_space<vmem>>
      %dma_start3A_154 = tpu.memref_squeeze %dma_start3A_153 : memref<1x128xi32, #tpu.memory_space<vmem>> -> memref<128xi32, #tpu.memory_space<vmem>>
      %dma_start3A_155 = tpu.memref_slice %arg3[%add3A_78] : memref<204800xi32, #tpu.memory_space<hbm>> -> memref<128xi32, #tpu.memory_space<hbm>>
      %dma_start3A_156 = tpu.memref_slice %arg3[%add3A_78] : memref<204800xi32, #tpu.memory_space<hbm>> -> memref<128xi32, #tpu.memory_space<hbm>>
      %dma_start3A_157 = arith.constant 0 : i32
      %dma_start3A_158 = tpu.memref_slice %arg4[%run_scoped3A_79, %dma_start3A_157] : memref<8x128xi32, #tpu.memory_space<vmem>> -> memref<1x128xi32, #tpu.memory_space<vmem>>
      %dma_start3A_159 = tpu.memref_squeeze %dma_start3A_158 : memref<1x128xi32, #tpu.memory_space<vmem>> -> memref<128xi32, #tpu.memory_space<vmem>>
      tpu.enqueue_dma source(%dma_start3A_159 : memref<128xi32, #tpu.memory_space<vmem>>) target(%dma_start3A_156 : memref<128xi32, #tpu.memory_space<hbm>>) target_semaphore(%run_scoped3A_152 : memref<!tpu.dma_semaphore, #tpu.memory_space<semaphore_mem>>)
      %dma_wait3A = arith.constant 0 : i32
      %dma_wait3A_160 = tpu.memref_slice %arg4[%run_scoped3A_79, %dma_wait3A] : memref<8x128xi32, #tpu.memory_space<vmem>> -> memref<1x128xi32, #tpu.memory_space<vmem>>
      %dma_wait3A_161 = tpu.memref_squeeze %dma_wait3A_160 : memref<1x128xi32, #tpu.memory_space<vmem>> -> memref<128xi32, #tpu.memory_space<vmem>>
      %dma_wait3A_162 = tpu.memref_slice %arg3[%add3A_78] : memref<204800xi32, #tpu.memory_space<hbm>> -> memref<128xi32, #tpu.memory_space<hbm>>
      %dma_wait3A_163 = tpu.memref_slice %arg3[%add3A_78] : memref<204800xi32, #tpu.memory_space<hbm>> -> memref<128xi32, #tpu.memory_space<hbm>>
      %dma_wait3A_164 = arith.constant 0 : i32
      %dma_wait3A_165 = tpu.memref_slice %arg4[%run_scoped3A_79, %dma_wait3A_164] : memref<8x128xi32, #tpu.memory_space<vmem>> -> memref<1x128xi32, #tpu.memory_space<vmem>>
      %dma_wait3A_166 = tpu.memref_squeeze %dma_wait3A_165 : memref<1x128xi32, #tpu.memory_space<vmem>> -> memref<128xi32, #tpu.memory_space<vmem>>
      tpu.wait_dma2 semaphore(%run_scoped3A_152 : memref<!tpu.dma_semaphore, #tpu.memory_space<semaphore_mem>>) src(%dma_wait3A_166 : memref<128xi32, #tpu.memory_space<vmem>>) dst(%dma_wait3A_163 : memref<128xi32, #tpu.memory_space<hbm>>)
      tpu.yield
    }) : () -> ()
    %add3A_80 = arith.constant 106496 : i32
    %add3A_81 = arith.addi %add3A_80, %mul3A_2 : i32
    %run_scoped3A_82 = arith.constant 2 : i32
    "tpu.region"() ({
      %run_scoped3A_152 = tpu.sem_alloc : memref<!tpu.dma_semaphore, #tpu.memory_space<semaphore_mem>>
      %dma_start3A = arith.constant 0 : i32
      %dma_start3A_153 = tpu.memref_slice %arg4[%run_scoped3A_82, %dma_start3A] : memref<8x128xi32, #tpu.memory_space<vmem>> -> memref<1x128xi32, #tpu.memory_space<vmem>>
      %dma_start3A_154 = tpu.memref_squeeze %dma_start3A_153 : memref<1x128xi32, #tpu.memory_space<vmem>> -> memref<128xi32, #tpu.memory_space<vmem>>
      %dma_start3A_155 = tpu.memref_slice %arg3[%add3A_81] : memref<204800xi32, #tpu.memory_space<hbm>> -> memref<128xi32, #tpu.memory_space<hbm>>
      %dma_start3A_156 = tpu.memref_slice %arg3[%add3A_81] : memref<204800xi32, #tpu.memory_space<hbm>> -> memref<128xi32, #tpu.memory_space<hbm>>
      %dma_start3A_157 = arith.constant 0 : i32
      %dma_start3A_158 = tpu.memref_slice %arg4[%run_scoped3A_82, %dma_start3A_157] : memref<8x128xi32, #tpu.memory_space<vmem>> -> memref<1x128xi32, #tpu.memory_space<vmem>>
      %dma_start3A_159 = tpu.memref_squeeze %dma_start3A_158 : memref<1x128xi32, #tpu.memory_space<vmem>> -> memref<128xi32, #tpu.memory_space<vmem>>
      tpu.enqueue_dma source(%dma_start3A_159 : memref<128xi32, #tpu.memory_space<vmem>>) target(%dma_start3A_156 : memref<128xi32, #tpu.memory_space<hbm>>) target_semaphore(%run_scoped3A_152 : memref<!tpu.dma_semaphore, #tpu.memory_space<semaphore_mem>>)
      %dma_wait3A = arith.constant 0 : i32
      %dma_wait3A_160 = tpu.memref_slice %arg4[%run_scoped3A_82, %dma_wait3A] : memref<8x128xi32, #tpu.memory_space<vmem>> -> memref<1x128xi32, #tpu.memory_space<vmem>>
      %dma_wait3A_161 = tpu.memref_squeeze %dma_wait3A_160 : memref<1x128xi32, #tpu.memory_space<vmem>> -> memref<128xi32, #tpu.memory_space<vmem>>
      %dma_wait3A_162 = tpu.memref_slice %arg3[%add3A_81] : memref<204800xi32, #tpu.memory_space<hbm>> -> memref<128xi32, #tpu.memory_space<hbm>>
      %dma_wait3A_163 = tpu.memref_slice %arg3[%add3A_81] : memref<204800xi32, #tpu.memory_space<hbm>> -> memref<128xi32, #tpu.memory_space<hbm>>
      %dma_wait3A_164 = arith.constant 0 : i32
      %dma_wait3A_165 = tpu.memref_slice %arg4[%run_scoped3A_82, %dma_wait3A_164] : memref<8x128xi32, #tpu.memory_space<vmem>> -> memref<1x128xi32, #tpu.memory_space<vmem>>
      %dma_wait3A_166 = tpu.memref_squeeze %dma_wait3A_165 : memref<1x128xi32, #tpu.memory_space<vmem>> -> memref<128xi32, #tpu.memory_space<vmem>>
      tpu.wait_dma2 semaphore(%run_scoped3A_152 : memref<!tpu.dma_semaphore, #tpu.memory_space<semaphore_mem>>) src(%dma_wait3A_166 : memref<128xi32, #tpu.memory_space<vmem>>) dst(%dma_wait3A_163 : memref<128xi32, #tpu.memory_space<hbm>>)
      tpu.yield
    }) : () -> ()
    %add3A_83 = arith.constant 110592 : i32
    %add3A_84 = arith.addi %add3A_83, %mul3A_2 : i32
    %run_scoped3A_85 = arith.constant 3 : i32
    "tpu.region"() ({
      %run_scoped3A_152 = tpu.sem_alloc : memref<!tpu.dma_semaphore, #tpu.memory_space<semaphore_mem>>
      %dma_start3A = arith.constant 0 : i32
      %dma_start3A_153 = tpu.memref_slice %arg4[%run_scoped3A_85, %dma_start3A] : memref<8x128xi32, #tpu.memory_space<vmem>> -> memref<1x128xi32, #tpu.memory_space<vmem>>
      %dma_start3A_154 = tpu.memref_squeeze %dma_start3A_153 : memref<1x128xi32, #tpu.memory_space<vmem>> -> memref<128xi32, #tpu.memory_space<vmem>>
      %dma_start3A_155 = tpu.memref_slice %arg3[%add3A_84] : memref<204800xi32, #tpu.memory_space<hbm>> -> memref<128xi32, #tpu.memory_space<hbm>>
      %dma_start3A_156 = tpu.memref_slice %arg3[%add3A_84] : memref<204800xi32, #tpu.memory_space<hbm>> -> memref<128xi32, #tpu.memory_space<hbm>>
      %dma_start3A_157 = arith.constant 0 : i32
      %dma_start3A_158 = tpu.memref_slice %arg4[%run_scoped3A_85, %dma_start3A_157] : memref<8x128xi32, #tpu.memory_space<vmem>> -> memref<1x128xi32, #tpu.memory_space<vmem>>
      %dma_start3A_159 = tpu.memref_squeeze %dma_start3A_158 : memref<1x128xi32, #tpu.memory_space<vmem>> -> memref<128xi32, #tpu.memory_space<vmem>>
      tpu.enqueue_dma source(%dma_start3A_159 : memref<128xi32, #tpu.memory_space<vmem>>) target(%dma_start3A_156 : memref<128xi32, #tpu.memory_space<hbm>>) target_semaphore(%run_scoped3A_152 : memref<!tpu.dma_semaphore, #tpu.memory_space<semaphore_mem>>)
      %dma_wait3A = arith.constant 0 : i32
      %dma_wait3A_160 = tpu.memref_slice %arg4[%run_scoped3A_85, %dma_wait3A] : memref<8x128xi32, #tpu.memory_space<vmem>> -> memref<1x128xi32, #tpu.memory_space<vmem>>
      %dma_wait3A_161 = tpu.memref_squeeze %dma_wait3A_160 : memref<1x128xi32, #tpu.memory_space<vmem>> -> memref<128xi32, #tpu.memory_space<vmem>>
      %dma_wait3A_162 = tpu.memref_slice %arg3[%add3A_84] : memref<204800xi32, #tpu.memory_space<hbm>> -> memref<128xi32, #tpu.memory_space<hbm>>
      %dma_wait3A_163 = tpu.memref_slice %arg3[%add3A_84] : memref<204800xi32, #tpu.memory_space<hbm>> -> memref<128xi32, #tpu.memory_space<hbm>>
      %dma_wait3A_164 = arith.constant 0 : i32
      %dma_wait3A_165 = tpu.memref_slice %arg4[%run_scoped3A_85, %dma_wait3A_164] : memref<8x128xi32, #tpu.memory_space<vmem>> -> memref<1x128xi32, #tpu.memory_space<vmem>>
      %dma_wait3A_166 = tpu.memref_squeeze %dma_wait3A_165 : memref<1x128xi32, #tpu.memory_space<vmem>> -> memref<128xi32, #tpu.memory_space<vmem>>
      tpu.wait_dma2 semaphore(%run_scoped3A_152 : memref<!tpu.dma_semaphore, #tpu.memory_space<semaphore_mem>>) src(%dma_wait3A_166 : memref<128xi32, #tpu.memory_space<vmem>>) dst(%dma_wait3A_163 : memref<128xi32, #tpu.memory_space<hbm>>)
      tpu.yield
    }) : () -> ()
    %add3A_86 = arith.constant 114688 : i32
    %add3A_87 = arith.addi %add3A_86, %mul3A_2 : i32
    %run_scoped3A_88 = arith.constant 4 : i32
    "tpu.region"() ({
      %run_scoped3A_152 = tpu.sem_alloc : memref<!tpu.dma_semaphore, #tpu.memory_space<semaphore_mem>>
      %dma_start3A = arith.constant 0 : i32
      %dma_start3A_153 = tpu.memref_slice %arg4[%run_scoped3A_88, %dma_start3A] : memref<8x128xi32, #tpu.memory_space<vmem>> -> memref<1x128xi32, #tpu.memory_space<vmem>>
      %dma_start3A_154 = tpu.memref_squeeze %dma_start3A_153 : memref<1x128xi32, #tpu.memory_space<vmem>> -> memref<128xi32, #tpu.memory_space<vmem>>
      %dma_start3A_155 = tpu.memref_slice %arg3[%add3A_87] : memref<204800xi32, #tpu.memory_space<hbm>> -> memref<128xi32, #tpu.memory_space<hbm>>
      %dma_start3A_156 = tpu.memref_slice %arg3[%add3A_87] : memref<204800xi32, #tpu.memory_space<hbm>> -> memref<128xi32, #tpu.memory_space<hbm>>
      %dma_start3A_157 = arith.constant 0 : i32
      %dma_start3A_158 = tpu.memref_slice %arg4[%run_scoped3A_88, %dma_start3A_157] : memref<8x128xi32, #tpu.memory_space<vmem>> -> memref<1x128xi32, #tpu.memory_space<vmem>>
      %dma_start3A_159 = tpu.memref_squeeze %dma_start3A_158 : memref<1x128xi32, #tpu.memory_space<vmem>> -> memref<128xi32, #tpu.memory_space<vmem>>
      tpu.enqueue_dma source(%dma_start3A_159 : memref<128xi32, #tpu.memory_space<vmem>>) target(%dma_start3A_156 : memref<128xi32, #tpu.memory_space<hbm>>) target_semaphore(%run_scoped3A_152 : memref<!tpu.dma_semaphore, #tpu.memory_space<semaphore_mem>>)
      %dma_wait3A = arith.constant 0 : i32
      %dma_wait3A_160 = tpu.memref_slice %arg4[%run_scoped3A_88, %dma_wait3A] : memref<8x128xi32, #tpu.memory_space<vmem>> -> memref<1x128xi32, #tpu.memory_space<vmem>>
      %dma_wait3A_161 = tpu.memref_squeeze %dma_wait3A_160 : memref<1x128xi32, #tpu.memory_space<vmem>> -> memref<128xi32, #tpu.memory_space<vmem>>
      %dma_wait3A_162 = tpu.memref_slice %arg3[%add3A_87] : memref<204800xi32, #tpu.memory_space<hbm>> -> memref<128xi32, #tpu.memory_space<hbm>>
      %dma_wait3A_163 = tpu.memref_slice %arg3[%add3A_87] : memref<204800xi32, #tpu.memory_space<hbm>> -> memref<128xi32, #tpu.memory_space<hbm>>
      %dma_wait3A_164 = arith.constant 0 : i32
      %dma_wait3A_165 = tpu.memref_slice %arg4[%run_scoped3A_88, %dma_wait3A_164] : memref<8x128xi32, #tpu.memory_space<vmem>> -> memref<1x128xi32, #tpu.memory_space<vmem>>
      %dma_wait3A_166 = tpu.memref_squeeze %dma_wait3A_165 : memref<1x128xi32, #tpu.memory_space<vmem>> -> memref<128xi32, #tpu.memory_space<vmem>>
      tpu.wait_dma2 semaphore(%run_scoped3A_152 : memref<!tpu.dma_semaphore, #tpu.memory_space<semaphore_mem>>) src(%dma_wait3A_166 : memref<128xi32, #tpu.memory_space<vmem>>) dst(%dma_wait3A_163 : memref<128xi32, #tpu.memory_space<hbm>>)
      tpu.yield
    }) : () -> ()
    %add3A_89 = arith.constant 118784 : i32
    %add3A_90 = arith.addi %add3A_89, %mul3A_2 : i32
    %run_scoped3A_91 = arith.constant 5 : i32
    "tpu.region"() ({
      %run_scoped3A_152 = tpu.sem_alloc : memref<!tpu.dma_semaphore, #tpu.memory_space<semaphore_mem>>
      %dma_start3A = arith.constant 0 : i32
      %dma_start3A_153 = tpu.memref_slice %arg4[%run_scoped3A_91, %dma_start3A] : memref<8x128xi32, #tpu.memory_space<vmem>> -> memref<1x128xi32, #tpu.memory_space<vmem>>
      %dma_start3A_154 = tpu.memref_squeeze %dma_start3A_153 : memref<1x128xi32, #tpu.memory_space<vmem>> -> memref<128xi32, #tpu.memory_space<vmem>>
      %dma_start3A_155 = tpu.memref_slice %arg3[%add3A_90] : memref<204800xi32, #tpu.memory_space<hbm>> -> memref<128xi32, #tpu.memory_space<hbm>>
      %dma_start3A_156 = tpu.memref_slice %arg3[%add3A_90] : memref<204800xi32, #tpu.memory_space<hbm>> -> memref<128xi32, #tpu.memory_space<hbm>>
      %dma_start3A_157 = arith.constant 0 : i32
      %dma_start3A_158 = tpu.memref_slice %arg4[%run_scoped3A_91, %dma_start3A_157] : memref<8x128xi32, #tpu.memory_space<vmem>> -> memref<1x128xi32, #tpu.memory_space<vmem>>
      %dma_start3A_159 = tpu.memref_squeeze %dma_start3A_158 : memref<1x128xi32, #tpu.memory_space<vmem>> -> memref<128xi32, #tpu.memory_space<vmem>>
      tpu.enqueue_dma source(%dma_start3A_159 : memref<128xi32, #tpu.memory_space<vmem>>) target(%dma_start3A_156 : memref<128xi32, #tpu.memory_space<hbm>>) target_semaphore(%run_scoped3A_152 : memref<!tpu.dma_semaphore, #tpu.memory_space<semaphore_mem>>)
      %dma_wait3A = arith.constant 0 : i32
      %dma_wait3A_160 = tpu.memref_slice %arg4[%run_scoped3A_91, %dma_wait3A] : memref<8x128xi32, #tpu.memory_space<vmem>> -> memref<1x128xi32, #tpu.memory_space<vmem>>
      %dma_wait3A_161 = tpu.memref_squeeze %dma_wait3A_160 : memref<1x128xi32, #tpu.memory_space<vmem>> -> memref<128xi32, #tpu.memory_space<vmem>>
      %dma_wait3A_162 = tpu.memref_slice %arg3[%add3A_90] : memref<204800xi32, #tpu.memory_space<hbm>> -> memref<128xi32, #tpu.memory_space<hbm>>
      %dma_wait3A_163 = tpu.memref_slice %arg3[%add3A_90] : memref<204800xi32, #tpu.memory_space<hbm>> -> memref<128xi32, #tpu.memory_space<hbm>>
      %dma_wait3A_164 = arith.constant 0 : i32
      %dma_wait3A_165 = tpu.memref_slice %arg4[%run_scoped3A_91, %dma_wait3A_164] : memref<8x128xi32, #tpu.memory_space<vmem>> -> memref<1x128xi32, #tpu.memory_space<vmem>>
      %dma_wait3A_166 = tpu.memref_squeeze %dma_wait3A_165 : memref<1x128xi32, #tpu.memory_space<vmem>> -> memref<128xi32, #tpu.memory_space<vmem>>
      tpu.wait_dma2 semaphore(%run_scoped3A_152 : memref<!tpu.dma_semaphore, #tpu.memory_space<semaphore_mem>>) src(%dma_wait3A_166 : memref<128xi32, #tpu.memory_space<vmem>>) dst(%dma_wait3A_163 : memref<128xi32, #tpu.memory_space<hbm>>)
      tpu.yield
    }) : () -> ()
    %add3A_92 = arith.constant 122880 : i32
    %add3A_93 = arith.addi %add3A_92, %mul3A_2 : i32
    %run_scoped3A_94 = arith.constant 6 : i32
    "tpu.region"() ({
      %run_scoped3A_152 = tpu.sem_alloc : memref<!tpu.dma_semaphore, #tpu.memory_space<semaphore_mem>>
      %dma_start3A = arith.constant 0 : i32
      %dma_start3A_153 = tpu.memref_slice %arg4[%run_scoped3A_94, %dma_start3A] : memref<8x128xi32, #tpu.memory_space<vmem>> -> memref<1x128xi32, #tpu.memory_space<vmem>>
      %dma_start3A_154 = tpu.memref_squeeze %dma_start3A_153 : memref<1x128xi32, #tpu.memory_space<vmem>> -> memref<128xi32, #tpu.memory_space<vmem>>
      %dma_start3A_155 = tpu.memref_slice %arg3[%add3A_93] : memref<204800xi32, #tpu.memory_space<hbm>> -> memref<128xi32, #tpu.memory_space<hbm>>
      %dma_start3A_156 = tpu.memref_slice %arg3[%add3A_93] : memref<204800xi32, #tpu.memory_space<hbm>> -> memref<128xi32, #tpu.memory_space<hbm>>
      %dma_start3A_157 = arith.constant 0 : i32
      %dma_start3A_158 = tpu.memref_slice %arg4[%run_scoped3A_94, %dma_start3A_157] : memref<8x128xi32, #tpu.memory_space<vmem>> -> memref<1x128xi32, #tpu.memory_space<vmem>>
      %dma_start3A_159 = tpu.memref_squeeze %dma_start3A_158 : memref<1x128xi32, #tpu.memory_space<vmem>> -> memref<128xi32, #tpu.memory_space<vmem>>
      tpu.enqueue_dma source(%dma_start3A_159 : memref<128xi32, #tpu.memory_space<vmem>>) target(%dma_start3A_156 : memref<128xi32, #tpu.memory_space<hbm>>) target_semaphore(%run_scoped3A_152 : memref<!tpu.dma_semaphore, #tpu.memory_space<semaphore_mem>>)
      %dma_wait3A = arith.constant 0 : i32
      %dma_wait3A_160 = tpu.memref_slice %arg4[%run_scoped3A_94, %dma_wait3A] : memref<8x128xi32, #tpu.memory_space<vmem>> -> memref<1x128xi32, #tpu.memory_space<vmem>>
      %dma_wait3A_161 = tpu.memref_squeeze %dma_wait3A_160 : memref<1x128xi32, #tpu.memory_space<vmem>> -> memref<128xi32, #tpu.memory_space<vmem>>
      %dma_wait3A_162 = tpu.memref_slice %arg3[%add3A_93] : memref<204800xi32, #tpu.memory_space<hbm>> -> memref<128xi32, #tpu.memory_space<hbm>>
      %dma_wait3A_163 = tpu.memref_slice %arg3[%add3A_93] : memref<204800xi32, #tpu.memory_space<hbm>> -> memref<128xi32, #tpu.memory_space<hbm>>
      %dma_wait3A_164 = arith.constant 0 : i32
      %dma_wait3A_165 = tpu.memref_slice %arg4[%run_scoped3A_94, %dma_wait3A_164] : memref<8x128xi32, #tpu.memory_space<vmem>> -> memref<1x128xi32, #tpu.memory_space<vmem>>
      %dma_wait3A_166 = tpu.memref_squeeze %dma_wait3A_165 : memref<1x128xi32, #tpu.memory_space<vmem>> -> memref<128xi32, #tpu.memory_space<vmem>>
      tpu.wait_dma2 semaphore(%run_scoped3A_152 : memref<!tpu.dma_semaphore, #tpu.memory_space<semaphore_mem>>) src(%dma_wait3A_166 : memref<128xi32, #tpu.memory_space<vmem>>) dst(%dma_wait3A_163 : memref<128xi32, #tpu.memory_space<hbm>>)
      tpu.yield
    }) : () -> ()
    %add3A_95 = arith.constant 126976 : i32
    %add3A_96 = arith.addi %add3A_95, %mul3A_2 : i32
    %run_scoped3A_97 = arith.constant 7 : i32
    "tpu.region"() ({
      %run_scoped3A_152 = tpu.sem_alloc : memref<!tpu.dma_semaphore, #tpu.memory_space<semaphore_mem>>
      %dma_start3A = arith.constant 0 : i32
      %dma_start3A_153 = tpu.memref_slice %arg4[%run_scoped3A_97, %dma_start3A] : memref<8x128xi32, #tpu.memory_space<vmem>> -> memref<1x128xi32, #tpu.memory_space<vmem>>
      %dma_start3A_154 = tpu.memref_squeeze %dma_start3A_153 : memref<1x128xi32, #tpu.memory_space<vmem>> -> memref<128xi32, #tpu.memory_space<vmem>>
      %dma_start3A_155 = tpu.memref_slice %arg3[%add3A_96] : memref<204800xi32, #tpu.memory_space<hbm>> -> memref<128xi32, #tpu.memory_space<hbm>>
      %dma_start3A_156 = tpu.memref_slice %arg3[%add3A_96] : memref<204800xi32, #tpu.memory_space<hbm>> -> memref<128xi32, #tpu.memory_space<hbm>>
      %dma_start3A_157 = arith.constant 0 : i32
      %dma_start3A_158 = tpu.memref_slice %arg4[%run_scoped3A_97, %dma_start3A_157] : memref<8x128xi32, #tpu.memory_space<vmem>> -> memref<1x128xi32, #tpu.memory_space<vmem>>
      %dma_start3A_159 = tpu.memref_squeeze %dma_start3A_158 : memref<1x128xi32, #tpu.memory_space<vmem>> -> memref<128xi32, #tpu.memory_space<vmem>>
      tpu.enqueue_dma source(%dma_start3A_159 : memref<128xi32, #tpu.memory_space<vmem>>) target(%dma_start3A_156 : memref<128xi32, #tpu.memory_space<hbm>>) target_semaphore(%run_scoped3A_152 : memref<!tpu.dma_semaphore, #tpu.memory_space<semaphore_mem>>)
      %dma_wait3A = arith.constant 0 : i32
      %dma_wait3A_160 = tpu.memref_slice %arg4[%run_scoped3A_97, %dma_wait3A] : memref<8x128xi32, #tpu.memory_space<vmem>> -> memref<1x128xi32, #tpu.memory_space<vmem>>
      %dma_wait3A_161 = tpu.memref_squeeze %dma_wait3A_160 : memref<1x128xi32, #tpu.memory_space<vmem>> -> memref<128xi32, #tpu.memory_space<vmem>>
      %dma_wait3A_162 = tpu.memref_slice %arg3[%add3A_96] : memref<204800xi32, #tpu.memory_space<hbm>> -> memref<128xi32, #tpu.memory_space<hbm>>
      %dma_wait3A_163 = tpu.memref_slice %arg3[%add3A_96] : memref<204800xi32, #tpu.memory_space<hbm>> -> memref<128xi32, #tpu.memory_space<hbm>>
      %dma_wait3A_164 = arith.constant 0 : i32
      %dma_wait3A_165 = tpu.memref_slice %arg4[%run_scoped3A_97, %dma_wait3A_164] : memref<8x128xi32, #tpu.memory_space<vmem>> -> memref<1x128xi32, #tpu.memory_space<vmem>>
      %dma_wait3A_166 = tpu.memref_squeeze %dma_wait3A_165 : memref<1x128xi32, #tpu.memory_space<vmem>> -> memref<128xi32, #tpu.memory_space<vmem>>
      tpu.wait_dma2 semaphore(%run_scoped3A_152 : memref<!tpu.dma_semaphore, #tpu.memory_space<semaphore_mem>>) src(%dma_wait3A_166 : memref<128xi32, #tpu.memory_space<vmem>>) dst(%dma_wait3A_163 : memref<128xi32, #tpu.memory_space<hbm>>)
      tpu.yield
    }) : () -> ()
    "tpu.region"() ({
      %run_scoped3A_152 = tpu.sem_alloc : memref<!tpu.dma_semaphore, #tpu.memory_space<semaphore_mem>>
      %dma_start3A = arith.constant 0 : i32
      %dma_start3A_153 = arith.constant 0 : i32
      %dma_start3A_154 = tpu.memref_slice %arg4[%dma_start3A, %dma_start3A_153] : memref<8x128xi32, #tpu.memory_space<vmem>> -> memref<8x128xi32, #tpu.memory_space<vmem>>
      %dma_start3A_155 = arith.constant 32 : i32
      %dma_start3A_156 = tpu.memref_slice %arg2[%dma_start3A_155, %mul3A_2] : memref<50x4096xi32, #tpu.memory_space<hbm>> -> memref<8x128xi32, #tpu.memory_space<hbm>>
      %dma_start3A_157 = arith.constant 0 : i32
      %dma_start3A_158 = arith.constant 0 : i32
      %dma_start3A_159 = tpu.memref_slice %arg4[%dma_start3A_157, %dma_start3A_158] : memref<8x128xi32, #tpu.memory_space<vmem>> -> memref<8x128xi32, #tpu.memory_space<vmem>>
      %dma_start3A_160 = arith.constant 32 : i32
      %dma_start3A_161 = tpu.memref_slice %arg2[%dma_start3A_160, %mul3A_2] : memref<50x4096xi32, #tpu.memory_space<hbm>> -> memref<8x128xi32, #tpu.memory_space<hbm>>
      tpu.enqueue_dma source(%dma_start3A_161 : memref<8x128xi32, #tpu.memory_space<hbm>>) target(%dma_start3A_159 : memref<8x128xi32, #tpu.memory_space<vmem>>) target_semaphore(%run_scoped3A_152 : memref<!tpu.dma_semaphore, #tpu.memory_space<semaphore_mem>>)
      %dma_wait3A = arith.constant 0 : i32
      %dma_wait3A_162 = arith.constant 0 : i32
      %dma_wait3A_163 = tpu.memref_slice %arg4[%dma_wait3A, %dma_wait3A_162] : memref<8x128xi32, #tpu.memory_space<vmem>> -> memref<8x128xi32, #tpu.memory_space<vmem>>
      %dma_wait3A_164 = arith.constant 32 : i32
      %dma_wait3A_165 = tpu.memref_slice %arg2[%dma_wait3A_164, %mul3A_2] : memref<50x4096xi32, #tpu.memory_space<hbm>> -> memref<8x128xi32, #tpu.memory_space<hbm>>
      %dma_wait3A_166 = arith.constant 0 : i32
      %dma_wait3A_167 = arith.constant 0 : i32
      %dma_wait3A_168 = tpu.memref_slice %arg4[%dma_wait3A_166, %dma_wait3A_167] : memref<8x128xi32, #tpu.memory_space<vmem>> -> memref<8x128xi32, #tpu.memory_space<vmem>>
      %dma_wait3A_169 = arith.constant 32 : i32
      %dma_wait3A_170 = tpu.memref_slice %arg2[%dma_wait3A_169, %mul3A_2] : memref<50x4096xi32, #tpu.memory_space<hbm>> -> memref<8x128xi32, #tpu.memory_space<hbm>>
      tpu.wait_dma2 semaphore(%run_scoped3A_152 : memref<!tpu.dma_semaphore, #tpu.memory_space<semaphore_mem>>) src(%dma_wait3A_170 : memref<8x128xi32, #tpu.memory_space<hbm>>) dst(%dma_wait3A_168 : memref<8x128xi32, #tpu.memory_space<vmem>>)
      tpu.yield
    }) : () -> ()
    %add3A_98 = arith.constant 131072 : i32
    %add3A_99 = arith.addi %add3A_98, %mul3A_2 : i32
    %run_scoped3A_100 = arith.constant 0 : i32
    "tpu.region"() ({
      %run_scoped3A_152 = tpu.sem_alloc : memref<!tpu.dma_semaphore, #tpu.memory_space<semaphore_mem>>
      %dma_start3A = arith.constant 0 : i32
      %dma_start3A_153 = tpu.memref_slice %arg4[%run_scoped3A_100, %dma_start3A] : memref<8x128xi32, #tpu.memory_space<vmem>> -> memref<1x128xi32, #tpu.memory_space<vmem>>
      %dma_start3A_154 = tpu.memref_squeeze %dma_start3A_153 : memref<1x128xi32, #tpu.memory_space<vmem>> -> memref<128xi32, #tpu.memory_space<vmem>>
      %dma_start3A_155 = tpu.memref_slice %arg3[%add3A_99] : memref<204800xi32, #tpu.memory_space<hbm>> -> memref<128xi32, #tpu.memory_space<hbm>>
      %dma_start3A_156 = tpu.memref_slice %arg3[%add3A_99] : memref<204800xi32, #tpu.memory_space<hbm>> -> memref<128xi32, #tpu.memory_space<hbm>>
      %dma_start3A_157 = arith.constant 0 : i32
      %dma_start3A_158 = tpu.memref_slice %arg4[%run_scoped3A_100, %dma_start3A_157] : memref<8x128xi32, #tpu.memory_space<vmem>> -> memref<1x128xi32, #tpu.memory_space<vmem>>
      %dma_start3A_159 = tpu.memref_squeeze %dma_start3A_158 : memref<1x128xi32, #tpu.memory_space<vmem>> -> memref<128xi32, #tpu.memory_space<vmem>>
      tpu.enqueue_dma source(%dma_start3A_159 : memref<128xi32, #tpu.memory_space<vmem>>) target(%dma_start3A_156 : memref<128xi32, #tpu.memory_space<hbm>>) target_semaphore(%run_scoped3A_152 : memref<!tpu.dma_semaphore, #tpu.memory_space<semaphore_mem>>)
      %dma_wait3A = arith.constant 0 : i32
      %dma_wait3A_160 = tpu.memref_slice %arg4[%run_scoped3A_100, %dma_wait3A] : memref<8x128xi32, #tpu.memory_space<vmem>> -> memref<1x128xi32, #tpu.memory_space<vmem>>
      %dma_wait3A_161 = tpu.memref_squeeze %dma_wait3A_160 : memref<1x128xi32, #tpu.memory_space<vmem>> -> memref<128xi32, #tpu.memory_space<vmem>>
      %dma_wait3A_162 = tpu.memref_slice %arg3[%add3A_99] : memref<204800xi32, #tpu.memory_space<hbm>> -> memref<128xi32, #tpu.memory_space<hbm>>
      %dma_wait3A_163 = tpu.memref_slice %arg3[%add3A_99] : memref<204800xi32, #tpu.memory_space<hbm>> -> memref<128xi32, #tpu.memory_space<hbm>>
      %dma_wait3A_164 = arith.constant 0 : i32
      %dma_wait3A_165 = tpu.memref_slice %arg4[%run_scoped3A_100, %dma_wait3A_164] : memref<8x128xi32, #tpu.memory_space<vmem>> -> memref<1x128xi32, #tpu.memory_space<vmem>>
      %dma_wait3A_166 = tpu.memref_squeeze %dma_wait3A_165 : memref<1x128xi32, #tpu.memory_space<vmem>> -> memref<128xi32, #tpu.memory_space<vmem>>
      tpu.wait_dma2 semaphore(%run_scoped3A_152 : memref<!tpu.dma_semaphore, #tpu.memory_space<semaphore_mem>>) src(%dma_wait3A_166 : memref<128xi32, #tpu.memory_space<vmem>>) dst(%dma_wait3A_163 : memref<128xi32, #tpu.memory_space<hbm>>)
      tpu.yield
    }) : () -> ()
    %add3A_101 = arith.constant 135168 : i32
    %add3A_102 = arith.addi %add3A_101, %mul3A_2 : i32
    %run_scoped3A_103 = arith.constant 1 : i32
    "tpu.region"() ({
      %run_scoped3A_152 = tpu.sem_alloc : memref<!tpu.dma_semaphore, #tpu.memory_space<semaphore_mem>>
      %dma_start3A = arith.constant 0 : i32
      %dma_start3A_153 = tpu.memref_slice %arg4[%run_scoped3A_103, %dma_start3A] : memref<8x128xi32, #tpu.memory_space<vmem>> -> memref<1x128xi32, #tpu.memory_space<vmem>>
      %dma_start3A_154 = tpu.memref_squeeze %dma_start3A_153 : memref<1x128xi32, #tpu.memory_space<vmem>> -> memref<128xi32, #tpu.memory_space<vmem>>
      %dma_start3A_155 = tpu.memref_slice %arg3[%add3A_102] : memref<204800xi32, #tpu.memory_space<hbm>> -> memref<128xi32, #tpu.memory_space<hbm>>
      %dma_start3A_156 = tpu.memref_slice %arg3[%add3A_102] : memref<204800xi32, #tpu.memory_space<hbm>> -> memref<128xi32, #tpu.memory_space<hbm>>
      %dma_start3A_157 = arith.constant 0 : i32
      %dma_start3A_158 = tpu.memref_slice %arg4[%run_scoped3A_103, %dma_start3A_157] : memref<8x128xi32, #tpu.memory_space<vmem>> -> memref<1x128xi32, #tpu.memory_space<vmem>>
      %dma_start3A_159 = tpu.memref_squeeze %dma_start3A_158 : memref<1x128xi32, #tpu.memory_space<vmem>> -> memref<128xi32, #tpu.memory_space<vmem>>
      tpu.enqueue_dma source(%dma_start3A_159 : memref<128xi32, #tpu.memory_space<vmem>>) target(%dma_start3A_156 : memref<128xi32, #tpu.memory_space<hbm>>) target_semaphore(%run_scoped3A_152 : memref<!tpu.dma_semaphore, #tpu.memory_space<semaphore_mem>>)
      %dma_wait3A = arith.constant 0 : i32
      %dma_wait3A_160 = tpu.memref_slice %arg4[%run_scoped3A_103, %dma_wait3A] : memref<8x128xi32, #tpu.memory_space<vmem>> -> memref<1x128xi32, #tpu.memory_space<vmem>>
      %dma_wait3A_161 = tpu.memref_squeeze %dma_wait3A_160 : memref<1x128xi32, #tpu.memory_space<vmem>> -> memref<128xi32, #tpu.memory_space<vmem>>
      %dma_wait3A_162 = tpu.memref_slice %arg3[%add3A_102] : memref<204800xi32, #tpu.memory_space<hbm>> -> memref<128xi32, #tpu.memory_space<hbm>>
      %dma_wait3A_163 = tpu.memref_slice %arg3[%add3A_102] : memref<204800xi32, #tpu.memory_space<hbm>> -> memref<128xi32, #tpu.memory_space<hbm>>
      %dma_wait3A_164 = arith.constant 0 : i32
      %dma_wait3A_165 = tpu.memref_slice %arg4[%run_scoped3A_103, %dma_wait3A_164] : memref<8x128xi32, #tpu.memory_space<vmem>> -> memref<1x128xi32, #tpu.memory_space<vmem>>
      %dma_wait3A_166 = tpu.memref_squeeze %dma_wait3A_165 : memref<1x128xi32, #tpu.memory_space<vmem>> -> memref<128xi32, #tpu.memory_space<vmem>>
      tpu.wait_dma2 semaphore(%run_scoped3A_152 : memref<!tpu.dma_semaphore, #tpu.memory_space<semaphore_mem>>) src(%dma_wait3A_166 : memref<128xi32, #tpu.memory_space<vmem>>) dst(%dma_wait3A_163 : memref<128xi32, #tpu.memory_space<hbm>>)
      tpu.yield
    }) : () -> ()
    %add3A_104 = arith.constant 139264 : i32
    %add3A_105 = arith.addi %add3A_104, %mul3A_2 : i32
    %run_scoped3A_106 = arith.constant 2 : i32
    "tpu.region"() ({
      %run_scoped3A_152 = tpu.sem_alloc : memref<!tpu.dma_semaphore, #tpu.memory_space<semaphore_mem>>
      %dma_start3A = arith.constant 0 : i32
      %dma_start3A_153 = tpu.memref_slice %arg4[%run_scoped3A_106, %dma_start3A] : memref<8x128xi32, #tpu.memory_space<vmem>> -> memref<1x128xi32, #tpu.memory_space<vmem>>
      %dma_start3A_154 = tpu.memref_squeeze %dma_start3A_153 : memref<1x128xi32, #tpu.memory_space<vmem>> -> memref<128xi32, #tpu.memory_space<vmem>>
      %dma_start3A_155 = tpu.memref_slice %arg3[%add3A_105] : memref<204800xi32, #tpu.memory_space<hbm>> -> memref<128xi32, #tpu.memory_space<hbm>>
      %dma_start3A_156 = tpu.memref_slice %arg3[%add3A_105] : memref<204800xi32, #tpu.memory_space<hbm>> -> memref<128xi32, #tpu.memory_space<hbm>>
      %dma_start3A_157 = arith.constant 0 : i32
      %dma_start3A_158 = tpu.memref_slice %arg4[%run_scoped3A_106, %dma_start3A_157] : memref<8x128xi32, #tpu.memory_space<vmem>> -> memref<1x128xi32, #tpu.memory_space<vmem>>
      %dma_start3A_159 = tpu.memref_squeeze %dma_start3A_158 : memref<1x128xi32, #tpu.memory_space<vmem>> -> memref<128xi32, #tpu.memory_space<vmem>>
      tpu.enqueue_dma source(%dma_start3A_159 : memref<128xi32, #tpu.memory_space<vmem>>) target(%dma_start3A_156 : memref<128xi32, #tpu.memory_space<hbm>>) target_semaphore(%run_scoped3A_152 : memref<!tpu.dma_semaphore, #tpu.memory_space<semaphore_mem>>)
      %dma_wait3A = arith.constant 0 : i32
      %dma_wait3A_160 = tpu.memref_slice %arg4[%run_scoped3A_106, %dma_wait3A] : memref<8x128xi32, #tpu.memory_space<vmem>> -> memref<1x128xi32, #tpu.memory_space<vmem>>
      %dma_wait3A_161 = tpu.memref_squeeze %dma_wait3A_160 : memref<1x128xi32, #tpu.memory_space<vmem>> -> memref<128xi32, #tpu.memory_space<vmem>>
      %dma_wait3A_162 = tpu.memref_slice %arg3[%add3A_105] : memref<204800xi32, #tpu.memory_space<hbm>> -> memref<128xi32, #tpu.memory_space<hbm>>
      %dma_wait3A_163 = tpu.memref_slice %arg3[%add3A_105] : memref<204800xi32, #tpu.memory_space<hbm>> -> memref<128xi32, #tpu.memory_space<hbm>>
      %dma_wait3A_164 = arith.constant 0 : i32
      %dma_wait3A_165 = tpu.memref_slice %arg4[%run_scoped3A_106, %dma_wait3A_164] : memref<8x128xi32, #tpu.memory_space<vmem>> -> memref<1x128xi32, #tpu.memory_space<vmem>>
      %dma_wait3A_166 = tpu.memref_squeeze %dma_wait3A_165 : memref<1x128xi32, #tpu.memory_space<vmem>> -> memref<128xi32, #tpu.memory_space<vmem>>
      tpu.wait_dma2 semaphore(%run_scoped3A_152 : memref<!tpu.dma_semaphore, #tpu.memory_space<semaphore_mem>>) src(%dma_wait3A_166 : memref<128xi32, #tpu.memory_space<vmem>>) dst(%dma_wait3A_163 : memref<128xi32, #tpu.memory_space<hbm>>)
      tpu.yield
    }) : () -> ()
    %add3A_107 = arith.constant 143360 : i32
    %add3A_108 = arith.addi %add3A_107, %mul3A_2 : i32
    %run_scoped3A_109 = arith.constant 3 : i32
    "tpu.region"() ({
      %run_scoped3A_152 = tpu.sem_alloc : memref<!tpu.dma_semaphore, #tpu.memory_space<semaphore_mem>>
      %dma_start3A = arith.constant 0 : i32
      %dma_start3A_153 = tpu.memref_slice %arg4[%run_scoped3A_109, %dma_start3A] : memref<8x128xi32, #tpu.memory_space<vmem>> -> memref<1x128xi32, #tpu.memory_space<vmem>>
      %dma_start3A_154 = tpu.memref_squeeze %dma_start3A_153 : memref<1x128xi32, #tpu.memory_space<vmem>> -> memref<128xi32, #tpu.memory_space<vmem>>
      %dma_start3A_155 = tpu.memref_slice %arg3[%add3A_108] : memref<204800xi32, #tpu.memory_space<hbm>> -> memref<128xi32, #tpu.memory_space<hbm>>
      %dma_start3A_156 = tpu.memref_slice %arg3[%add3A_108] : memref<204800xi32, #tpu.memory_space<hbm>> -> memref<128xi32, #tpu.memory_space<hbm>>
      %dma_start3A_157 = arith.constant 0 : i32
      %dma_start3A_158 = tpu.memref_slice %arg4[%run_scoped3A_109, %dma_start3A_157] : memref<8x128xi32, #tpu.memory_space<vmem>> -> memref<1x128xi32, #tpu.memory_space<vmem>>
      %dma_start3A_159 = tpu.memref_squeeze %dma_start3A_158 : memref<1x128xi32, #tpu.memory_space<vmem>> -> memref<128xi32, #tpu.memory_space<vmem>>
      tpu.enqueue_dma source(%dma_start3A_159 : memref<128xi32, #tpu.memory_space<vmem>>) target(%dma_start3A_156 : memref<128xi32, #tpu.memory_space<hbm>>) target_semaphore(%run_scoped3A_152 : memref<!tpu.dma_semaphore, #tpu.memory_space<semaphore_mem>>)
      %dma_wait3A = arith.constant 0 : i32
      %dma_wait3A_160 = tpu.memref_slice %arg4[%run_scoped3A_109, %dma_wait3A] : memref<8x128xi32, #tpu.memory_space<vmem>> -> memref<1x128xi32, #tpu.memory_space<vmem>>
      %dma_wait3A_161 = tpu.memref_squeeze %dma_wait3A_160 : memref<1x128xi32, #tpu.memory_space<vmem>> -> memref<128xi32, #tpu.memory_space<vmem>>
      %dma_wait3A_162 = tpu.memref_slice %arg3[%add3A_108] : memref<204800xi32, #tpu.memory_space<hbm>> -> memref<128xi32, #tpu.memory_space<hbm>>
      %dma_wait3A_163 = tpu.memref_slice %arg3[%add3A_108] : memref<204800xi32, #tpu.memory_space<hbm>> -> memref<128xi32, #tpu.memory_space<hbm>>
      %dma_wait3A_164 = arith.constant 0 : i32
      %dma_wait3A_165 = tpu.memref_slice %arg4[%run_scoped3A_109, %dma_wait3A_164] : memref<8x128xi32, #tpu.memory_space<vmem>> -> memref<1x128xi32, #tpu.memory_space<vmem>>
      %dma_wait3A_166 = tpu.memref_squeeze %dma_wait3A_165 : memref<1x128xi32, #tpu.memory_space<vmem>> -> memref<128xi32, #tpu.memory_space<vmem>>
      tpu.wait_dma2 semaphore(%run_scoped3A_152 : memref<!tpu.dma_semaphore, #tpu.memory_space<semaphore_mem>>) src(%dma_wait3A_166 : memref<128xi32, #tpu.memory_space<vmem>>) dst(%dma_wait3A_163 : memref<128xi32, #tpu.memory_space<hbm>>)
      tpu.yield
    }) : () -> ()
    %add3A_110 = arith.constant 147456 : i32
    %add3A_111 = arith.addi %add3A_110, %mul3A_2 : i32
    %run_scoped3A_112 = arith.constant 4 : i32
    "tpu.region"() ({
      %run_scoped3A_152 = tpu.sem_alloc : memref<!tpu.dma_semaphore, #tpu.memory_space<semaphore_mem>>
      %dma_start3A = arith.constant 0 : i32
      %dma_start3A_153 = tpu.memref_slice %arg4[%run_scoped3A_112, %dma_start3A] : memref<8x128xi32, #tpu.memory_space<vmem>> -> memref<1x128xi32, #tpu.memory_space<vmem>>
      %dma_start3A_154 = tpu.memref_squeeze %dma_start3A_153 : memref<1x128xi32, #tpu.memory_space<vmem>> -> memref<128xi32, #tpu.memory_space<vmem>>
      %dma_start3A_155 = tpu.memref_slice %arg3[%add3A_111] : memref<204800xi32, #tpu.memory_space<hbm>> -> memref<128xi32, #tpu.memory_space<hbm>>
      %dma_start3A_156 = tpu.memref_slice %arg3[%add3A_111] : memref<204800xi32, #tpu.memory_space<hbm>> -> memref<128xi32, #tpu.memory_space<hbm>>
      %dma_start3A_157 = arith.constant 0 : i32
      %dma_start3A_158 = tpu.memref_slice %arg4[%run_scoped3A_112, %dma_start3A_157] : memref<8x128xi32, #tpu.memory_space<vmem>> -> memref<1x128xi32, #tpu.memory_space<vmem>>
      %dma_start3A_159 = tpu.memref_squeeze %dma_start3A_158 : memref<1x128xi32, #tpu.memory_space<vmem>> -> memref<128xi32, #tpu.memory_space<vmem>>
      tpu.enqueue_dma source(%dma_start3A_159 : memref<128xi32, #tpu.memory_space<vmem>>) target(%dma_start3A_156 : memref<128xi32, #tpu.memory_space<hbm>>) target_semaphore(%run_scoped3A_152 : memref<!tpu.dma_semaphore, #tpu.memory_space<semaphore_mem>>)
      %dma_wait3A = arith.constant 0 : i32
      %dma_wait3A_160 = tpu.memref_slice %arg4[%run_scoped3A_112, %dma_wait3A] : memref<8x128xi32, #tpu.memory_space<vmem>> -> memref<1x128xi32, #tpu.memory_space<vmem>>
      %dma_wait3A_161 = tpu.memref_squeeze %dma_wait3A_160 : memref<1x128xi32, #tpu.memory_space<vmem>> -> memref<128xi32, #tpu.memory_space<vmem>>
      %dma_wait3A_162 = tpu.memref_slice %arg3[%add3A_111] : memref<204800xi32, #tpu.memory_space<hbm>> -> memref<128xi32, #tpu.memory_space<hbm>>
      %dma_wait3A_163 = tpu.memref_slice %arg3[%add3A_111] : memref<204800xi32, #tpu.memory_space<hbm>> -> memref<128xi32, #tpu.memory_space<hbm>>
      %dma_wait3A_164 = arith.constant 0 : i32
      %dma_wait3A_165 = tpu.memref_slice %arg4[%run_scoped3A_112, %dma_wait3A_164] : memref<8x128xi32, #tpu.memory_space<vmem>> -> memref<1x128xi32, #tpu.memory_space<vmem>>
      %dma_wait3A_166 = tpu.memref_squeeze %dma_wait3A_165 : memref<1x128xi32, #tpu.memory_space<vmem>> -> memref<128xi32, #tpu.memory_space<vmem>>
      tpu.wait_dma2 semaphore(%run_scoped3A_152 : memref<!tpu.dma_semaphore, #tpu.memory_space<semaphore_mem>>) src(%dma_wait3A_166 : memref<128xi32, #tpu.memory_space<vmem>>) dst(%dma_wait3A_163 : memref<128xi32, #tpu.memory_space<hbm>>)
      tpu.yield
    }) : () -> ()
    %add3A_113 = arith.constant 151552 : i32
    %add3A_114 = arith.addi %add3A_113, %mul3A_2 : i32
    %run_scoped3A_115 = arith.constant 5 : i32
    "tpu.region"() ({
      %run_scoped3A_152 = tpu.sem_alloc : memref<!tpu.dma_semaphore, #tpu.memory_space<semaphore_mem>>
      %dma_start3A = arith.constant 0 : i32
      %dma_start3A_153 = tpu.memref_slice %arg4[%run_scoped3A_115, %dma_start3A] : memref<8x128xi32, #tpu.memory_space<vmem>> -> memref<1x128xi32, #tpu.memory_space<vmem>>
      %dma_start3A_154 = tpu.memref_squeeze %dma_start3A_153 : memref<1x128xi32, #tpu.memory_space<vmem>> -> memref<128xi32, #tpu.memory_space<vmem>>
      %dma_start3A_155 = tpu.memref_slice %arg3[%add3A_114] : memref<204800xi32, #tpu.memory_space<hbm>> -> memref<128xi32, #tpu.memory_space<hbm>>
      %dma_start3A_156 = tpu.memref_slice %arg3[%add3A_114] : memref<204800xi32, #tpu.memory_space<hbm>> -> memref<128xi32, #tpu.memory_space<hbm>>
      %dma_start3A_157 = arith.constant 0 : i32
      %dma_start3A_158 = tpu.memref_slice %arg4[%run_scoped3A_115, %dma_start3A_157] : memref<8x128xi32, #tpu.memory_space<vmem>> -> memref<1x128xi32, #tpu.memory_space<vmem>>
      %dma_start3A_159 = tpu.memref_squeeze %dma_start3A_158 : memref<1x128xi32, #tpu.memory_space<vmem>> -> memref<128xi32, #tpu.memory_space<vmem>>
      tpu.enqueue_dma source(%dma_start3A_159 : memref<128xi32, #tpu.memory_space<vmem>>) target(%dma_start3A_156 : memref<128xi32, #tpu.memory_space<hbm>>) target_semaphore(%run_scoped3A_152 : memref<!tpu.dma_semaphore, #tpu.memory_space<semaphore_mem>>)
      %dma_wait3A = arith.constant 0 : i32
      %dma_wait3A_160 = tpu.memref_slice %arg4[%run_scoped3A_115, %dma_wait3A] : memref<8x128xi32, #tpu.memory_space<vmem>> -> memref<1x128xi32, #tpu.memory_space<vmem>>
      %dma_wait3A_161 = tpu.memref_squeeze %dma_wait3A_160 : memref<1x128xi32, #tpu.memory_space<vmem>> -> memref<128xi32, #tpu.memory_space<vmem>>
      %dma_wait3A_162 = tpu.memref_slice %arg3[%add3A_114] : memref<204800xi32, #tpu.memory_space<hbm>> -> memref<128xi32, #tpu.memory_space<hbm>>
      %dma_wait3A_163 = tpu.memref_slice %arg3[%add3A_114] : memref<204800xi32, #tpu.memory_space<hbm>> -> memref<128xi32, #tpu.memory_space<hbm>>
      %dma_wait3A_164 = arith.constant 0 : i32
      %dma_wait3A_165 = tpu.memref_slice %arg4[%run_scoped3A_115, %dma_wait3A_164] : memref<8x128xi32, #tpu.memory_space<vmem>> -> memref<1x128xi32, #tpu.memory_space<vmem>>
      %dma_wait3A_166 = tpu.memref_squeeze %dma_wait3A_165 : memref<1x128xi32, #tpu.memory_space<vmem>> -> memref<128xi32, #tpu.memory_space<vmem>>
      tpu.wait_dma2 semaphore(%run_scoped3A_152 : memref<!tpu.dma_semaphore, #tpu.memory_space<semaphore_mem>>) src(%dma_wait3A_166 : memref<128xi32, #tpu.memory_space<vmem>>) dst(%dma_wait3A_163 : memref<128xi32, #tpu.memory_space<hbm>>)
      tpu.yield
    }) : () -> ()
    %add3A_116 = arith.constant 155648 : i32
    %add3A_117 = arith.addi %add3A_116, %mul3A_2 : i32
    %run_scoped3A_118 = arith.constant 6 : i32
    "tpu.region"() ({
      %run_scoped3A_152 = tpu.sem_alloc : memref<!tpu.dma_semaphore, #tpu.memory_space<semaphore_mem>>
      %dma_start3A = arith.constant 0 : i32
      %dma_start3A_153 = tpu.memref_slice %arg4[%run_scoped3A_118, %dma_start3A] : memref<8x128xi32, #tpu.memory_space<vmem>> -> memref<1x128xi32, #tpu.memory_space<vmem>>
      %dma_start3A_154 = tpu.memref_squeeze %dma_start3A_153 : memref<1x128xi32, #tpu.memory_space<vmem>> -> memref<128xi32, #tpu.memory_space<vmem>>
      %dma_start3A_155 = tpu.memref_slice %arg3[%add3A_117] : memref<204800xi32, #tpu.memory_space<hbm>> -> memref<128xi32, #tpu.memory_space<hbm>>
      %dma_start3A_156 = tpu.memref_slice %arg3[%add3A_117] : memref<204800xi32, #tpu.memory_space<hbm>> -> memref<128xi32, #tpu.memory_space<hbm>>
      %dma_start3A_157 = arith.constant 0 : i32
      %dma_start3A_158 = tpu.memref_slice %arg4[%run_scoped3A_118, %dma_start3A_157] : memref<8x128xi32, #tpu.memory_space<vmem>> -> memref<1x128xi32, #tpu.memory_space<vmem>>
      %dma_start3A_159 = tpu.memref_squeeze %dma_start3A_158 : memref<1x128xi32, #tpu.memory_space<vmem>> -> memref<128xi32, #tpu.memory_space<vmem>>
      tpu.enqueue_dma source(%dma_start3A_159 : memref<128xi32, #tpu.memory_space<vmem>>) target(%dma_start3A_156 : memref<128xi32, #tpu.memory_space<hbm>>) target_semaphore(%run_scoped3A_152 : memref<!tpu.dma_semaphore, #tpu.memory_space<semaphore_mem>>)
      %dma_wait3A = arith.constant 0 : i32
      %dma_wait3A_160 = tpu.memref_slice %arg4[%run_scoped3A_118, %dma_wait3A] : memref<8x128xi32, #tpu.memory_space<vmem>> -> memref<1x128xi32, #tpu.memory_space<vmem>>
      %dma_wait3A_161 = tpu.memref_squeeze %dma_wait3A_160 : memref<1x128xi32, #tpu.memory_space<vmem>> -> memref<128xi32, #tpu.memory_space<vmem>>
      %dma_wait3A_162 = tpu.memref_slice %arg3[%add3A_117] : memref<204800xi32, #tpu.memory_space<hbm>> -> memref<128xi32, #tpu.memory_space<hbm>>
      %dma_wait3A_163 = tpu.memref_slice %arg3[%add3A_117] : memref<204800xi32, #tpu.memory_space<hbm>> -> memref<128xi32, #tpu.memory_space<hbm>>
      %dma_wait3A_164 = arith.constant 0 : i32
      %dma_wait3A_165 = tpu.memref_slice %arg4[%run_scoped3A_118, %dma_wait3A_164] : memref<8x128xi32, #tpu.memory_space<vmem>> -> memref<1x128xi32, #tpu.memory_space<vmem>>
      %dma_wait3A_166 = tpu.memref_squeeze %dma_wait3A_165 : memref<1x128xi32, #tpu.memory_space<vmem>> -> memref<128xi32, #tpu.memory_space<vmem>>
      tpu.wait_dma2 semaphore(%run_scoped3A_152 : memref<!tpu.dma_semaphore, #tpu.memory_space<semaphore_mem>>) src(%dma_wait3A_166 : memref<128xi32, #tpu.memory_space<vmem>>) dst(%dma_wait3A_163 : memref<128xi32, #tpu.memory_space<hbm>>)
      tpu.yield
    }) : () -> ()
    %add3A_119 = arith.constant 159744 : i32
    %add3A_120 = arith.addi %add3A_119, %mul3A_2 : i32
    %run_scoped3A_121 = arith.constant 7 : i32
    "tpu.region"() ({
      %run_scoped3A_152 = tpu.sem_alloc : memref<!tpu.dma_semaphore, #tpu.memory_space<semaphore_mem>>
      %dma_start3A = arith.constant 0 : i32
      %dma_start3A_153 = tpu.memref_slice %arg4[%run_scoped3A_121, %dma_start3A] : memref<8x128xi32, #tpu.memory_space<vmem>> -> memref<1x128xi32, #tpu.memory_space<vmem>>
      %dma_start3A_154 = tpu.memref_squeeze %dma_start3A_153 : memref<1x128xi32, #tpu.memory_space<vmem>> -> memref<128xi32, #tpu.memory_space<vmem>>
      %dma_start3A_155 = tpu.memref_slice %arg3[%add3A_120] : memref<204800xi32, #tpu.memory_space<hbm>> -> memref<128xi32, #tpu.memory_space<hbm>>
      %dma_start3A_156 = tpu.memref_slice %arg3[%add3A_120] : memref<204800xi32, #tpu.memory_space<hbm>> -> memref<128xi32, #tpu.memory_space<hbm>>
      %dma_start3A_157 = arith.constant 0 : i32
      %dma_start3A_158 = tpu.memref_slice %arg4[%run_scoped3A_121, %dma_start3A_157] : memref<8x128xi32, #tpu.memory_space<vmem>> -> memref<1x128xi32, #tpu.memory_space<vmem>>
      %dma_start3A_159 = tpu.memref_squeeze %dma_start3A_158 : memref<1x128xi32, #tpu.memory_space<vmem>> -> memref<128xi32, #tpu.memory_space<vmem>>
      tpu.enqueue_dma source(%dma_start3A_159 : memref<128xi32, #tpu.memory_space<vmem>>) target(%dma_start3A_156 : memref<128xi32, #tpu.memory_space<hbm>>) target_semaphore(%run_scoped3A_152 : memref<!tpu.dma_semaphore, #tpu.memory_space<semaphore_mem>>)
      %dma_wait3A = arith.constant 0 : i32
      %dma_wait3A_160 = tpu.memref_slice %arg4[%run_scoped3A_121, %dma_wait3A] : memref<8x128xi32, #tpu.memory_space<vmem>> -> memref<1x128xi32, #tpu.memory_space<vmem>>
      %dma_wait3A_161 = tpu.memref_squeeze %dma_wait3A_160 : memref<1x128xi32, #tpu.memory_space<vmem>> -> memref<128xi32, #tpu.memory_space<vmem>>
      %dma_wait3A_162 = tpu.memref_slice %arg3[%add3A_120] : memref<204800xi32, #tpu.memory_space<hbm>> -> memref<128xi32, #tpu.memory_space<hbm>>
      %dma_wait3A_163 = tpu.memref_slice %arg3[%add3A_120] : memref<204800xi32, #tpu.memory_space<hbm>> -> memref<128xi32, #tpu.memory_space<hbm>>
      %dma_wait3A_164 = arith.constant 0 : i32
      %dma_wait3A_165 = tpu.memref_slice %arg4[%run_scoped3A_121, %dma_wait3A_164] : memref<8x128xi32, #tpu.memory_space<vmem>> -> memref<1x128xi32, #tpu.memory_space<vmem>>
      %dma_wait3A_166 = tpu.memref_squeeze %dma_wait3A_165 : memref<1x128xi32, #tpu.memory_space<vmem>> -> memref<128xi32, #tpu.memory_space<vmem>>
      tpu.wait_dma2 semaphore(%run_scoped3A_152 : memref<!tpu.dma_semaphore, #tpu.memory_space<semaphore_mem>>) src(%dma_wait3A_166 : memref<128xi32, #tpu.memory_space<vmem>>) dst(%dma_wait3A_163 : memref<128xi32, #tpu.memory_space<hbm>>)
      tpu.yield
    }) : () -> ()
    "tpu.region"() ({
      %run_scoped3A_152 = tpu.sem_alloc : memref<!tpu.dma_semaphore, #tpu.memory_space<semaphore_mem>>
      %dma_start3A = arith.constant 0 : i32
      %dma_start3A_153 = arith.constant 0 : i32
      %dma_start3A_154 = tpu.memref_slice %arg4[%dma_start3A, %dma_start3A_153] : memref<8x128xi32, #tpu.memory_space<vmem>> -> memref<8x128xi32, #tpu.memory_space<vmem>>
      %dma_start3A_155 = arith.constant 40 : i32
      %dma_start3A_156 = tpu.memref_slice %arg2[%dma_start3A_155, %mul3A_2] : memref<50x4096xi32, #tpu.memory_space<hbm>> -> memref<8x128xi32, #tpu.memory_space<hbm>>
      %dma_start3A_157 = arith.constant 0 : i32
      %dma_start3A_158 = arith.constant 0 : i32
      %dma_start3A_159 = tpu.memref_slice %arg4[%dma_start3A_157, %dma_start3A_158] : memref<8x128xi32, #tpu.memory_space<vmem>> -> memref<8x128xi32, #tpu.memory_space<vmem>>
      %dma_start3A_160 = arith.constant 40 : i32
      %dma_start3A_161 = tpu.memref_slice %arg2[%dma_start3A_160, %mul3A_2] : memref<50x4096xi32, #tpu.memory_space<hbm>> -> memref<8x128xi32, #tpu.memory_space<hbm>>
      tpu.enqueue_dma source(%dma_start3A_161 : memref<8x128xi32, #tpu.memory_space<hbm>>) target(%dma_start3A_159 : memref<8x128xi32, #tpu.memory_space<vmem>>) target_semaphore(%run_scoped3A_152 : memref<!tpu.dma_semaphore, #tpu.memory_space<semaphore_mem>>)
      %dma_wait3A = arith.constant 0 : i32
      %dma_wait3A_162 = arith.constant 0 : i32
      %dma_wait3A_163 = tpu.memref_slice %arg4[%dma_wait3A, %dma_wait3A_162] : memref<8x128xi32, #tpu.memory_space<vmem>> -> memref<8x128xi32, #tpu.memory_space<vmem>>
      %dma_wait3A_164 = arith.constant 40 : i32
      %dma_wait3A_165 = tpu.memref_slice %arg2[%dma_wait3A_164, %mul3A_2] : memref<50x4096xi32, #tpu.memory_space<hbm>> -> memref<8x128xi32, #tpu.memory_space<hbm>>
      %dma_wait3A_166 = arith.constant 0 : i32
      %dma_wait3A_167 = arith.constant 0 : i32
      %dma_wait3A_168 = tpu.memref_slice %arg4[%dma_wait3A_166, %dma_wait3A_167] : memref<8x128xi32, #tpu.memory_space<vmem>> -> memref<8x128xi32, #tpu.memory_space<vmem>>
      %dma_wait3A_169 = arith.constant 40 : i32
      %dma_wait3A_170 = tpu.memref_slice %arg2[%dma_wait3A_169, %mul3A_2] : memref<50x4096xi32, #tpu.memory_space<hbm>> -> memref<8x128xi32, #tpu.memory_space<hbm>>
      tpu.wait_dma2 semaphore(%run_scoped3A_152 : memref<!tpu.dma_semaphore, #tpu.memory_space<semaphore_mem>>) src(%dma_wait3A_170 : memref<8x128xi32, #tpu.memory_space<hbm>>) dst(%dma_wait3A_168 : memref<8x128xi32, #tpu.memory_space<vmem>>)
      tpu.yield
    }) : () -> ()
    %add3A_122 = arith.constant 163840 : i32
    %add3A_123 = arith.addi %add3A_122, %mul3A_2 : i32
    %run_scoped3A_124 = arith.constant 0 : i32
    "tpu.region"() ({
      %run_scoped3A_152 = tpu.sem_alloc : memref<!tpu.dma_semaphore, #tpu.memory_space<semaphore_mem>>
      %dma_start3A = arith.constant 0 : i32
      %dma_start3A_153 = tpu.memref_slice %arg4[%run_scoped3A_124, %dma_start3A] : memref<8x128xi32, #tpu.memory_space<vmem>> -> memref<1x128xi32, #tpu.memory_space<vmem>>
      %dma_start3A_154 = tpu.memref_squeeze %dma_start3A_153 : memref<1x128xi32, #tpu.memory_space<vmem>> -> memref<128xi32, #tpu.memory_space<vmem>>
      %dma_start3A_155 = tpu.memref_slice %arg3[%add3A_123] : memref<204800xi32, #tpu.memory_space<hbm>> -> memref<128xi32, #tpu.memory_space<hbm>>
      %dma_start3A_156 = tpu.memref_slice %arg3[%add3A_123] : memref<204800xi32, #tpu.memory_space<hbm>> -> memref<128xi32, #tpu.memory_space<hbm>>
      %dma_start3A_157 = arith.constant 0 : i32
      %dma_start3A_158 = tpu.memref_slice %arg4[%run_scoped3A_124, %dma_start3A_157] : memref<8x128xi32, #tpu.memory_space<vmem>> -> memref<1x128xi32, #tpu.memory_space<vmem>>
      %dma_start3A_159 = tpu.memref_squeeze %dma_start3A_158 : memref<1x128xi32, #tpu.memory_space<vmem>> -> memref<128xi32, #tpu.memory_space<vmem>>
      tpu.enqueue_dma source(%dma_start3A_159 : memref<128xi32, #tpu.memory_space<vmem>>) target(%dma_start3A_156 : memref<128xi32, #tpu.memory_space<hbm>>) target_semaphore(%run_scoped3A_152 : memref<!tpu.dma_semaphore, #tpu.memory_space<semaphore_mem>>)
      %dma_wait3A = arith.constant 0 : i32
      %dma_wait3A_160 = tpu.memref_slice %arg4[%run_scoped3A_124, %dma_wait3A] : memref<8x128xi32, #tpu.memory_space<vmem>> -> memref<1x128xi32, #tpu.memory_space<vmem>>
      %dma_wait3A_161 = tpu.memref_squeeze %dma_wait3A_160 : memref<1x128xi32, #tpu.memory_space<vmem>> -> memref<128xi32, #tpu.memory_space<vmem>>
      %dma_wait3A_162 = tpu.memref_slice %arg3[%add3A_123] : memref<204800xi32, #tpu.memory_space<hbm>> -> memref<128xi32, #tpu.memory_space<hbm>>
      %dma_wait3A_163 = tpu.memref_slice %arg3[%add3A_123] : memref<204800xi32, #tpu.memory_space<hbm>> -> memref<128xi32, #tpu.memory_space<hbm>>
      %dma_wait3A_164 = arith.constant 0 : i32
      %dma_wait3A_165 = tpu.memref_slice %arg4[%run_scoped3A_124, %dma_wait3A_164] : memref<8x128xi32, #tpu.memory_space<vmem>> -> memref<1x128xi32, #tpu.memory_space<vmem>>
      %dma_wait3A_166 = tpu.memref_squeeze %dma_wait3A_165 : memref<1x128xi32, #tpu.memory_space<vmem>> -> memref<128xi32, #tpu.memory_space<vmem>>
      tpu.wait_dma2 semaphore(%run_scoped3A_152 : memref<!tpu.dma_semaphore, #tpu.memory_space<semaphore_mem>>) src(%dma_wait3A_166 : memref<128xi32, #tpu.memory_space<vmem>>) dst(%dma_wait3A_163 : memref<128xi32, #tpu.memory_space<hbm>>)
      tpu.yield
    }) : () -> ()
    %add3A_125 = arith.constant 167936 : i32
    %add3A_126 = arith.addi %add3A_125, %mul3A_2 : i32
    %run_scoped3A_127 = arith.constant 1 : i32
    "tpu.region"() ({
      %run_scoped3A_152 = tpu.sem_alloc : memref<!tpu.dma_semaphore, #tpu.memory_space<semaphore_mem>>
      %dma_start3A = arith.constant 0 : i32
      %dma_start3A_153 = tpu.memref_slice %arg4[%run_scoped3A_127, %dma_start3A] : memref<8x128xi32, #tpu.memory_space<vmem>> -> memref<1x128xi32, #tpu.memory_space<vmem>>
      %dma_start3A_154 = tpu.memref_squeeze %dma_start3A_153 : memref<1x128xi32, #tpu.memory_space<vmem>> -> memref<128xi32, #tpu.memory_space<vmem>>
      %dma_start3A_155 = tpu.memref_slice %arg3[%add3A_126] : memref<204800xi32, #tpu.memory_space<hbm>> -> memref<128xi32, #tpu.memory_space<hbm>>
      %dma_start3A_156 = tpu.memref_slice %arg3[%add3A_126] : memref<204800xi32, #tpu.memory_space<hbm>> -> memref<128xi32, #tpu.memory_space<hbm>>
      %dma_start3A_157 = arith.constant 0 : i32
      %dma_start3A_158 = tpu.memref_slice %arg4[%run_scoped3A_127, %dma_start3A_157] : memref<8x128xi32, #tpu.memory_space<vmem>> -> memref<1x128xi32, #tpu.memory_space<vmem>>
      %dma_start3A_159 = tpu.memref_squeeze %dma_start3A_158 : memref<1x128xi32, #tpu.memory_space<vmem>> -> memref<128xi32, #tpu.memory_space<vmem>>
      tpu.enqueue_dma source(%dma_start3A_159 : memref<128xi32, #tpu.memory_space<vmem>>) target(%dma_start3A_156 : memref<128xi32, #tpu.memory_space<hbm>>) target_semaphore(%run_scoped3A_152 : memref<!tpu.dma_semaphore, #tpu.memory_space<semaphore_mem>>)
      %dma_wait3A = arith.constant 0 : i32
      %dma_wait3A_160 = tpu.memref_slice %arg4[%run_scoped3A_127, %dma_wait3A] : memref<8x128xi32, #tpu.memory_space<vmem>> -> memref<1x128xi32, #tpu.memory_space<vmem>>
      %dma_wait3A_161 = tpu.memref_squeeze %dma_wait3A_160 : memref<1x128xi32, #tpu.memory_space<vmem>> -> memref<128xi32, #tpu.memory_space<vmem>>
      %dma_wait3A_162 = tpu.memref_slice %arg3[%add3A_126] : memref<204800xi32, #tpu.memory_space<hbm>> -> memref<128xi32, #tpu.memory_space<hbm>>
      %dma_wait3A_163 = tpu.memref_slice %arg3[%add3A_126] : memref<204800xi32, #tpu.memory_space<hbm>> -> memref<128xi32, #tpu.memory_space<hbm>>
      %dma_wait3A_164 = arith.constant 0 : i32
      %dma_wait3A_165 = tpu.memref_slice %arg4[%run_scoped3A_127, %dma_wait3A_164] : memref<8x128xi32, #tpu.memory_space<vmem>> -> memref<1x128xi32, #tpu.memory_space<vmem>>
      %dma_wait3A_166 = tpu.memref_squeeze %dma_wait3A_165 : memref<1x128xi32, #tpu.memory_space<vmem>> -> memref<128xi32, #tpu.memory_space<vmem>>
      tpu.wait_dma2 semaphore(%run_scoped3A_152 : memref<!tpu.dma_semaphore, #tpu.memory_space<semaphore_mem>>) src(%dma_wait3A_166 : memref<128xi32, #tpu.memory_space<vmem>>) dst(%dma_wait3A_163 : memref<128xi32, #tpu.memory_space<hbm>>)
      tpu.yield
    }) : () -> ()
    %add3A_128 = arith.constant 172032 : i32
    %add3A_129 = arith.addi %add3A_128, %mul3A_2 : i32
    %run_scoped3A_130 = arith.constant 2 : i32
    "tpu.region"() ({
      %run_scoped3A_152 = tpu.sem_alloc : memref<!tpu.dma_semaphore, #tpu.memory_space<semaphore_mem>>
      %dma_start3A = arith.constant 0 : i32
      %dma_start3A_153 = tpu.memref_slice %arg4[%run_scoped3A_130, %dma_start3A] : memref<8x128xi32, #tpu.memory_space<vmem>> -> memref<1x128xi32, #tpu.memory_space<vmem>>
      %dma_start3A_154 = tpu.memref_squeeze %dma_start3A_153 : memref<1x128xi32, #tpu.memory_space<vmem>> -> memref<128xi32, #tpu.memory_space<vmem>>
      %dma_start3A_155 = tpu.memref_slice %arg3[%add3A_129] : memref<204800xi32, #tpu.memory_space<hbm>> -> memref<128xi32, #tpu.memory_space<hbm>>
      %dma_start3A_156 = tpu.memref_slice %arg3[%add3A_129] : memref<204800xi32, #tpu.memory_space<hbm>> -> memref<128xi32, #tpu.memory_space<hbm>>
      %dma_start3A_157 = arith.constant 0 : i32
      %dma_start3A_158 = tpu.memref_slice %arg4[%run_scoped3A_130, %dma_start3A_157] : memref<8x128xi32, #tpu.memory_space<vmem>> -> memref<1x128xi32, #tpu.memory_space<vmem>>
      %dma_start3A_159 = tpu.memref_squeeze %dma_start3A_158 : memref<1x128xi32, #tpu.memory_space<vmem>> -> memref<128xi32, #tpu.memory_space<vmem>>
      tpu.enqueue_dma source(%dma_start3A_159 : memref<128xi32, #tpu.memory_space<vmem>>) target(%dma_start3A_156 : memref<128xi32, #tpu.memory_space<hbm>>) target_semaphore(%run_scoped3A_152 : memref<!tpu.dma_semaphore, #tpu.memory_space<semaphore_mem>>)
      %dma_wait3A = arith.constant 0 : i32
      %dma_wait3A_160 = tpu.memref_slice %arg4[%run_scoped3A_130, %dma_wait3A] : memref<8x128xi32, #tpu.memory_space<vmem>> -> memref<1x128xi32, #tpu.memory_space<vmem>>
      %dma_wait3A_161 = tpu.memref_squeeze %dma_wait3A_160 : memref<1x128xi32, #tpu.memory_space<vmem>> -> memref<128xi32, #tpu.memory_space<vmem>>
      %dma_wait3A_162 = tpu.memref_slice %arg3[%add3A_129] : memref<204800xi32, #tpu.memory_space<hbm>> -> memref<128xi32, #tpu.memory_space<hbm>>
      %dma_wait3A_163 = tpu.memref_slice %arg3[%add3A_129] : memref<204800xi32, #tpu.memory_space<hbm>> -> memref<128xi32, #tpu.memory_space<hbm>>
      %dma_wait3A_164 = arith.constant 0 : i32
      %dma_wait3A_165 = tpu.memref_slice %arg4[%run_scoped3A_130, %dma_wait3A_164] : memref<8x128xi32, #tpu.memory_space<vmem>> -> memref<1x128xi32, #tpu.memory_space<vmem>>
      %dma_wait3A_166 = tpu.memref_squeeze %dma_wait3A_165 : memref<1x128xi32, #tpu.memory_space<vmem>> -> memref<128xi32, #tpu.memory_space<vmem>>
      tpu.wait_dma2 semaphore(%run_scoped3A_152 : memref<!tpu.dma_semaphore, #tpu.memory_space<semaphore_mem>>) src(%dma_wait3A_166 : memref<128xi32, #tpu.memory_space<vmem>>) dst(%dma_wait3A_163 : memref<128xi32, #tpu.memory_space<hbm>>)
      tpu.yield
    }) : () -> ()
    %add3A_131 = arith.constant 176128 : i32
    %add3A_132 = arith.addi %add3A_131, %mul3A_2 : i32
    %run_scoped3A_133 = arith.constant 3 : i32
    "tpu.region"() ({
      %run_scoped3A_152 = tpu.sem_alloc : memref<!tpu.dma_semaphore, #tpu.memory_space<semaphore_mem>>
      %dma_start3A = arith.constant 0 : i32
      %dma_start3A_153 = tpu.memref_slice %arg4[%run_scoped3A_133, %dma_start3A] : memref<8x128xi32, #tpu.memory_space<vmem>> -> memref<1x128xi32, #tpu.memory_space<vmem>>
      %dma_start3A_154 = tpu.memref_squeeze %dma_start3A_153 : memref<1x128xi32, #tpu.memory_space<vmem>> -> memref<128xi32, #tpu.memory_space<vmem>>
      %dma_start3A_155 = tpu.memref_slice %arg3[%add3A_132] : memref<204800xi32, #tpu.memory_space<hbm>> -> memref<128xi32, #tpu.memory_space<hbm>>
      %dma_start3A_156 = tpu.memref_slice %arg3[%add3A_132] : memref<204800xi32, #tpu.memory_space<hbm>> -> memref<128xi32, #tpu.memory_space<hbm>>
      %dma_start3A_157 = arith.constant 0 : i32
      %dma_start3A_158 = tpu.memref_slice %arg4[%run_scoped3A_133, %dma_start3A_157] : memref<8x128xi32, #tpu.memory_space<vmem>> -> memref<1x128xi32, #tpu.memory_space<vmem>>
      %dma_start3A_159 = tpu.memref_squeeze %dma_start3A_158 : memref<1x128xi32, #tpu.memory_space<vmem>> -> memref<128xi32, #tpu.memory_space<vmem>>
      tpu.enqueue_dma source(%dma_start3A_159 : memref<128xi32, #tpu.memory_space<vmem>>) target(%dma_start3A_156 : memref<128xi32, #tpu.memory_space<hbm>>) target_semaphore(%run_scoped3A_152 : memref<!tpu.dma_semaphore, #tpu.memory_space<semaphore_mem>>)
      %dma_wait3A = arith.constant 0 : i32
      %dma_wait3A_160 = tpu.memref_slice %arg4[%run_scoped3A_133, %dma_wait3A] : memref<8x128xi32, #tpu.memory_space<vmem>> -> memref<1x128xi32, #tpu.memory_space<vmem>>
      %dma_wait3A_161 = tpu.memref_squeeze %dma_wait3A_160 : memref<1x128xi32, #tpu.memory_space<vmem>> -> memref<128xi32, #tpu.memory_space<vmem>>
      %dma_wait3A_162 = tpu.memref_slice %arg3[%add3A_132] : memref<204800xi32, #tpu.memory_space<hbm>> -> memref<128xi32, #tpu.memory_space<hbm>>
      %dma_wait3A_163 = tpu.memref_slice %arg3[%add3A_132] : memref<204800xi32, #tpu.memory_space<hbm>> -> memref<128xi32, #tpu.memory_space<hbm>>
      %dma_wait3A_164 = arith.constant 0 : i32
      %dma_wait3A_165 = tpu.memref_slice %arg4[%run_scoped3A_133, %dma_wait3A_164] : memref<8x128xi32, #tpu.memory_space<vmem>> -> memref<1x128xi32, #tpu.memory_space<vmem>>
      %dma_wait3A_166 = tpu.memref_squeeze %dma_wait3A_165 : memref<1x128xi32, #tpu.memory_space<vmem>> -> memref<128xi32, #tpu.memory_space<vmem>>
      tpu.wait_dma2 semaphore(%run_scoped3A_152 : memref<!tpu.dma_semaphore, #tpu.memory_space<semaphore_mem>>) src(%dma_wait3A_166 : memref<128xi32, #tpu.memory_space<vmem>>) dst(%dma_wait3A_163 : memref<128xi32, #tpu.memory_space<hbm>>)
      tpu.yield
    }) : () -> ()
    %add3A_134 = arith.constant 180224 : i32
    %add3A_135 = arith.addi %add3A_134, %mul3A_2 : i32
    %run_scoped3A_136 = arith.constant 4 : i32
    "tpu.region"() ({
      %run_scoped3A_152 = tpu.sem_alloc : memref<!tpu.dma_semaphore, #tpu.memory_space<semaphore_mem>>
      %dma_start3A = arith.constant 0 : i32
      %dma_start3A_153 = tpu.memref_slice %arg4[%run_scoped3A_136, %dma_start3A] : memref<8x128xi32, #tpu.memory_space<vmem>> -> memref<1x128xi32, #tpu.memory_space<vmem>>
      %dma_start3A_154 = tpu.memref_squeeze %dma_start3A_153 : memref<1x128xi32, #tpu.memory_space<vmem>> -> memref<128xi32, #tpu.memory_space<vmem>>
      %dma_start3A_155 = tpu.memref_slice %arg3[%add3A_135] : memref<204800xi32, #tpu.memory_space<hbm>> -> memref<128xi32, #tpu.memory_space<hbm>>
      %dma_start3A_156 = tpu.memref_slice %arg3[%add3A_135] : memref<204800xi32, #tpu.memory_space<hbm>> -> memref<128xi32, #tpu.memory_space<hbm>>
      %dma_start3A_157 = arith.constant 0 : i32
      %dma_start3A_158 = tpu.memref_slice %arg4[%run_scoped3A_136, %dma_start3A_157] : memref<8x128xi32, #tpu.memory_space<vmem>> -> memref<1x128xi32, #tpu.memory_space<vmem>>
      %dma_start3A_159 = tpu.memref_squeeze %dma_start3A_158 : memref<1x128xi32, #tpu.memory_space<vmem>> -> memref<128xi32, #tpu.memory_space<vmem>>
      tpu.enqueue_dma source(%dma_start3A_159 : memref<128xi32, #tpu.memory_space<vmem>>) target(%dma_start3A_156 : memref<128xi32, #tpu.memory_space<hbm>>) target_semaphore(%run_scoped3A_152 : memref<!tpu.dma_semaphore, #tpu.memory_space<semaphore_mem>>)
      %dma_wait3A = arith.constant 0 : i32
      %dma_wait3A_160 = tpu.memref_slice %arg4[%run_scoped3A_136, %dma_wait3A] : memref<8x128xi32, #tpu.memory_space<vmem>> -> memref<1x128xi32, #tpu.memory_space<vmem>>
      %dma_wait3A_161 = tpu.memref_squeeze %dma_wait3A_160 : memref<1x128xi32, #tpu.memory_space<vmem>> -> memref<128xi32, #tpu.memory_space<vmem>>
      %dma_wait3A_162 = tpu.memref_slice %arg3[%add3A_135] : memref<204800xi32, #tpu.memory_space<hbm>> -> memref<128xi32, #tpu.memory_space<hbm>>
      %dma_wait3A_163 = tpu.memref_slice %arg3[%add3A_135] : memref<204800xi32, #tpu.memory_space<hbm>> -> memref<128xi32, #tpu.memory_space<hbm>>
      %dma_wait3A_164 = arith.constant 0 : i32
      %dma_wait3A_165 = tpu.memref_slice %arg4[%run_scoped3A_136, %dma_wait3A_164] : memref<8x128xi32, #tpu.memory_space<vmem>> -> memref<1x128xi32, #tpu.memory_space<vmem>>
      %dma_wait3A_166 = tpu.memref_squeeze %dma_wait3A_165 : memref<1x128xi32, #tpu.memory_space<vmem>> -> memref<128xi32, #tpu.memory_space<vmem>>
      tpu.wait_dma2 semaphore(%run_scoped3A_152 : memref<!tpu.dma_semaphore, #tpu.memory_space<semaphore_mem>>) src(%dma_wait3A_166 : memref<128xi32, #tpu.memory_space<vmem>>) dst(%dma_wait3A_163 : memref<128xi32, #tpu.memory_space<hbm>>)
      tpu.yield
    }) : () -> ()
    %add3A_137 = arith.constant 184320 : i32
    %add3A_138 = arith.addi %add3A_137, %mul3A_2 : i32
    %run_scoped3A_139 = arith.constant 5 : i32
    "tpu.region"() ({
      %run_scoped3A_152 = tpu.sem_alloc : memref<!tpu.dma_semaphore, #tpu.memory_space<semaphore_mem>>
      %dma_start3A = arith.constant 0 : i32
      %dma_start3A_153 = tpu.memref_slice %arg4[%run_scoped3A_139, %dma_start3A] : memref<8x128xi32, #tpu.memory_space<vmem>> -> memref<1x128xi32, #tpu.memory_space<vmem>>
      %dma_start3A_154 = tpu.memref_squeeze %dma_start3A_153 : memref<1x128xi32, #tpu.memory_space<vmem>> -> memref<128xi32, #tpu.memory_space<vmem>>
      %dma_start3A_155 = tpu.memref_slice %arg3[%add3A_138] : memref<204800xi32, #tpu.memory_space<hbm>> -> memref<128xi32, #tpu.memory_space<hbm>>
      %dma_start3A_156 = tpu.memref_slice %arg3[%add3A_138] : memref<204800xi32, #tpu.memory_space<hbm>> -> memref<128xi32, #tpu.memory_space<hbm>>
      %dma_start3A_157 = arith.constant 0 : i32
      %dma_start3A_158 = tpu.memref_slice %arg4[%run_scoped3A_139, %dma_start3A_157] : memref<8x128xi32, #tpu.memory_space<vmem>> -> memref<1x128xi32, #tpu.memory_space<vmem>>
      %dma_start3A_159 = tpu.memref_squeeze %dma_start3A_158 : memref<1x128xi32, #tpu.memory_space<vmem>> -> memref<128xi32, #tpu.memory_space<vmem>>
      tpu.enqueue_dma source(%dma_start3A_159 : memref<128xi32, #tpu.memory_space<vmem>>) target(%dma_start3A_156 : memref<128xi32, #tpu.memory_space<hbm>>) target_semaphore(%run_scoped3A_152 : memref<!tpu.dma_semaphore, #tpu.memory_space<semaphore_mem>>)
      %dma_wait3A = arith.constant 0 : i32
      %dma_wait3A_160 = tpu.memref_slice %arg4[%run_scoped3A_139, %dma_wait3A] : memref<8x128xi32, #tpu.memory_space<vmem>> -> memref<1x128xi32, #tpu.memory_space<vmem>>
      %dma_wait3A_161 = tpu.memref_squeeze %dma_wait3A_160 : memref<1x128xi32, #tpu.memory_space<vmem>> -> memref<128xi32, #tpu.memory_space<vmem>>
      %dma_wait3A_162 = tpu.memref_slice %arg3[%add3A_138] : memref<204800xi32, #tpu.memory_space<hbm>> -> memref<128xi32, #tpu.memory_space<hbm>>
      %dma_wait3A_163 = tpu.memref_slice %arg3[%add3A_138] : memref<204800xi32, #tpu.memory_space<hbm>> -> memref<128xi32, #tpu.memory_space<hbm>>
      %dma_wait3A_164 = arith.constant 0 : i32
      %dma_wait3A_165 = tpu.memref_slice %arg4[%run_scoped3A_139, %dma_wait3A_164] : memref<8x128xi32, #tpu.memory_space<vmem>> -> memref<1x128xi32, #tpu.memory_space<vmem>>
      %dma_wait3A_166 = tpu.memref_squeeze %dma_wait3A_165 : memref<1x128xi32, #tpu.memory_space<vmem>> -> memref<128xi32, #tpu.memory_space<vmem>>
      tpu.wait_dma2 semaphore(%run_scoped3A_152 : memref<!tpu.dma_semaphore, #tpu.memory_space<semaphore_mem>>) src(%dma_wait3A_166 : memref<128xi32, #tpu.memory_space<vmem>>) dst(%dma_wait3A_163 : memref<128xi32, #tpu.memory_space<hbm>>)
      tpu.yield
    }) : () -> ()
    %add3A_140 = arith.constant 188416 : i32
    %add3A_141 = arith.addi %add3A_140, %mul3A_2 : i32
    %run_scoped3A_142 = arith.constant 6 : i32
    "tpu.region"() ({
      %run_scoped3A_152 = tpu.sem_alloc : memref<!tpu.dma_semaphore, #tpu.memory_space<semaphore_mem>>
      %dma_start3A = arith.constant 0 : i32
      %dma_start3A_153 = tpu.memref_slice %arg4[%run_scoped3A_142, %dma_start3A] : memref<8x128xi32, #tpu.memory_space<vmem>> -> memref<1x128xi32, #tpu.memory_space<vmem>>
      %dma_start3A_154 = tpu.memref_squeeze %dma_start3A_153 : memref<1x128xi32, #tpu.memory_space<vmem>> -> memref<128xi32, #tpu.memory_space<vmem>>
      %dma_start3A_155 = tpu.memref_slice %arg3[%add3A_141] : memref<204800xi32, #tpu.memory_space<hbm>> -> memref<128xi32, #tpu.memory_space<hbm>>
      %dma_start3A_156 = tpu.memref_slice %arg3[%add3A_141] : memref<204800xi32, #tpu.memory_space<hbm>> -> memref<128xi32, #tpu.memory_space<hbm>>
      %dma_start3A_157 = arith.constant 0 : i32
      %dma_start3A_158 = tpu.memref_slice %arg4[%run_scoped3A_142, %dma_start3A_157] : memref<8x128xi32, #tpu.memory_space<vmem>> -> memref<1x128xi32, #tpu.memory_space<vmem>>
      %dma_start3A_159 = tpu.memref_squeeze %dma_start3A_158 : memref<1x128xi32, #tpu.memory_space<vmem>> -> memref<128xi32, #tpu.memory_space<vmem>>
      tpu.enqueue_dma source(%dma_start3A_159 : memref<128xi32, #tpu.memory_space<vmem>>) target(%dma_start3A_156 : memref<128xi32, #tpu.memory_space<hbm>>) target_semaphore(%run_scoped3A_152 : memref<!tpu.dma_semaphore, #tpu.memory_space<semaphore_mem>>)
      %dma_wait3A = arith.constant 0 : i32
      %dma_wait3A_160 = tpu.memref_slice %arg4[%run_scoped3A_142, %dma_wait3A] : memref<8x128xi32, #tpu.memory_space<vmem>> -> memref<1x128xi32, #tpu.memory_space<vmem>>
      %dma_wait3A_161 = tpu.memref_squeeze %dma_wait3A_160 : memref<1x128xi32, #tpu.memory_space<vmem>> -> memref<128xi32, #tpu.memory_space<vmem>>
      %dma_wait3A_162 = tpu.memref_slice %arg3[%add3A_141] : memref<204800xi32, #tpu.memory_space<hbm>> -> memref<128xi32, #tpu.memory_space<hbm>>
      %dma_wait3A_163 = tpu.memref_slice %arg3[%add3A_141] : memref<204800xi32, #tpu.memory_space<hbm>> -> memref<128xi32, #tpu.memory_space<hbm>>
      %dma_wait3A_164 = arith.constant 0 : i32
      %dma_wait3A_165 = tpu.memref_slice %arg4[%run_scoped3A_142, %dma_wait3A_164] : memref<8x128xi32, #tpu.memory_space<vmem>> -> memref<1x128xi32, #tpu.memory_space<vmem>>
      %dma_wait3A_166 = tpu.memref_squeeze %dma_wait3A_165 : memref<1x128xi32, #tpu.memory_space<vmem>> -> memref<128xi32, #tpu.memory_space<vmem>>
      tpu.wait_dma2 semaphore(%run_scoped3A_152 : memref<!tpu.dma_semaphore, #tpu.memory_space<semaphore_mem>>) src(%dma_wait3A_166 : memref<128xi32, #tpu.memory_space<vmem>>) dst(%dma_wait3A_163 : memref<128xi32, #tpu.memory_space<hbm>>)
      tpu.yield
    }) : () -> ()
    %add3A_143 = arith.constant 192512 : i32
    %add3A_144 = arith.addi %add3A_143, %mul3A_2 : i32
    %run_scoped3A_145 = arith.constant 7 : i32
    "tpu.region"() ({
      %run_scoped3A_152 = tpu.sem_alloc : memref<!tpu.dma_semaphore, #tpu.memory_space<semaphore_mem>>
      %dma_start3A = arith.constant 0 : i32
      %dma_start3A_153 = tpu.memref_slice %arg4[%run_scoped3A_145, %dma_start3A] : memref<8x128xi32, #tpu.memory_space<vmem>> -> memref<1x128xi32, #tpu.memory_space<vmem>>
      %dma_start3A_154 = tpu.memref_squeeze %dma_start3A_153 : memref<1x128xi32, #tpu.memory_space<vmem>> -> memref<128xi32, #tpu.memory_space<vmem>>
      %dma_start3A_155 = tpu.memref_slice %arg3[%add3A_144] : memref<204800xi32, #tpu.memory_space<hbm>> -> memref<128xi32, #tpu.memory_space<hbm>>
      %dma_start3A_156 = tpu.memref_slice %arg3[%add3A_144] : memref<204800xi32, #tpu.memory_space<hbm>> -> memref<128xi32, #tpu.memory_space<hbm>>
      %dma_start3A_157 = arith.constant 0 : i32
      %dma_start3A_158 = tpu.memref_slice %arg4[%run_scoped3A_145, %dma_start3A_157] : memref<8x128xi32, #tpu.memory_space<vmem>> -> memref<1x128xi32, #tpu.memory_space<vmem>>
      %dma_start3A_159 = tpu.memref_squeeze %dma_start3A_158 : memref<1x128xi32, #tpu.memory_space<vmem>> -> memref<128xi32, #tpu.memory_space<vmem>>
      tpu.enqueue_dma source(%dma_start3A_159 : memref<128xi32, #tpu.memory_space<vmem>>) target(%dma_start3A_156 : memref<128xi32, #tpu.memory_space<hbm>>) target_semaphore(%run_scoped3A_152 : memref<!tpu.dma_semaphore, #tpu.memory_space<semaphore_mem>>)
      %dma_wait3A = arith.constant 0 : i32
      %dma_wait3A_160 = tpu.memref_slice %arg4[%run_scoped3A_145, %dma_wait3A] : memref<8x128xi32, #tpu.memory_space<vmem>> -> memref<1x128xi32, #tpu.memory_space<vmem>>
      %dma_wait3A_161 = tpu.memref_squeeze %dma_wait3A_160 : memref<1x128xi32, #tpu.memory_space<vmem>> -> memref<128xi32, #tpu.memory_space<vmem>>
      %dma_wait3A_162 = tpu.memref_slice %arg3[%add3A_144] : memref<204800xi32, #tpu.memory_space<hbm>> -> memref<128xi32, #tpu.memory_space<hbm>>
      %dma_wait3A_163 = tpu.memref_slice %arg3[%add3A_144] : memref<204800xi32, #tpu.memory_space<hbm>> -> memref<128xi32, #tpu.memory_space<hbm>>
      %dma_wait3A_164 = arith.constant 0 : i32
      %dma_wait3A_165 = tpu.memref_slice %arg4[%run_scoped3A_145, %dma_wait3A_164] : memref<8x128xi32, #tpu.memory_space<vmem>> -> memref<1x128xi32, #tpu.memory_space<vmem>>
      %dma_wait3A_166 = tpu.memref_squeeze %dma_wait3A_165 : memref<1x128xi32, #tpu.memory_space<vmem>> -> memref<128xi32, #tpu.memory_space<vmem>>
      tpu.wait_dma2 semaphore(%run_scoped3A_152 : memref<!tpu.dma_semaphore, #tpu.memory_space<semaphore_mem>>) src(%dma_wait3A_166 : memref<128xi32, #tpu.memory_space<vmem>>) dst(%dma_wait3A_163 : memref<128xi32, #tpu.memory_space<hbm>>)
      tpu.yield
    }) : () -> ()
    "tpu.region"() ({
      %run_scoped3A_152 = tpu.sem_alloc : memref<!tpu.dma_semaphore, #tpu.memory_space<semaphore_mem>>
      %dma_start3A = arith.constant 0 : i32
      %dma_start3A_153 = arith.constant 0 : i32
      %dma_start3A_154 = tpu.memref_slice %arg4[%dma_start3A, %dma_start3A_153] : memref<8x128xi32, #tpu.memory_space<vmem>> -> memref<2x128xi32, #tpu.memory_space<vmem>>
      %dma_start3A_155 = arith.constant 48 : i32
      %dma_start3A_156 = tpu.memref_slice %arg2[%dma_start3A_155, %mul3A_2] : memref<50x4096xi32, #tpu.memory_space<hbm>> -> memref<2x128xi32, #tpu.memory_space<hbm>>
      %dma_start3A_157 = arith.constant 0 : i32
      %dma_start3A_158 = arith.constant 0 : i32
      %dma_start3A_159 = tpu.memref_slice %arg4[%dma_start3A_157, %dma_start3A_158] : memref<8x128xi32, #tpu.memory_space<vmem>> -> memref<2x128xi32, #tpu.memory_space<vmem>>
      %dma_start3A_160 = arith.constant 48 : i32
      %dma_start3A_161 = tpu.memref_slice %arg2[%dma_start3A_160, %mul3A_2] : memref<50x4096xi32, #tpu.memory_space<hbm>> -> memref<2x128xi32, #tpu.memory_space<hbm>>
      tpu.enqueue_dma source(%dma_start3A_161 : memref<2x128xi32, #tpu.memory_space<hbm>>) target(%dma_start3A_159 : memref<2x128xi32, #tpu.memory_space<vmem>>) target_semaphore(%run_scoped3A_152 : memref<!tpu.dma_semaphore, #tpu.memory_space<semaphore_mem>>)
      %dma_wait3A = arith.constant 0 : i32
      %dma_wait3A_162 = arith.constant 0 : i32
      %dma_wait3A_163 = tpu.memref_slice %arg4[%dma_wait3A, %dma_wait3A_162] : memref<8x128xi32, #tpu.memory_space<vmem>> -> memref<2x128xi32, #tpu.memory_space<vmem>>
      %dma_wait3A_164 = arith.constant 48 : i32
      %dma_wait3A_165 = tpu.memref_slice %arg2[%dma_wait3A_164, %mul3A_2] : memref<50x4096xi32, #tpu.memory_space<hbm>> -> memref<2x128xi32, #tpu.memory_space<hbm>>
      %dma_wait3A_166 = arith.constant 0 : i32
      %dma_wait3A_167 = arith.constant 0 : i32
      %dma_wait3A_168 = tpu.memref_slice %arg4[%dma_wait3A_166, %dma_wait3A_167] : memref<8x128xi32, #tpu.memory_space<vmem>> -> memref<2x128xi32, #tpu.memory_space<vmem>>
      %dma_wait3A_169 = arith.constant 48 : i32
      %dma_wait3A_170 = tpu.memref_slice %arg2[%dma_wait3A_169, %mul3A_2] : memref<50x4096xi32, #tpu.memory_space<hbm>> -> memref<2x128xi32, #tpu.memory_space<hbm>>
      tpu.wait_dma2 semaphore(%run_scoped3A_152 : memref<!tpu.dma_semaphore, #tpu.memory_space<semaphore_mem>>) src(%dma_wait3A_170 : memref<2x128xi32, #tpu.memory_space<hbm>>) dst(%dma_wait3A_168 : memref<2x128xi32, #tpu.memory_space<vmem>>)
      tpu.yield
    }) : () -> ()
    %add3A_146 = arith.constant 196608 : i32
    %add3A_147 = arith.addi %add3A_146, %mul3A_2 : i32
    %run_scoped3A_148 = arith.constant 0 : i32
    "tpu.region"() ({
      %run_scoped3A_152 = tpu.sem_alloc : memref<!tpu.dma_semaphore, #tpu.memory_space<semaphore_mem>>
      %dma_start3A = arith.constant 0 : i32
      %dma_start3A_153 = tpu.memref_slice %arg4[%run_scoped3A_148, %dma_start3A] : memref<8x128xi32, #tpu.memory_space<vmem>> -> memref<1x128xi32, #tpu.memory_space<vmem>>
      %dma_start3A_154 = tpu.memref_squeeze %dma_start3A_153 : memref<1x128xi32, #tpu.memory_space<vmem>> -> memref<128xi32, #tpu.memory_space<vmem>>
      %dma_start3A_155 = tpu.memref_slice %arg3[%add3A_147] : memref<204800xi32, #tpu.memory_space<hbm>> -> memref<128xi32, #tpu.memory_space<hbm>>
      %dma_start3A_156 = tpu.memref_slice %arg3[%add3A_147] : memref<204800xi32, #tpu.memory_space<hbm>> -> memref<128xi32, #tpu.memory_space<hbm>>
      %dma_start3A_157 = arith.constant 0 : i32
      %dma_start3A_158 = tpu.memref_slice %arg4[%run_scoped3A_148, %dma_start3A_157] : memref<8x128xi32, #tpu.memory_space<vmem>> -> memref<1x128xi32, #tpu.memory_space<vmem>>
      %dma_start3A_159 = tpu.memref_squeeze %dma_start3A_158 : memref<1x128xi32, #tpu.memory_space<vmem>> -> memref<128xi32, #tpu.memory_space<vmem>>
      tpu.enqueue_dma source(%dma_start3A_159 : memref<128xi32, #tpu.memory_space<vmem>>) target(%dma_start3A_156 : memref<128xi32, #tpu.memory_space<hbm>>) target_semaphore(%run_scoped3A_152 : memref<!tpu.dma_semaphore, #tpu.memory_space<semaphore_mem>>)
      %dma_wait3A = arith.constant 0 : i32
      %dma_wait3A_160 = tpu.memref_slice %arg4[%run_scoped3A_148, %dma_wait3A] : memref<8x128xi32, #tpu.memory_space<vmem>> -> memref<1x128xi32, #tpu.memory_space<vmem>>
      %dma_wait3A_161 = tpu.memref_squeeze %dma_wait3A_160 : memref<1x128xi32, #tpu.memory_space<vmem>> -> memref<128xi32, #tpu.memory_space<vmem>>
      %dma_wait3A_162 = tpu.memref_slice %arg3[%add3A_147] : memref<204800xi32, #tpu.memory_space<hbm>> -> memref<128xi32, #tpu.memory_space<hbm>>
      %dma_wait3A_163 = tpu.memref_slice %arg3[%add3A_147] : memref<204800xi32, #tpu.memory_space<hbm>> -> memref<128xi32, #tpu.memory_space<hbm>>
      %dma_wait3A_164 = arith.constant 0 : i32
      %dma_wait3A_165 = tpu.memref_slice %arg4[%run_scoped3A_148, %dma_wait3A_164] : memref<8x128xi32, #tpu.memory_space<vmem>> -> memref<1x128xi32, #tpu.memory_space<vmem>>
      %dma_wait3A_166 = tpu.memref_squeeze %dma_wait3A_165 : memref<1x128xi32, #tpu.memory_space<vmem>> -> memref<128xi32, #tpu.memory_space<vmem>>
      tpu.wait_dma2 semaphore(%run_scoped3A_152 : memref<!tpu.dma_semaphore, #tpu.memory_space<semaphore_mem>>) src(%dma_wait3A_166 : memref<128xi32, #tpu.memory_space<vmem>>) dst(%dma_wait3A_163 : memref<128xi32, #tpu.memory_space<hbm>>)
      tpu.yield
    }) : () -> ()
    %add3A_149 = arith.constant 200704 : i32
    %add3A_150 = arith.addi %add3A_149, %mul3A_2 : i32
    %run_scoped3A_151 = arith.constant 1 : i32
    "tpu.region"() ({
      %run_scoped3A_152 = tpu.sem_alloc : memref<!tpu.dma_semaphore, #tpu.memory_space<semaphore_mem>>
      %dma_start3A = arith.constant 0 : i32
      %dma_start3A_153 = tpu.memref_slice %arg4[%run_scoped3A_151, %dma_start3A] : memref<8x128xi32, #tpu.memory_space<vmem>> -> memref<1x128xi32, #tpu.memory_space<vmem>>
      %dma_start3A_154 = tpu.memref_squeeze %dma_start3A_153 : memref<1x128xi32, #tpu.memory_space<vmem>> -> memref<128xi32, #tpu.memory_space<vmem>>
      %dma_start3A_155 = tpu.memref_slice %arg3[%add3A_150] : memref<204800xi32, #tpu.memory_space<hbm>> -> memref<128xi32, #tpu.memory_space<hbm>>
      %dma_start3A_156 = tpu.memref_slice %arg3[%add3A_150] : memref<204800xi32, #tpu.memory_space<hbm>> -> memref<128xi32, #tpu.memory_space<hbm>>
      %dma_start3A_157 = arith.constant 0 : i32
      %dma_start3A_158 = tpu.memref_slice %arg4[%run_scoped3A_151, %dma_start3A_157] : memref<8x128xi32, #tpu.memory_space<vmem>> -> memref<1x128xi32, #tpu.memory_space<vmem>>
      %dma_start3A_159 = tpu.memref_squeeze %dma_start3A_158 : memref<1x128xi32, #tpu.memory_space<vmem>> -> memref<128xi32, #tpu.memory_space<vmem>>
      tpu.enqueue_dma source(%dma_start3A_159 : memref<128xi32, #tpu.memory_space<vmem>>) target(%dma_start3A_156 : memref<128xi32, #tpu.memory_space<hbm>>) target_semaphore(%run_scoped3A_152 : memref<!tpu.dma_semaphore, #tpu.memory_space<semaphore_mem>>)
      %dma_wait3A = arith.constant 0 : i32
      %dma_wait3A_160 = tpu.memref_slice %arg4[%run_scoped3A_151, %dma_wait3A] : memref<8x128xi32, #tpu.memory_space<vmem>> -> memref<1x128xi32, #tpu.memory_space<vmem>>
      %dma_wait3A_161 = tpu.memref_squeeze %dma_wait3A_160 : memref<1x128xi32, #tpu.memory_space<vmem>> -> memref<128xi32, #tpu.memory_space<vmem>>
      %dma_wait3A_162 = tpu.memref_slice %arg3[%add3A_150] : memref<204800xi32, #tpu.memory_space<hbm>> -> memref<128xi32, #tpu.memory_space<hbm>>
      %dma_wait3A_163 = tpu.memref_slice %arg3[%add3A_150] : memref<204800xi32, #tpu.memory_space<hbm>> -> memref<128xi32, #tpu.memory_space<hbm>>
      %dma_wait3A_164 = arith.constant 0 : i32
      %dma_wait3A_165 = tpu.memref_slice %arg4[%run_scoped3A_151, %dma_wait3A_164] : memref<8x128xi32, #tpu.memory_space<vmem>> -> memref<1x128xi32, #tpu.memory_space<vmem>>
      %dma_wait3A_166 = tpu.memref_squeeze %dma_wait3A_165 : memref<1x128xi32, #tpu.memory_space<vmem>> -> memref<128xi32, #tpu.memory_space<vmem>>
      tpu.wait_dma2 semaphore(%run_scoped3A_152 : memref<!tpu.dma_semaphore, #tpu.memory_space<semaphore_mem>>) src(%dma_wait3A_166 : memref<128xi32, #tpu.memory_space<vmem>>) dst(%dma_wait3A_163 : memref<128xi32, #tpu.memory_space<hbm>>)
      tpu.yield
    }) : () -> ()
    return
  }
}

</mosaic_0001>

<sc_bundles>
// kernel: kernel.4.cloned.1.call-start
scs
__scs_entry_jumppad:
0x0: {  	(pc) =	sbr.rel $0x88, $3  }
0x1: {  	(tag) =	ssettag $0x0;
	lr =	simm.s32 $0x1  }
0x2: {  	[smem:$0x3F9F] =	sst lr;
	_ =	strace $0xD0000000  }
0x3: {  	_ = 	snop  }
0x4: {  	_ = 	snop  }
0x5: {  	_ = 	snop  }
0x6: {  	_ = 	snop  }
0x7: {  	_ = 	snop  }
__scs_overlays_trampoline_lowered:
0x8: {  	[smem:$0x3FAE] =	sst s0  }
0x9: {  	[smem:$0x3FAF] =	sst s1  }
0xa: {  	[smem:$0x3FB0] =	sst s2  }
0xb: {  	[smem:$0x3FB1] =	sst s3  }
0xc: {  	[smem:$0x3FB2] =	sst s4  }
0xd: {  	[smem:$0x3FB3] =	sst s5  }
0xe: {  	[smem:$0x3FB4] =	sst s6  }
0xf: {  	[smem:$0x3FB5] =	sst s7  }
0x10: {  	[smem:$0x3FB6] =	sst s8  }
0x11: {  	[smem:$0x3FB7] =	sst s9;
	s0 =	simm.s32 @!p0 $0x0  }
0x12: {  	s1 =	sld [smem:$0x3F9D];
	s0 =	simm.s32 @p0 $0x1  }
0x13: {  	[smem:$0x3FB8] =	sst s0;
	s0 =	simm.s32 @!p1 $0x0  }
0x14: {  	s2 =	sld [smem:$0x3F9C];
	s0 =	simm.s32 @p1 $0x1  }
0x15: {  	[smem:$0x3FB9] =	sst s0;
	s0 =	simm.s32 @!p2 $0x0  }
0x16: {  	s3 =	sld [smem:$0x3FDB];
	s0 =	simm.s32 @p2 $0x1  }
0x17: {  	s4 =	simm.s32 $0x1BF5;
	[smem:$0x3FBB] =	sst s0  }
0x18: {  	s0 =	sld [smem:$0x3F9E];
	_ =	swait.ge [sflag:s4], $0x0  }
0x19: {  	s7 =	sld [smem:$0x3F9F]  }
0x1a: {  	s8 =	sadd.s32 $0xFFFFE003, lr  }
0x1b: {  	s9 =	sadd.s32 $0xFFFFFEF7, lr;
	s5 =	simm.s32 $0xFFFFFFFF;
	p2 =	slt.u32 s8, $0xFFFFF086  }
0x1c: {  	p1 =	slt.u32 s9, $0xF7A;
	s5 =	simm.s32 @!p2 $0x0  }
0x1d: {  	s5 =	simm.s32 @p1 $0x1;
	p0 =	seq.s32 s7, s2  }
0x1e: {  	s7 =	smul.u32 @!p0 $0xF7A, s2;
	p2 =	seq.s32 @!p0 s5, $0x0  }
0x1f: {  	s9 =	smul.u32 $0xF7A, s1;
	s8 =	simm.s32 @!p0 $0x1BF5;
	p2 =	por !p2, p0  }
0x20: {  	[sflag:s8] =	ssyncset.s32 @!p0 $0xFFFFF086;
	s6 =	sadd.s32 @!p0 s3, s7;
	s7 =	simm.s32 @!p0 $0x108  }
0x21: {  	s3 =	sadd.s32 s3, s9;
	s6 =	sadd.s32 @!p0 $0x88, s6;
	s7 =	simm.s32 @p2 $0x1082  }
0x22: {  	[simem:s7], [sflag:s8] =	dma.local @!p0 [hbm:s6], $0xF7A  }
0x23: {  	s9 =	sor.u32 $0xD0000000, s2;
	s6 =	simm.s32 $0x108;
	_ =	swait.ge @!p0 [sflag:s8], $0x0  }
0x24: {  	s3 =	sadd.s32 $0x88, s3;
	s6 =	simm.s32 @!p1 $0x1082;
	[sflag:s4] =	ssyncset.s32 $0xFFFFF086  }
0x25: {  	[simem:s6], [sflag:s4] =	dma.local [hbm:s3], $0xF7A  }
0x26: {  	[smem:$0x3F9F] =	sst s1;
	(tag) =	ssettag s2;
	_ =	strace s9  }
0x27: {  	s1 =	sld [smem:$0x3FAF]  }
0x28: {  	s2 =	sld [smem:$0x3FB0]  }
0x29: {  	s4 =	sld [smem:$0x3FB2]  }
0x2a: {  	p0 =	seq.s32 s5, $0x0;
	s5 =	sld [smem:$0x3FB3]  }
0x2b: {  	s6 =	sld [smem:$0x3FB4]  }
0x2c: {  	s7 =	sld [smem:$0x3FB5]  }
0x2d: {  	s3 =	simm.s32 $0x108;
	s8 =	sld [smem:$0x3FB6]  }
0x2e: {  	s3 =	simm.s32 @!p0 $0x1082;
	s9 =	sld [smem:$0x3FB7]  }
0x2f: {  	lr =	sadd.s32 s0, s3;
	s0 =	sld [smem:$0x3FAE]  }
0x30: {  	s3 =	sld [smem:$0x3FB1]  }
0x31: {  	[smem:$0x3FBA] =	sst s10  }
0x32: {  	s10 =	sld [smem:$0x3FB8];
	_ =	sdelay $0x3  }
0x33: {  	p0 =	seq.s32 s10, $0x1;
	s10 =	sld [smem:$0x3FBA];
	_ =	sdelay $0x3  }
0x34: {  	[smem:$0x3FBA] =	sst s10  }
0x35: {  	s10 =	sld [smem:$0x3FB9];
	_ =	sdelay $0x3  }
0x36: {  	p1 =	seq.s32 s10, $0x1;
	s10 =	sld [smem:$0x3FBA];
	_ =	sdelay $0x3  }
0x37: {  	[smem:$0x3FBA] =	sst s10  }
0x38: {  	s10 =	sld [smem:$0x3FBB]  }
0x39: {  	_ = 	snop;
	(pc) =	sbr.ind lr, $3  }
0x3a: {  	_ = 	snop  }
0x3b: {  	_ = 	snop  }
0x3c: {  	p2 =	seq.s32 s10, $0x1;
	s10 =	sld [smem:$0x3FBA]  }
0x3d: {  	_ =	shalt  }
0x3e: {  	_ =	shalt  }
0x3f: {  	_ =	shalt  }
0x40: {  	_ =	shalt  }
0x41: {  	_ =	shalt  }
0x42: {  	_ =	shalt  }
0x43: {  	_ =	shalt  }
0x44: {  	_ =	shalt  }
0x45: {  	_ =	shalt  }
0x46: {  	_ =	shalt  }
0x47: {  	_ =	shalt  }
0x48: {  	_ =	shalt  }
0x49: {  	_ =	shalt  }
0x4a: {  	_ =	shalt  }
0x4b: {  	_ =	shalt  }
0x4c: {  	_ =	shalt  }
0x4d: {  	_ =	shalt  }
0x4e: {  	_ =	shalt  }
0x4f: {  	_ =	shalt  }
0x50: {  	_ =	shalt  }
0x51: {  	_ =	shalt  }
0x52: {  	_ =	shalt  }
0x53: {  	_ =	shalt  }
0x54: {  	_ =	shalt  }
0x55: {  	_ =	shalt  }
0x56: {  	_ =	shalt  }
0x57: {  	_ =	shalt  }
0x58: {  	_ =	shalt  }
0x59: {  	_ =	shalt  }
0x5a: {  	_ =	shalt  }
0x5b: {  	_ =	shalt  }
0x5c: {  	_ =	shalt  }
0x5d: {  	_ =	shalt  }
0x5e: {  	_ =	shalt  }
0x5f: {  	_ =	shalt  }
0x60: {  	_ =	shalt  }
0x61: {  	_ =	shalt  }
0x62: {  	_ =	shalt  }
0x63: {  	_ =	shalt  }
0x64: {  	_ =	shalt  }
0x65: {  	_ =	shalt  }
0x66: {  	_ =	shalt  }
0x67: {  	_ =	shalt  }
0x68: {  	_ =	shalt  }
0x69: {  	_ =	shalt  }
0x6a: {  	_ =	shalt  }
0x6b: {  	_ =	shalt  }
0x6c: {  	_ =	shalt  }
0x6d: {  	_ =	shalt  }
0x6e: {  	_ =	shalt  }
0x6f: {  	_ =	shalt  }
0x70: {  	_ =	shalt  }
0x71: {  	_ =	shalt  }
0x72: {  	_ =	shalt  }
0x73: {  	_ =	shalt  }
0x74: {  	_ =	shalt  }
0x75: {  	_ =	shalt  }
0x76: {  	_ =	shalt  }
0x77: {  	_ =	shalt  }
0x78: {  	_ =	shalt  }
0x79: {  	_ =	shalt  }
0x7a: {  	_ =	shalt  }
0x7b: {  	_ =	shalt  }
0x7c: {  	_ =	shalt  }
0x7d: {  	_ =	shalt  }
0x7e: {  	_ =	shalt  }
0x7f: {  	_ =	shalt  }
0x80: {  	_ =	shalt  }
0x81: {  	_ =	shalt  }
0x82: {  	_ =	shalt  }
0x83: {  	_ =	shalt  }
0x84: {  	_ =	shalt  }
0x85: {  	_ =	shalt  }
0x86: {  	_ =	shalt  }
0x87: {  	_ =	shalt  }
.Lfunc_end0:
.L_simem_size_0:
called_computation.1_lowered:
.L_overlay_start_0:
0x88: {  	s2 =	sld [smem:$0x3FD9]  }
0x89: {  	s3 =	sld [smem:$0x3FFE];
	_ =	sdelay $0x1  }
0x8a: {  	s1 =	srdreg.scid  }
0x8b: {  	s0 =	sand.u32 $0x1, s1  }
0x8c: {  	s17 =	sshll.u32 s0, $0xA;
	s2 =	sadd.s32 s3, s2  }
0x8d: {  	s2 =	sadd.s32 s2, s17  }
0x8e: {  	[smem:$0x3FC6] =	sst s2  }
0x8f: {  	_ = 	snop  }
0x90: {  	s2 =	sld [smem:$0x3FC9];
	(tm) =	ssettm $0x1  }
0x91: {  	s18 =	sld [smem:$0x3FFB];
	_ =	sdelay $0x3  }
0x92: {  	_ =	strace s18  }
0x93: {  	s3 =	sld [smem:$0x3FFC];
	_ =	sdelay $0x3  }
0x94: {  	_ =	strace s3  }
0x95: {  	s3 =	sld [smem:$0x3FFD];
	_ =	sdelay $0x3  }
0x96: {  	_ =	strace s3  }
0x97: {  	_ =	strace $0x8FFFFFFF  }
0x98: {  	s19 =	sld [smem:$0x3FDB];
	_ =	sdelay $0x1  }
0x99: {  	s4 =	simm.s32 $_scs_section_size  }
0x9a: {  	s5 =	simm.s32 $_size__tile_overlayer_lowered;
	s6 =	simm.s32 $_tile_overlayer_lowered  }
0x9b: {  	s22 =	simm.s32 $0x1BFF;
	s21 =	sshll.u32 s6, $0x1;
	s3 =	sadd.s32 s4, s19  }
0x9c: {  	s7 =	simm.s32 $0x0;
	s20 =	sshll.u32 s5, $0x1;
	s5 =	sadd.s32 s21, s3  }
0x9d: {  	[timem:s7], [sflag:s22] =	dma.local [hbm:s5], s20  }
0x9e: {  	_ =	swait.ge [sflag:s22], s20  }
0x9f: {  	s4 =	ssub.s32 $0x0, s20;
	[sflag:s22] =	ssyncset.done $0x0  }
0xa0: {  	[sflag:s22] =	ssyncadd.s32 s4;
	_ =	sdelay $0x1  }
0xa1: {  	s23 =	simm.s32 $0x1B8B  }
0xa2: {  	_ =	swait.ge [sflag:s23], $0x1  }
0xa3: {  	[sflag:s23] =	ssyncset.done $0x0  }
0xa4: {  	s25 =	simm.s32 $0x1B8E;
	s24 =	sld [smem:$0x3FFE];
	[sflag:s23] =	ssyncadd.s32 $0xFFFFFFFF  }
0xa5: {  	s26 =	simm.s32 $execute0_lowered;
	[smem:$0x3FD2] =	sst s25  }
0xa6: {  	s5 =	sshll.u32 s26, $0x1;
	_ =	strace $0x80000046;
	[dreg:$0x1] =	wrdreg $0xFFFFFFFF  }
0xa7: {  	s28 =	simm.s32 $_size_execute0_lowered;
	s3 =	sadd.s32 s3, s5;
	[dreg:$0x0] =	wrdreg $0x0  }
0xa8: {  	s5 =	sshll.u32 s28, $0x1;
	[dreg:$0x2] =	wrdreg s3  }
0xa9: {  	[dreg:$0x3] =	wrdreg s5  }
0xaa: {  	[dreg:$0x4] =	wrdreg $0xC0  }
0xab: {  	_ =	task [dreg:s7], $0x5FFFF  }
0xac: {  	[dreg:$0x1] =	wrdreg $0xFFFFFFFF  }
0xad: {  	[dreg:$0x0] =	wrdreg $0x60  }
0xae: {  	[dreg:$0x2] =	wrdreg s2  }
0xaf: {  	[dreg:$0x3] =	wrdreg s24  }
0xb0: {  	[dreg:$0x4] =	wrdreg $0x9  }
0xb1: {  	_ =	task.clear_ibuf [dreg:s7], $0x5FFFF;
	_ =	strace $0x90000046  }
0xb2: {  	s29 =	simm.s32 $0x9;
	_ =	strace $0x80000048  }
0xb3: {  	_ =	swait.ge [sflag:s29], $0x1  }
0xb4: {  	[sflag:s29] =	ssyncadd.s32 $0xFFFFFFFF  }
0xb5: {  	_ =	strace $0x90000048  }
0xb6: {  	_ =	sfence  }
0xb7: {  	s30 =	sld [smem:$0x0];
	_ =	sdelay $0x2  }
0xb8: {  	s31 =	sshll.u32 s1, $0xD;
	s1 =	sshrl.u32 s1, $0x2  }
0xb9: {  	s3 =	sand.u32 $0x4000, s31;
	s1 =	sadd.s32 s1, s30  }
0xba: {  	s0 =	sor.u32 s3, s0;
	s1 =	sshll.u32 s1, $0x11  }
0xbb: {  	s0 =	sor.u32 s1, s0  }
0xbc: {  	s0 =	sadd.s32 $0x8F2B, s0  }
0xbd: {  	[sflag:s0] =	ssyncadd.remote.s32 $0x1  }
0xbe: {  	_ =	sfence.sel $0xFFFF  }
0xbf: {  	[dreg:$0x0] =	wrdreg $0xFFFFFFFF;
	(pc) =	sbr.abs _section_cstart, $3  }
0xc0: {  	[dreg:$0x1] =	wrdreg $0xFFFFFFFF  }
0xc1: {  	_ =	task.clear_ibuf [dreg:s7], $0x2FFFF;
	_ =	strace $0x9FFFFFFF  }
0xc2: {  	(tm) =	ssettm $0x7FFFFFFF  }
0xc3: {  	_ =	shalt  }
tec
execute0_lowered:
.L_overlay_start_1:
0x0: {  	(tag) =	ssettag $0x1  }
0x1: {  	s0 =	rddreg [dreg:$0x0];
	s2 =	srdreg.scid  }
0x2: {  	s1 =	rddreg [dreg:$0x1];
	s4 =	stileid.u32;
	s3 =	sand.u32 $0x1, s2  }
0x3: {  	s2 =	simm.s32 $0x0;
	s4 =	sshll.u32 s4, $0x8;
	s5 =	sshll.u32 s3, $0x7  }
0x4: {  	[smem:$0x7FF] =	sst s2;
	s4 =	sor.u32 s5, s4  }
0x5: {  	s1 =	sadd.s32 $0xC00, s1;
	_ =	strace $0x80000047;
	s5 =	sadd.s32 s0, s4  }
0x6: {  	s7 =	sor.u32 $0x1000, s4;
	s9 =	sor.u32 $0x2000, s4;
	s10 =	sor.u32 $0x3000, s4  }
0x7: {  	[dreg:$0x3] =	wrdreg s5;
	s21 =	sshrl.u32 s7, $0x3;
	s20 =	sadd.s32 s0, s9  }
0x8: {  	s6 =	sshrl.u32 s9, $0x3;
	s9 =	sadd.s32 s0, s10;
	[dreg:$0x14] =	wrdreg s20  }
0x9: {  	s8 =	sshrl.u32 s4, $0x3;
	s5 =	sadd.s32 s1, s21;
	[dreg:$0x1d] =	wrdreg s9  }
0xa: {  	s23 =	sshrl.u32 s10, $0x3;
	s22 =	sadd.s32 s1, s6;
	[dreg:$0x4] =	wrdreg s5  }
0xb: {  	s31 =	sadd.s32 s1, s8;
	s24 =	sadd.s32 s1, s23;
	[dreg:$0x5] =	wrdreg s22  }
0xc: {  	s8 =	sadd.s32 $0xE00, s31;
	[dreg:$0x6] =	wrdreg s24  }
0xd: {  	s13 =	sadd.s32 $0x1200, s31;
	[dreg:$0xa] =	wrdreg s8  }
0xe: {  	s14 =	sadd.s32 $0x1400, s31;
	[dreg:$0xd] =	wrdreg s13  }
0xf: {  	s15 =	sadd.s32 $0x1600, s31;
	[dreg:$0xe] =	wrdreg s14  }
0x10: {  	s16 =	sadd.s32 $0x1800, s31;
	[dreg:$0xf] =	wrdreg s15  }
0x11: {  	p0 =	por $0x0, $0x0;
	s17 =	sadd.s32 $0x1A00, s31;
	[dreg:$0x10] =	wrdreg s16  }
0x12: {  	s3 =	ssub.s32 $0x2, s3;
	s18 =	sadd.s32 $0x1C00, s31;
	[dreg:$0x11] =	wrdreg s17  }
0x13: {  	s6 =	sor.u32 $0x4000, s4;
	s19 =	sadd.s32 $0x1E00, s31;
	[dreg:$0x12] =	wrdreg s18  }
0x14: {  	s21 =	sadd.s32 $0x2000, s31;
	s23 =	sadd.s32 $0x2400, s31;
	[dreg:$0x13] =	wrdreg s19  }
0x15: {  	s10 =	sadd.s32 $0x3000, s31;
	s20 =	sshrl.u32 s3, $0x1;
	[dreg:$0x15] =	wrdreg s21  }
0x16: {  	s30 =	sadd.s32 $0x4600, s31;
	s29 =	sadd.s32 $0x4800, s31;
	[dreg:$0x17] =	wrdreg s23  }
0x17: {  	s28 =	sadd.s32 $0x4A00, s31;
	s22 =	sadd.s32 $0x2200, s31;
	[dreg:$0x1e] =	wrdreg s10  }
0x18: {  	s9 =	sadd.s32 $0x5C00, s31;
	s24 =	sadd.s32 $0x2600, s31;
	[dreg:$0x16] =	wrdreg s22  }
0x19: {  	s11 =	sshrl.u32 s6, $0x3;
	s8 =	sadd.s32 $0x2E00, s31;
	[dreg:$0x18] =	wrdreg s24  }
0x1a: {  	s5 =	sor.u32 $0x5000, s4;
	s13 =	sadd.s32 $0x3600, s31;
	[dreg:$0x1c] =	wrdreg s8  }
0x1b: {  	s4 =	sor.u32 $0x6000, s4;
	s14 =	sadd.s32 $0x3800, s31;
	[smem:$0x7F5] =	sst s13  }
0x1c: {  	s15 =	sadd.s32 $0x3A00, s31;
	s16 =	sadd.s32 $0x3C00, s31;
	[smem:$0x7F6] =	sst s14  }
0x1d: {  	s17 =	sadd.s32 $0x3E00, s31;
	s18 =	sadd.s32 s0, s6;
	[smem:$0x7F7] =	sst s15  }
0x1e: {  	s19 =	sadd.s32 $0x4000, s31;
	s21 =	sadd.s32 $0x4200, s31;
	[smem:$0x7F8] =	sst s16  }
0x1f: {  	s3 =	ssub.s32 s3, s20;
	s10 =	sadd.s32 $0x5A00, s31;
	[smem:$0x7F9] =	sst s17  }
0x20: {  	s6 =	simm.s32 $0x80;
	s20 =	simm.s32 $0x280;
	[smem:$0x7FA] =	sst s18  }
0x21: {  	s11 =	sadd.s32 s1, s11;
	s12 =	sshrl.u32 s5, $0x3;
	[smem:$0x7FB] =	sst s19  }
0x22: {  	s26 =	sshrl.u32 s4, $0x3;
	[smem:$0x7FC] =	sst s21;
	s22 =	sadd.s32 $0x4400, s31  }
0x23: {  	s24 =	sadd.s32 $0x4E00, s31;
	s21 =	sadd.s32 s0, s5;
	s19 =	sadd.s32 $0x5000, s31  }
0x24: {  	s17 =	sadd.s32 $0x5200, s31;
	s15 =	sadd.s32 $0x5400, s31;
	s8 =	sadd.s32 $0x5E00, s31  }
0x25: {  	s5 =	sadd.s32 $0x6000, s31;
	s23 =	smax.u32 s3, $0x1;
	[dreg:$0x7] =	wrdreg s11  }
0x26: {  	s3 =	simm.s32 $0x1;
	s25 =	sadd.s32 s1, s12;
	[smem:$0x7FD] =	sst s22  }
0x27: {  	s18 =	simm.s32 $0x300;
	s1 =	sadd.s32 s1, s26;
	[dreg:$0x8] =	wrdreg s25  }
0x28: {  	s16 =	simm.s32 $0x380;
	s11 =	sadd.s32 s0, s7;
	[dreg:$0x9] =	wrdreg s1  }
0x29: {  	s13 =	simm.s32 $0x400;
	s12 =	sadd.s32 $0x1000, s31;
	[dreg:$0xb] =	wrdreg s11  }
0x2a: {  	s14 =	simm.s32 $0x8000;
	s26 =	sadd.s32 $0x2A00, s31;
	[dreg:$0xc] =	wrdreg s12  }
0x2b: {  	s7 =	sadd.s32 $0x2C00, s31;
	s22 =	simm.s32 $0x180;
	[dreg:$0x1a] =	wrdreg s26  }
0x2c: {  	p1 =	sne.s32 s23, $0x1;
	s25 =	sadd.s32 $0x2800, s31;
	[dreg:$0x1b] =	wrdreg s7  }
.Ltmp0:
0x2d: {  	s11 =	sadd.s32 $0x3200, s31;
	s1 =	rddreg [dreg:$0x3];
	(pc) =	sbr.rel @!p1 .LBB2_3-.Ltmp0, $4  }
0x2e: {  	s12 =	sadd.s32 $0x3400, s31;
	s26 =	sadd.s32 $0x4C00, s31;
	[dreg:$0x19] =	wrdreg s25  }
0x2f: {  	s7 =	sadd.s32 s0, s4;
	s4 =	sadd.s32 $0x6200, s31;
	[dreg:$0x1f] =	wrdreg s11  }
0x30: {  	s0 =	sadd.s32 $0xFFFFFFFF, s23;
	s23 =	simm.s32 $0x200;
	[smem:$0x7F4] =	sst s12  }
0x31: {  	s12 =	sadd.s32 $0x5600, s31;
	s11 =	sadd.s32 $0x5800, s31;
	s25 =	simm.s32 $0x100  }
0x32: {  	[tilespmem:s2], [sflag:$0x1] =	stream.linear.gather [hbm4b:s1+s2], $0x400, $0x38;
	[tilespmem:$0x400] =	vst v63  }
0x33: {  	_ =	swait.ge [sflag:s3], $0x400  }
0x34: {  	[sflag:s3] =	ssyncset.done $0x0  }
0x35: {  	[sflag:s3] =	ssyncadd.s32 $0xFFFFFC00  }
0x36: {  	[hbm4b:s31+s2] =	stream.linear.scatter [tilespmem:s2], [sflag:$0x1], $0x80, $0x38;
	[tilespmem:$0x400] =	vst v63  }
0x37: {  	_ =	swait.ge [sflag:s3], $0x80  }
0x38: {  	[sflag:s3] =	ssyncset.done $0x0  }
0x39: {  	s1 =	rddreg [dreg:$0x4];
	[sflag:s3] =	ssyncadd.s32 $0xFFFFFF80  }
0x3a: {  	[hbm4b:s1+s2] =	stream.linear.scatter [tilespmem:s6], [sflag:$0x1], $0x80, $0x38;
	[tilespmem:$0x400] =	vst v63  }
0x3b: {  	_ =	swait.ge [sflag:s3], $0x80  }
0x3c: {  	[sflag:s3] =	ssyncset.done $0x0  }
0x3d: {  	s1 =	rddreg [dreg:$0x5];
	[sflag:s3] =	ssyncadd.s32 $0xFFFFFF80  }
0x3e: {  	[hbm4b:s1+s2] =	stream.linear.scatter [tilespmem:s25], [sflag:$0x1], $0x80, $0x38;
	[tilespmem:$0x400] =	vst v63  }
0x3f: {  	_ =	swait.ge [sflag:s3], $0x80  }
0x40: {  	[sflag:s3] =	ssyncset.done $0x0  }
0x41: {  	s1 =	rddreg [dreg:$0x6];
	[sflag:s3] =	ssyncadd.s32 $0xFFFFFF80  }
0x42: {  	[hbm4b:s1+s2] =	stream.linear.scatter [tilespmem:s22], [sflag:$0x1], $0x80, $0x38;
	[tilespmem:$0x400] =	vst v63  }
0x43: {  	_ =	swait.ge [sflag:s3], $0x80  }
0x44: {  	[sflag:s3] =	ssyncset.done $0x0  }
0x45: {  	s1 =	rddreg [dreg:$0x7];
	[sflag:s3] =	ssyncadd.s32 $0xFFFFFF80  }
0x46: {  	[hbm4b:s1+s2] =	stream.linear.scatter [tilespmem:s23], [sflag:$0x1], $0x80, $0x38;
	[tilespmem:$0x400] =	vst v63  }
0x47: {  	_ =	swait.ge [sflag:s3], $0x80  }
0x48: {  	[sflag:s3] =	ssyncset.done $0x0  }
0x49: {  	s1 =	rddreg [dreg:$0x8];
	[sflag:s3] =	ssyncadd.s32 $0xFFFFFF80  }
0x4a: {  	[hbm4b:s1+s2] =	stream.linear.scatter [tilespmem:s20], [sflag:$0x1], $0x80, $0x38;
	[tilespmem:$0x400] =	vst v63  }
0x4b: {  	_ =	swait.ge [sflag:s3], $0x80  }
0x4c: {  	[sflag:s3] =	ssyncset.done $0x0  }
0x4d: {  	s1 =	rddreg [dreg:$0x9];
	[sflag:s3] =	ssyncadd.s32 $0xFFFFFF80  }
0x4e: {  	[hbm4b:s1+s2] =	stream.linear.scatter [tilespmem:s18], [sflag:$0x1], $0x80, $0x38;
	[tilespmem:$0x400] =	vst v63  }
0x4f: {  	_ =	swait.ge [sflag:s3], $0x80  }
0x50: {  	[sflag:s3] =	ssyncset.done $0x0  }
0x51: {  	s1 =	rddreg [dreg:$0xa];
	[sflag:s3] =	ssyncadd.s32 $0xFFFFFF80  }
0x52: {  	[hbm4b:s1+s2] =	stream.linear.scatter [tilespmem:s16], [sflag:$0x1], $0x80, $0x38;
	[tilespmem:$0x400] =	vst v63  }
0x53: {  	_ =	swait.ge [sflag:s3], $0x80  }
0x54: {  	[sflag:s3] =	ssyncset.done $0x0  }
0x55: {  	s1 =	rddreg [dreg:$0xb];
	[sflag:s3] =	ssyncadd.s32 $0xFFFFFF80  }
0x56: {  	[tilespmem:s2], [sflag:$0x1] =	stream.linear.gather [hbm4b:s1+s2], $0x400, $0x38;
	[tilespmem:$0x400] =	vst v63  }
0x57: {  	_ =	swait.ge [sflag:s3], $0x400  }
0x58: {  	[sflag:s3] =	ssyncset.done $0x0  }
0x59: {  	s1 =	rddreg [dreg:$0xc];
	[sflag:s3] =	ssyncadd.s32 $0xFFFFFC00  }
0x5a: {  	[hbm4b:s1+s2] =	stream.linear.scatter [tilespmem:s2], [sflag:$0x1], $0x80, $0x38;
	[tilespmem:$0x400] =	vst v63  }
0x5b: {  	_ =	swait.ge [sflag:s3], $0x80  }
0x5c: {  	[sflag:s3] =	ssyncset.done $0x0  }
0x5d: {  	s1 =	rddreg [dreg:$0xd];
	[sflag:s3] =	ssyncadd.s32 $0xFFFFFF80  }
0x5e: {  	[hbm4b:s1+s2] =	stream.linear.scatter [tilespmem:s6], [sflag:$0x1], $0x80, $0x38;
	[tilespmem:$0x400] =	vst v63  }
0x5f: {  	_ =	swait.ge [sflag:s3], $0x80  }
0x60: {  	[sflag:s3] =	ssyncset.done $0x0  }
0x61: {  	s1 =	rddreg [dreg:$0xe];
	[sflag:s3] =	ssyncadd.s32 $0xFFFFFF80  }
0x62: {  	[hbm4b:s1+s2] =	stream.linear.scatter [tilespmem:s25], [sflag:$0x1], $0x80, $0x38;
	[tilespmem:$0x400] =	vst v63  }
0x63: {  	_ =	swait.ge [sflag:s3], $0x80  }
0x64: {  	[sflag:s3] =	ssyncset.done $0x0  }
0x65: {  	s1 =	rddreg [dreg:$0xf];
	[sflag:s3] =	ssyncadd.s32 $0xFFFFFF80  }
0x66: {  	[hbm4b:s1+s2] =	stream.linear.scatter [tilespmem:s22], [sflag:$0x1], $0x80, $0x38;
	[tilespmem:$0x400] =	vst v63  }
0x67: {  	_ =	swait.ge [sflag:s3], $0x80  }
0x68: {  	[sflag:s3] =	ssyncset.done $0x0  }
0x69: {  	s1 =	rddreg [dreg:$0x10];
	[sflag:s3] =	ssyncadd.s32 $0xFFFFFF80  }
0x6a: {  	[hbm4b:s1+s2] =	stream.linear.scatter [tilespmem:s23], [sflag:$0x1], $0x80, $0x38;
	[tilespmem:$0x400] =	vst v63  }
0x6b: {  	_ =	swait.ge [sflag:s3], $0x80  }
0x6c: {  	[sflag:s3] =	ssyncset.done $0x0  }
0x6d: {  	s1 =	rddreg [dreg:$0x11];
	[sflag:s3] =	ssyncadd.s32 $0xFFFFFF80  }
0x6e: {  	[hbm4b:s1+s2] =	stream.linear.scatter [tilespmem:s20], [sflag:$0x1], $0x80, $0x38;
	[tilespmem:$0x400] =	vst v63  }
0x6f: {  	_ =	swait.ge [sflag:s3], $0x80  }
0x70: {  	[sflag:s3] =	ssyncset.done $0x0  }
0x71: {  	s1 =	rddreg [dreg:$0x12];
	[sflag:s3] =	ssyncadd.s32 $0xFFFFFF80  }
0x72: {  	[hbm4b:s1+s2] =	stream.linear.scatter [tilespmem:s18], [sflag:$0x1], $0x80, $0x38;
	[tilespmem:$0x400] =	vst v63  }
0x73: {  	_ =	swait.ge [sflag:s3], $0x80  }
0x74: {  	[sflag:s3] =	ssyncset.done $0x0  }
0x75: {  	s1 =	rddreg [dreg:$0x13];
	[sflag:s3] =	ssyncadd.s32 $0xFFFFFF80  }
0x76: {  	[hbm4b:s1+s2] =	stream.linear.scatter [tilespmem:s16], [sflag:$0x1], $0x80, $0x38;
	[tilespmem:$0x400] =	vst v63  }
0x77: {  	_ =	swait.ge [sflag:s3], $0x80  }
0x78: {  	[sflag:s3] =	ssyncset.done $0x0  }
0x79: {  	s1 =	rddreg [dreg:$0x14];
	[sflag:s3] =	ssyncadd.s32 $0xFFFFFF80  }
0x7a: {  	[tilespmem:s2], [sflag:$0x1] =	stream.linear.gather [hbm4b:s1+s2], $0x400, $0x38;
	[tilespmem:$0x400] =	vst v63  }
0x7b: {  	_ =	swait.ge [sflag:s3], $0x400  }
0x7c: {  	[sflag:s3] =	ssyncset.done $0x0  }
0x7d: {  	s1 =	rddreg [dreg:$0x15];
	[sflag:s3] =	ssyncadd.s32 $0xFFFFFC00  }
0x7e: {  	[hbm4b:s1+s2] =	stream.linear.scatter [tilespmem:s2], [sflag:$0x1], $0x80, $0x38;
	[tilespmem:$0x400] =	vst v63  }
0x7f: {  	_ =	swait.ge [sflag:s3], $0x80  }
0x80: {  	[sflag:s3] =	ssyncset.done $0x0  }
0x81: {  	s1 =	rddreg [dreg:$0x16];
	[sflag:s3] =	ssyncadd.s32 $0xFFFFFF80  }
0x82: {  	[hbm4b:s1+s2] =	stream.linear.scatter [tilespmem:s6], [sflag:$0x1], $0x80, $0x38;
	[tilespmem:$0x400] =	vst v63  }
0x83: {  	_ =	swait.ge [sflag:s3], $0x80  }
0x84: {  	[sflag:s3] =	ssyncset.done $0x0  }
0x85: {  	s1 =	rddreg [dreg:$0x17];
	[sflag:s3] =	ssyncadd.s32 $0xFFFFFF80  }
0x86: {  	[hbm4b:s1+s2] =	stream.linear.scatter [tilespmem:s25], [sflag:$0x1], $0x80, $0x38;
	[tilespmem:$0x400] =	vst v63  }
0x87: {  	_ =	swait.ge [sflag:s3], $0x80  }
0x88: {  	[sflag:s3] =	ssyncset.done $0x0  }
0x89: {  	s1 =	rddreg [dreg:$0x18];
	[sflag:s3] =	ssyncadd.s32 $0xFFFFFF80  }
0x8a: {  	[hbm4b:s1+s2] =	stream.linear.scatter [tilespmem:s22], [sflag:$0x1], $0x80, $0x38;
	[tilespmem:$0x400] =	vst v63  }
0x8b: {  	_ =	swait.ge [sflag:s3], $0x80  }
0x8c: {  	[sflag:s3] =	ssyncset.done $0x0  }
0x8d: {  	s1 =	rddreg [dreg:$0x19];
	[sflag:s3] =	ssyncadd.s32 $0xFFFFFF80  }
0x8e: {  	[hbm4b:s1+s2] =	stream.linear.scatter [tilespmem:s23], [sflag:$0x1], $0x80, $0x38;
	[tilespmem:$0x400] =	vst v63  }
0x8f: {  	_ =	swait.ge [sflag:s3], $0x80  }
0x90: {  	[sflag:s3] =	ssyncset.done $0x0  }
0x91: {  	s1 =	rddreg [dreg:$0x1a];
	[sflag:s3] =	ssyncadd.s32 $0xFFFFFF80  }
0x92: {  	[hbm4b:s1+s2] =	stream.linear.scatter [tilespmem:s20], [sflag:$0x1], $0x80, $0x38;
	[tilespmem:$0x400] =	vst v63  }
0x93: {  	_ =	swait.ge [sflag:s3], $0x80  }
0x94: {  	[sflag:s3] =	ssyncset.done $0x0  }
0x95: {  	s1 =	rddreg [dreg:$0x1b];
	[sflag:s3] =	ssyncadd.s32 $0xFFFFFF80  }
0x96: {  	[hbm4b:s1+s2] =	stream.linear.scatter [tilespmem:s18], [sflag:$0x1], $0x80, $0x38;
	[tilespmem:$0x400] =	vst v63  }
0x97: {  	_ =	swait.ge [sflag:s3], $0x80  }
0x98: {  	[sflag:s3] =	ssyncset.done $0x0  }
0x99: {  	s1 =	rddreg [dreg:$0x1c];
	[sflag:s3] =	ssyncadd.s32 $0xFFFFFF80  }
0x9a: {  	[hbm4b:s1+s2] =	stream.linear.scatter [tilespmem:s16], [sflag:$0x1], $0x80, $0x38;
	[tilespmem:$0x400] =	vst v63  }
0x9b: {  	_ =	swait.ge [sflag:s3], $0x80  }
0x9c: {  	[sflag:s3] =	ssyncset.done $0x0  }
0x9d: {  	s1 =	rddreg [dreg:$0x1d];
	[sflag:s3] =	ssyncadd.s32 $0xFFFFFF80  }
0x9e: {  	[tilespmem:s2], [sflag:$0x1] =	stream.linear.gather [hbm4b:s1+s2], $0x400, $0x38;
	[tilespmem:$0x400] =	vst v63  }
0x9f: {  	_ =	swait.ge [sflag:s3], $0x400  }
0xa0: {  	[sflag:s3] =	ssyncset.done $0x0  }
0xa1: {  	s1 =	rddreg [dreg:$0x1e];
	[sflag:s3] =	ssyncadd.s32 $0xFFFFFC00  }
0xa2: {  	[hbm4b:s1+s2] =	stream.linear.scatter [tilespmem:s2], [sflag:$0x1], $0x80, $0x38;
	[tilespmem:$0x400] =	vst v63  }
0xa3: {  	_ =	swait.ge [sflag:s3], $0x80  }
0xa4: {  	[sflag:s3] =	ssyncset.done $0x0  }
0xa5: {  	s1 =	rddreg [dreg:$0x1f];
	[sflag:s3] =	ssyncadd.s32 $0xFFFFFF80  }
0xa6: {  	[hbm4b:s1+s2] =	stream.linear.scatter [tilespmem:s6], [sflag:$0x1], $0x80, $0x38;
	[tilespmem:$0x400] =	vst v63  }
0xa7: {  	_ =	swait.ge [sflag:s3], $0x80  }
0xa8: {  	s1 =	sld [smem:$0x7F4]  }
0xa9: {  	[sflag:s3] =	ssyncset.done $0x0  }
0xaa: {  	[sflag:s3] =	ssyncadd.s32 $0xFFFFFF80  }
0xab: {  	[hbm4b:s1+s2] =	stream.linear.scatter [tilespmem:s25], [sflag:$0x1], $0x80, $0x38;
	[tilespmem:$0x400] =	vst v63  }
0xac: {  	_ =	swait.ge [sflag:s3], $0x80  }
0xad: {  	s1 =	sld [smem:$0x7F5]  }
0xae: {  	[sflag:s3] =	ssyncset.done $0x0  }
0xaf: {  	[sflag:s3] =	ssyncadd.s32 $0xFFFFFF80  }
0xb0: {  	[hbm4b:s1+s2] =	stream.linear.scatter [tilespmem:s22], [sflag:$0x1], $0x80, $0x38;
	[tilespmem:$0x400] =	vst v63  }
0xb1: {  	_ =	swait.ge [sflag:s3], $0x80  }
0xb2: {  	s1 =	sld [smem:$0x7F6]  }
0xb3: {  	[sflag:s3] =	ssyncset.done $0x0  }
0xb4: {  	[sflag:s3] =	ssyncadd.s32 $0xFFFFFF80  }
0xb5: {  	[hbm4b:s1+s2] =	stream.linear.scatter [tilespmem:s23], [sflag:$0x1], $0x80, $0x38;
	[tilespmem:$0x400] =	vst v63  }
0xb6: {  	_ =	swait.ge [sflag:s3], $0x80  }
0xb7: {  	s1 =	sld [smem:$0x7F7]  }
0xb8: {  	[sflag:s3] =	ssyncset.done $0x0  }
0xb9: {  	[sflag:s3] =	ssyncadd.s32 $0xFFFFFF80  }
0xba: {  	[hbm4b:s1+s2] =	stream.linear.scatter [tilespmem:s20], [sflag:$0x1], $0x80, $0x38;
	[tilespmem:$0x400] =	vst v63  }
0xbb: {  	_ =	swait.ge [sflag:s3], $0x80  }
0xbc: {  	s1 =	sld [smem:$0x7F8]  }
0xbd: {  	[sflag:s3] =	ssyncset.done $0x0  }
0xbe: {  	[sflag:s3] =	ssyncadd.s32 $0xFFFFFF80  }
0xbf: {  	[hbm4b:s1+s2] =	stream.linear.scatter [tilespmem:s18], [sflag:$0x1], $0x80, $0x38;
	[tilespmem:$0x400] =	vst v63  }
0xc0: {  	_ =	swait.ge [sflag:s3], $0x80  }
0xc1: {  	s1 =	sld [smem:$0x7F9]  }
0xc2: {  	[sflag:s3] =	ssyncset.done $0x0  }
0xc3: {  	[sflag:s3] =	ssyncadd.s32 $0xFFFFFF80  }
0xc4: {  	[hbm4b:s1+s2] =	stream.linear.scatter [tilespmem:s16], [sflag:$0x1], $0x80, $0x38;
	[tilespmem:$0x400] =	vst v63  }
0xc5: {  	_ =	swait.ge [sflag:s3], $0x80  }
0xc6: {  	s1 =	sld [smem:$0x7FA]  }
0xc7: {  	[sflag:s3] =	ssyncset.done $0x0  }
0xc8: {  	[sflag:s3] =	ssyncadd.s32 $0xFFFFFF80  }
0xc9: {  	[tilespmem:s2], [sflag:$0x1] =	stream.linear.gather [hbm4b:s1+s2], $0x400, $0x38;
	[tilespmem:$0x400] =	vst v63  }
0xca: {  	_ =	swait.ge [sflag:s3], $0x400  }
0xcb: {  	s1 =	sld [smem:$0x7FB]  }
0xcc: {  	[sflag:s3] =	ssyncset.done $0x0  }
0xcd: {  	[sflag:s3] =	ssyncadd.s32 $0xFFFFFC00  }
0xce: {  	[hbm4b:s1+s2] =	stream.linear.scatter [tilespmem:s2], [sflag:$0x1], $0x80, $0x38;
	[tilespmem:$0x400] =	vst v63  }
0xcf: {  	_ =	swait.ge [sflag:s3], $0x80  }
0xd0: {  	s1 =	sld [smem:$0x7FC]  }
0xd1: {  	[sflag:s3] =	ssyncset.done $0x0  }
0xd2: {  	[sflag:s3] =	ssyncadd.s32 $0xFFFFFF80  }
0xd3: {  	[hbm4b:s1+s2] =	stream.linear.scatter [tilespmem:s6], [sflag:$0x1], $0x80, $0x38;
	[tilespmem:$0x400] =	vst v63  }
0xd4: {  	_ =	swait.ge [sflag:s3], $0x80  }
0xd5: {  	s1 =	sld [smem:$0x7FD]  }
0xd6: {  	[sflag:s3] =	ssyncset.done $0x0  }
0xd7: {  	[sflag:s3] =	ssyncadd.s32 $0xFFFFFF80  }
0xd8: {  	[hbm4b:s1+s2] =	stream.linear.scatter [tilespmem:s25], [sflag:$0x1], $0x80, $0x38;
	[tilespmem:$0x400] =	vst v63  }
0xd9: {  	_ =	swait.ge [sflag:s3], $0x80  }
0xda: {  	[sflag:s3] =	ssyncset.done $0x0  }
0xdb: {  	[sflag:s3] =	ssyncadd.s32 $0xFFFFFF80  }
0xdc: {  	[hbm4b:s30+s2] =	stream.linear.scatter [tilespmem:s22], [sflag:$0x1], $0x80, $0x38;
	[tilespmem:$0x400] =	vst v63  }
0xdd: {  	_ =	swait.ge [sflag:s3], $0x80  }
0xde: {  	[sflag:s3] =	ssyncset.done $0x0  }
0xdf: {  	[sflag:s3] =	ssyncadd.s32 $0xFFFFFF80  }
0xe0: {  	[hbm4b:s29+s2] =	stream.linear.scatter [tilespmem:s23], [sflag:$0x1], $0x80, $0x38;
	[tilespmem:$0x400] =	vst v63  }
0xe1: {  	_ =	swait.ge [sflag:s3], $0x80  }
0xe2: {  	[sflag:s3] =	ssyncset.done $0x0  }
0xe3: {  	[sflag:s3] =	ssyncadd.s32 $0xFFFFFF80  }
0xe4: {  	[hbm4b:s28+s2] =	stream.linear.scatter [tilespmem:s20], [sflag:$0x1], $0x80, $0x38;
	[tilespmem:$0x400] =	vst v63  }
0xe5: {  	_ =	swait.ge [sflag:s3], $0x80  }
0xe6: {  	[sflag:s3] =	ssyncset.done $0x0  }
0xe7: {  	[sflag:s3] =	ssyncadd.s32 $0xFFFFFF80  }
0xe8: {  	[hbm4b:s26+s2] =	stream.linear.scatter [tilespmem:s18], [sflag:$0x1], $0x80, $0x38;
	[tilespmem:$0x400] =	vst v63  }
0xe9: {  	_ =	swait.ge [sflag:s3], $0x80  }
0xea: {  	[sflag:s3] =	ssyncset.done $0x0  }
0xeb: {  	[sflag:s3] =	ssyncadd.s32 $0xFFFFFF80  }
0xec: {  	[hbm4b:s24+s2] =	stream.linear.scatter [tilespmem:s16], [sflag:$0x1], $0x80, $0x38;
	[tilespmem:$0x400] =	vst v63  }
0xed: {  	_ =	swait.ge [sflag:s3], $0x80  }
0xee: {  	[sflag:s3] =	ssyncset.done $0x0  }
0xef: {  	[sflag:s3] =	ssyncadd.s32 $0xFFFFFF80  }
0xf0: {  	[tilespmem:s2], [sflag:$0x1] =	stream.linear.gather [hbm4b:s21+s2], $0x400, $0x38;
	[tilespmem:$0x400] =	vst v63  }
0xf1: {  	_ =	swait.ge [sflag:s3], $0x400  }
0xf2: {  	[sflag:s3] =	ssyncset.done $0x0  }
0xf3: {  	[sflag:s3] =	ssyncadd.s32 $0xFFFFFC00  }
0xf4: {  	[hbm4b:s19+s2] =	stream.linear.scatter [tilespmem:s2], [sflag:$0x1], $0x80, $0x38;
	[tilespmem:$0x400] =	vst v63  }
0xf5: {  	_ =	swait.ge [sflag:s3], $0x80  }
0xf6: {  	[sflag:s3] =	ssyncset.done $0x0  }
0xf7: {  	[sflag:s3] =	ssyncadd.s32 $0xFFFFFF80  }
0xf8: {  	[hbm4b:s17+s2] =	stream.linear.scatter [tilespmem:s6], [sflag:$0x1], $0x80, $0x38;
	[tilespmem:$0x400] =	vst v63  }
0xf9: {  	_ =	swait.ge [sflag:s3], $0x80  }
0xfa: {  	[sflag:s3] =	ssyncset.done $0x0  }
0xfb: {  	[sflag:s3] =	ssyncadd.s32 $0xFFFFFF80  }
0xfc: {  	[hbm4b:s15+s2] =	stream.linear.scatter [tilespmem:s25], [sflag:$0x1], $0x80, $0x38;
	[tilespmem:$0x400] =	vst v63  }
0xfd: {  	_ =	swait.ge [sflag:s3], $0x80  }
0xfe: {  	[sflag:s3] =	ssyncset.done $0x0  }
0xff: {  	[sflag:s3] =	ssyncadd.s32 $0xFFFFFF80  }
0x100: {  	[hbm4b:s12+s2] =	stream.linear.scatter [tilespmem:s22], [sflag:$0x1], $0x80, $0x38;
	[tilespmem:$0x400] =	vst v63  }
0x101: {  	_ =	swait.ge [sflag:s3], $0x80  }
0x102: {  	[sflag:s3] =	ssyncset.done $0x0  }
0x103: {  	[sflag:s3] =	ssyncadd.s32 $0xFFFFFF80  }
0x104: {  	[hbm4b:s11+s2] =	stream.linear.scatter [tilespmem:s23], [sflag:$0x1], $0x80, $0x38;
	[tilespmem:$0x400] =	vst v63  }
0x105: {  	_ =	swait.ge [sflag:s3], $0x80  }
0x106: {  	[sflag:s3] =	ssyncset.done $0x0  }
0x107: {  	[sflag:s3] =	ssyncadd.s32 $0xFFFFFF80  }
0x108: {  	[hbm4b:s10+s2] =	stream.linear.scatter [tilespmem:s20], [sflag:$0x1], $0x80, $0x38;
	[tilespmem:$0x400] =	vst v63  }
0x109: {  	_ =	swait.ge [sflag:s3], $0x80  }
0x10a: {  	[sflag:s3] =	ssyncset.done $0x0  }
0x10b: {  	[sflag:s3] =	ssyncadd.s32 $0xFFFFFF80  }
0x10c: {  	[hbm4b:s9+s2] =	stream.linear.scatter [tilespmem:s18], [sflag:$0x1], $0x80, $0x38;
	[tilespmem:$0x400] =	vst v63  }
0x10d: {  	_ =	swait.ge [sflag:s3], $0x80  }
0x10e: {  	[sflag:s3] =	ssyncset.done $0x0  }
0x10f: {  	[sflag:s3] =	ssyncadd.s32 $0xFFFFFF80  }
0x110: {  	[hbm4b:s8+s2] =	stream.linear.scatter [tilespmem:s16], [sflag:$0x1], $0x80, $0x38;
	[tilespmem:$0x400] =	vst v63  }
0x111: {  	_ =	swait.ge [sflag:s3], $0x80  }
0x112: {  	[sflag:s3] =	ssyncset.done $0x0  }
0x113: {  	[sflag:s3] =	ssyncadd.s32 $0xFFFFFF80  }
0x114: {  	[tilespmem:s2], [sflag:$0x1] =	stream.strided.gather [hbm4b:s7+s13], $0x0, s14, s13, $0x38;
	[tilespmem:$0x400] =	vst v63  }
0x115: {  	_ = 	snop  }
0x116: {  	[tilespmem:s2], [sflag:$0x1] =	stream.linear.gather [hbm4b:s7+s2], $0x100, $0x38;
	[tilespmem:$0x400] =	vst v63  }
0x117: {  	_ =	swait.ge [sflag:s3], $0x100  }
0x118: {  	[sflag:s3] =	ssyncset.done $0x0  }
0x119: {  	[sflag:s3] =	ssyncadd.s32 $0xFFFFFF00  }
0x11a: {  	[hbm4b:s5+s2] =	stream.linear.scatter [tilespmem:s2], [sflag:$0x1], $0x80, $0x38;
	[tilespmem:$0x400] =	vst v63  }
0x11b: {  	p1 =	sne.s32 s0, $0x1;
	_ =	swait.ge [sflag:s3], $0x80  }
.Ltmp1:
0x11c: {  	[sflag:s3] =	ssyncset.done $0x0;
	(pc) =	sbr.rel @!p1 .LBB2_3-.Ltmp1, $4  }
0x11d: {  	[sflag:s3] =	ssyncadd.s32 $0xFFFFFF80  }
0x11e: {  	[hbm4b:s4+s2] =	stream.linear.scatter [tilespmem:s6], [sflag:$0x1], $0x80, $0x38;
	[tilespmem:$0x400] =	vst v63  }
0x11f: {  	s0 =	sadd.s32 $0xFFFFFFFF, s0;
	_ =	swait.ge [sflag:s3], $0x80  }
0x120: {  	p0 =	por $0x1, $0x1;
	s1 =	rddreg [dreg:$0x3];
	[sflag:s3] =	ssyncset.done $0x0  }
.LBB2_2:
0x121: {  	[sflag:s3] =	ssyncadd.s32 $0xFFFFFF80  }
0x122: {  	[tilespmem:s2], [sflag:$0x1] =	stream.linear.gather [hbm4b:s1+s2], $0x400, $0x38;
	[tilespmem:$0x400] =	vst v63  }
0x123: {  	_ =	swait.ge [sflag:s3], $0x400  }
0x124: {  	[sflag:s3] =	ssyncset.done $0x0  }
0x125: {  	[sflag:s3] =	ssyncadd.s32 $0xFFFFFC00  }
0x126: {  	[hbm4b:s31+s2] =	stream.linear.scatter [tilespmem:s2], [sflag:$0x1], $0x80, $0x38;
	[tilespmem:$0x400] =	vst v63  }
0x127: {  	_ =	swait.ge [sflag:s3], $0x80  }
0x128: {  	[sflag:s3] =	ssyncset.done $0x0  }
0x129: {  	s1 =	rddreg [dreg:$0x4];
	[sflag:s3] =	ssyncadd.s32 $0xFFFFFF80  }
0x12a: {  	[hbm4b:s1+s2] =	stream.linear.scatter [tilespmem:s6], [sflag:$0x1], $0x80, $0x38;
	[tilespmem:$0x400] =	vst v63  }
0x12b: {  	_ =	swait.ge [sflag:s3], $0x80  }
0x12c: {  	[sflag:s3] =	ssyncset.done $0x0  }
0x12d: {  	s1 =	rddreg [dreg:$0x5];
	[sflag:s3] =	ssyncadd.s32 $0xFFFFFF80  }
0x12e: {  	[hbm4b:s1+s2] =	stream.linear.scatter [tilespmem:s25], [sflag:$0x1], $0x80, $0x38;
	[tilespmem:$0x400] =	vst v63  }
0x12f: {  	_ =	swait.ge [sflag:s3], $0x80  }
0x130: {  	[sflag:s3] =	ssyncset.done $0x0  }
0x131: {  	s1 =	rddreg [dreg:$0x6];
	[sflag:s3] =	ssyncadd.s32 $0xFFFFFF80  }
0x132: {  	[hbm4b:s1+s2] =	stream.linear.scatter [tilespmem:s22], [sflag:$0x1], $0x80, $0x38;
	[tilespmem:$0x400] =	vst v63  }
0x133: {  	_ =	swait.ge [sflag:s3], $0x80  }
0x134: {  	[sflag:s3] =	ssyncset.done $0x0  }
0x135: {  	s1 =	rddreg [dreg:$0x7];
	[sflag:s3] =	ssyncadd.s32 $0xFFFFFF80  }
0x136: {  	[hbm4b:s1+s2] =	stream.linear.scatter [tilespmem:s23], [sflag:$0x1], $0x80, $0x38;
	[tilespmem:$0x400] =	vst v63  }
0x137: {  	_ =	swait.ge [sflag:s3], $0x80  }
0x138: {  	[sflag:s3] =	ssyncset.done $0x0  }
0x139: {  	s1 =	rddreg [dreg:$0x8];
	[sflag:s3] =	ssyncadd.s32 $0xFFFFFF80  }
0x13a: {  	[hbm4b:s1+s2] =	stream.linear.scatter [tilespmem:s20], [sflag:$0x1], $0x80, $0x38;
	[tilespmem:$0x400] =	vst v63  }
0x13b: {  	_ =	swait.ge [sflag:s3], $0x80  }
0x13c: {  	[sflag:s3] =	ssyncset.done $0x0  }
0x13d: {  	s1 =	rddreg [dreg:$0x9];
	[sflag:s3] =	ssyncadd.s32 $0xFFFFFF80  }
0x13e: {  	[hbm4b:s1+s2] =	stream.linear.scatter [tilespmem:s18], [sflag:$0x1], $0x80, $0x38;
	[tilespmem:$0x400] =	vst v63  }
0x13f: {  	_ =	swait.ge [sflag:s3], $0x80  }
0x140: {  	[sflag:s3] =	ssyncset.done $0x0  }
0x141: {  	s1 =	rddreg [dreg:$0xa];
	[sflag:s3] =	ssyncadd.s32 $0xFFFFFF80  }
0x142: {  	[hbm4b:s1+s2] =	stream.linear.scatter [tilespmem:s16], [sflag:$0x1], $0x80, $0x38;
	[tilespmem:$0x400] =	vst v63  }
0x143: {  	_ =	swait.ge [sflag:s3], $0x80  }
0x144: {  	[sflag:s3] =	ssyncset.done $0x0  }
0x145: {  	s1 =	rddreg [dreg:$0xb];
	[sflag:s3] =	ssyncadd.s32 $0xFFFFFF80  }
0x146: {  	[tilespmem:s2], [sflag:$0x1] =	stream.linear.gather [hbm4b:s1+s2], $0x400, $0x38;
	[tilespmem:$0x400] =	vst v63  }
0x147: {  	_ =	swait.ge [sflag:s3], $0x400  }
0x148: {  	[sflag:s3] =	ssyncset.done $0x0  }
0x149: {  	s1 =	rddreg [dreg:$0xc];
	[sflag:s3] =	ssyncadd.s32 $0xFFFFFC00  }
0x14a: {  	[hbm4b:s1+s2] =	stream.linear.scatter [tilespmem:s2], [sflag:$0x1], $0x80, $0x38;
	[tilespmem:$0x400] =	vst v63  }
0x14b: {  	_ =	swait.ge [sflag:s3], $0x80  }
0x14c: {  	[sflag:s3] =	ssyncset.done $0x0  }
0x14d: {  	s1 =	rddreg [dreg:$0xd];
	[sflag:s3] =	ssyncadd.s32 $0xFFFFFF80  }
0x14e: {  	[hbm4b:s1+s2] =	stream.linear.scatter [tilespmem:s6], [sflag:$0x1], $0x80, $0x38;
	[tilespmem:$0x400] =	vst v63  }
0x14f: {  	_ =	swait.ge [sflag:s3], $0x80  }
0x150: {  	[sflag:s3] =	ssyncset.done $0x0  }
0x151: {  	s1 =	rddreg [dreg:$0xe];
	[sflag:s3] =	ssyncadd.s32 $0xFFFFFF80  }
0x152: {  	[hbm4b:s1+s2] =	stream.linear.scatter [tilespmem:s25], [sflag:$0x1], $0x80, $0x38;
	[tilespmem:$0x400] =	vst v63  }
0x153: {  	_ =	swait.ge [sflag:s3], $0x80  }
0x154: {  	[sflag:s3] =	ssyncset.done $0x0  }
0x155: {  	s1 =	rddreg [dreg:$0xf];
	[sflag:s3] =	ssyncadd.s32 $0xFFFFFF80  }
0x156: {  	[hbm4b:s1+s2] =	stream.linear.scatter [tilespmem:s22], [sflag:$0x1], $0x80, $0x38;
	[tilespmem:$0x400] =	vst v63  }
0x157: {  	_ =	swait.ge [sflag:s3], $0x80  }
0x158: {  	[sflag:s3] =	ssyncset.done $0x0  }
0x159: {  	s1 =	rddreg [dreg:$0x10];
	[sflag:s3] =	ssyncadd.s32 $0xFFFFFF80  }
0x15a: {  	[hbm4b:s1+s2] =	stream.linear.scatter [tilespmem:s23], [sflag:$0x1], $0x80, $0x38;
	[tilespmem:$0x400] =	vst v63  }
0x15b: {  	_ =	swait.ge [sflag:s3], $0x80  }
0x15c: {  	[sflag:s3] =	ssyncset.done $0x0  }
0x15d: {  	s1 =	rddreg [dreg:$0x11];
	[sflag:s3] =	ssyncadd.s32 $0xFFFFFF80  }
0x15e: {  	[hbm4b:s1+s2] =	stream.linear.scatter [tilespmem:s20], [sflag:$0x1], $0x80, $0x38;
	[tilespmem:$0x400] =	vst v63  }
0x15f: {  	_ =	swait.ge [sflag:s3], $0x80  }
0x160: {  	[sflag:s3] =	ssyncset.done $0x0  }
0x161: {  	s1 =	rddreg [dreg:$0x12];
	[sflag:s3] =	ssyncadd.s32 $0xFFFFFF80  }
0x162: {  	[hbm4b:s1+s2] =	stream.linear.scatter [tilespmem:s18], [sflag:$0x1], $0x80, $0x38;
	[tilespmem:$0x400] =	vst v63  }
0x163: {  	_ =	swait.ge [sflag:s3], $0x80  }
0x164: {  	[sflag:s3] =	ssyncset.done $0x0  }
0x165: {  	s1 =	rddreg [dreg:$0x13];
	[sflag:s3] =	ssyncadd.s32 $0xFFFFFF80  }
0x166: {  	[hbm4b:s1+s2] =	stream.linear.scatter [tilespmem:s16], [sflag:$0x1], $0x80, $0x38;
	[tilespmem:$0x400] =	vst v63  }
0x167: {  	_ =	swait.ge [sflag:s3], $0x80  }
0x168: {  	[sflag:s3] =	ssyncset.done $0x0  }
0x169: {  	s1 =	rddreg [dreg:$0x14];
	[sflag:s3] =	ssyncadd.s32 $0xFFFFFF80  }
0x16a: {  	[tilespmem:s2], [sflag:$0x1] =	stream.linear.gather [hbm4b:s1+s2], $0x400, $0x38;
	[tilespmem:$0x400] =	vst v63  }
0x16b: {  	_ =	swait.ge [sflag:s3], $0x400  }
0x16c: {  	[sflag:s3] =	ssyncset.done $0x0  }
0x16d: {  	s1 =	rddreg [dreg:$0x15];
	[sflag:s3] =	ssyncadd.s32 $0xFFFFFC00  }
0x16e: {  	[hbm4b:s1+s2] =	stream.linear.scatter [tilespmem:s2], [sflag:$0x1], $0x80, $0x38;
	[tilespmem:$0x400] =	vst v63  }
0x16f: {  	_ =	swait.ge [sflag:s3], $0x80  }
0x170: {  	[sflag:s3] =	ssyncset.done $0x0  }
0x171: {  	s1 =	rddreg [dreg:$0x16];
	[sflag:s3] =	ssyncadd.s32 $0xFFFFFF80  }
0x172: {  	[hbm4b:s1+s2] =	stream.linear.scatter [tilespmem:s6], [sflag:$0x1], $0x80, $0x38;
	[tilespmem:$0x400] =	vst v63  }
0x173: {  	_ =	swait.ge [sflag:s3], $0x80  }
0x174: {  	[sflag:s3] =	ssyncset.done $0x0  }
0x175: {  	s1 =	rddreg [dreg:$0x17];
	[sflag:s3] =	ssyncadd.s32 $0xFFFFFF80  }
0x176: {  	[hbm4b:s1+s2] =	stream.linear.scatter [tilespmem:s25], [sflag:$0x1], $0x80, $0x38;
	[tilespmem:$0x400] =	vst v63  }
0x177: {  	_ =	swait.ge [sflag:s3], $0x80  }
0x178: {  	[sflag:s3] =	ssyncset.done $0x0  }
0x179: {  	s1 =	rddreg [dreg:$0x18];
	[sflag:s3] =	ssyncadd.s32 $0xFFFFFF80  }
0x17a: {  	[hbm4b:s1+s2] =	stream.linear.scatter [tilespmem:s22], [sflag:$0x1], $0x80, $0x38;
	[tilespmem:$0x400] =	vst v63  }
0x17b: {  	_ =	swait.ge [sflag:s3], $0x80  }
0x17c: {  	[sflag:s3] =	ssyncset.done $0x0  }
0x17d: {  	s1 =	rddreg [dreg:$0x19];
	[sflag:s3] =	ssyncadd.s32 $0xFFFFFF80  }
0x17e: {  	[hbm4b:s1+s2] =	stream.linear.scatter [tilespmem:s23], [sflag:$0x1], $0x80, $0x38;
	[tilespmem:$0x400] =	vst v63  }
0x17f: {  	_ =	swait.ge [sflag:s3], $0x80  }
0x180: {  	[sflag:s3] =	ssyncset.done $0x0  }
0x181: {  	s1 =	rddreg [dreg:$0x1a];
	[sflag:s3] =	ssyncadd.s32 $0xFFFFFF80  }
0x182: {  	[hbm4b:s1+s2] =	stream.linear.scatter [tilespmem:s20], [sflag:$0x1], $0x80, $0x38;
	[tilespmem:$0x400] =	vst v63  }
0x183: {  	_ =	swait.ge [sflag:s3], $0x80  }
0x184: {  	[sflag:s3] =	ssyncset.done $0x0  }
0x185: {  	s1 =	rddreg [dreg:$0x1b];
	[sflag:s3] =	ssyncadd.s32 $0xFFFFFF80  }
0x186: {  	[hbm4b:s1+s2] =	stream.linear.scatter [tilespmem:s18], [sflag:$0x1], $0x80, $0x38;
	[tilespmem:$0x400] =	vst v63  }
0x187: {  	_ =	swait.ge [sflag:s3], $0x80  }
0x188: {  	[sflag:s3] =	ssyncset.done $0x0  }
0x189: {  	s1 =	rddreg [dreg:$0x1c];
	[sflag:s3] =	ssyncadd.s32 $0xFFFFFF80  }
0x18a: {  	[hbm4b:s1+s2] =	stream.linear.scatter [tilespmem:s16], [sflag:$0x1], $0x80, $0x38;
	[tilespmem:$0x400] =	vst v63  }
0x18b: {  	_ =	swait.ge [sflag:s3], $0x80  }
0x18c: {  	[sflag:s3] =	ssyncset.done $0x0  }
0x18d: {  	s1 =	rddreg [dreg:$0x1d];
	[sflag:s3] =	ssyncadd.s32 $0xFFFFFF80  }
0x18e: {  	[tilespmem:s2], [sflag:$0x1] =	stream.linear.gather [hbm4b:s1+s2], $0x400, $0x38;
	[tilespmem:$0x400] =	vst v63  }
0x18f: {  	_ =	swait.ge [sflag:s3], $0x400  }
0x190: {  	[sflag:s3] =	ssyncset.done $0x0  }
0x191: {  	s1 =	rddreg [dreg:$0x1e];
	[sflag:s3] =	ssyncadd.s32 $0xFFFFFC00  }
0x192: {  	[hbm4b:s1+s2] =	stream.linear.scatter [tilespmem:s2], [sflag:$0x1], $0x80, $0x38;
	[tilespmem:$0x400] =	vst v63  }
0x193: {  	_ =	swait.ge [sflag:s3], $0x80  }
0x194: {  	[sflag:s3] =	ssyncset.done $0x0  }
0x195: {  	s1 =	rddreg [dreg:$0x1f];
	[sflag:s3] =	ssyncadd.s32 $0xFFFFFF80  }
0x196: {  	[hbm4b:s1+s2] =	stream.linear.scatter [tilespmem:s6], [sflag:$0x1], $0x80, $0x38;
	[tilespmem:$0x400] =	vst v63  }
0x197: {  	_ =	swait.ge [sflag:s3], $0x80  }
0x198: {  	s1 =	sld [smem:$0x7F4]  }
0x199: {  	[sflag:s3] =	ssyncset.done $0x0  }
0x19a: {  	[sflag:s3] =	ssyncadd.s32 $0xFFFFFF80  }
0x19b: {  	[hbm4b:s1+s2] =	stream.linear.scatter [tilespmem:s25], [sflag:$0x1], $0x80, $0x38;
	[tilespmem:$0x400] =	vst v63  }
0x19c: {  	_ =	swait.ge [sflag:s3], $0x80  }
0x19d: {  	s1 =	sld [smem:$0x7F5]  }
0x19e: {  	[sflag:s3] =	ssyncset.done $0x0  }
0x19f: {  	[sflag:s3] =	ssyncadd.s32 $0xFFFFFF80  }
0x1a0: {  	[hbm4b:s1+s2] =	stream.linear.scatter [tilespmem:s22], [sflag:$0x1], $0x80, $0x38;
	[tilespmem:$0x400] =	vst v63  }
0x1a1: {  	_ =	swait.ge [sflag:s3], $0x80  }
0x1a2: {  	s1 =	sld [smem:$0x7F6]  }
0x1a3: {  	[sflag:s3] =	ssyncset.done $0x0  }
0x1a4: {  	[sflag:s3] =	ssyncadd.s32 $0xFFFFFF80  }
0x1a5: {  	[hbm4b:s1+s2] =	stream.linear.scatter [tilespmem:s23], [sflag:$0x1], $0x80, $0x38;
	[tilespmem:$0x400] =	vst v63  }
0x1a6: {  	_ =	swait.ge [sflag:s3], $0x80  }
0x1a7: {  	s1 =	sld [smem:$0x7F7]  }
0x1a8: {  	[sflag:s3] =	ssyncset.done $0x0  }
0x1a9: {  	[sflag:s3] =	ssyncadd.s32 $0xFFFFFF80  }
0x1aa: {  	[hbm4b:s1+s2] =	stream.linear.scatter [tilespmem:s20], [sflag:$0x1], $0x80, $0x38;
	[tilespmem:$0x400] =	vst v63  }
0x1ab: {  	_ =	swait.ge [sflag:s3], $0x80  }
0x1ac: {  	s1 =	sld [smem:$0x7F8]  }
0x1ad: {  	[sflag:s3] =	ssyncset.done $0x0  }
0x1ae: {  	[sflag:s3] =	ssyncadd.s32 $0xFFFFFF80  }
0x1af: {  	[hbm4b:s1+s2] =	stream.linear.scatter [tilespmem:s18], [sflag:$0x1], $0x80, $0x38;
	[tilespmem:$0x400] =	vst v63  }
0x1b0: {  	_ =	swait.ge [sflag:s3], $0x80  }
0x1b1: {  	s1 =	sld [smem:$0x7F9]  }
0x1b2: {  	[sflag:s3] =	ssyncset.done $0x0  }
0x1b3: {  	[sflag:s3] =	ssyncadd.s32 $0xFFFFFF80  }
0x1b4: {  	[hbm4b:s1+s2] =	stream.linear.scatter [tilespmem:s16], [sflag:$0x1], $0x80, $0x38;
	[tilespmem:$0x400] =	vst v63  }
0x1b5: {  	_ =	swait.ge [sflag:s3], $0x80  }
0x1b6: {  	s1 =	sld [smem:$0x7FA]  }
0x1b7: {  	[sflag:s3] =	ssyncset.done $0x0  }
0x1b8: {  	[sflag:s3] =	ssyncadd.s32 $0xFFFFFF80  }
0x1b9: {  	[tilespmem:s2], [sflag:$0x1] =	stream.linear.gather [hbm4b:s1+s2], $0x400, $0x38;
	[tilespmem:$0x400] =	vst v63  }
0x1ba: {  	_ =	swait.ge [sflag:s3], $0x400  }
0x1bb: {  	s1 =	sld [smem:$0x7FB]  }
0x1bc: {  	[sflag:s3] =	ssyncset.done $0x0  }
0x1bd: {  	[sflag:s3] =	ssyncadd.s32 $0xFFFFFC00  }
0x1be: {  	[hbm4b:s1+s2] =	stream.linear.scatter [tilespmem:s2], [sflag:$0x1], $0x80, $0x38;
	[tilespmem:$0x400] =	vst v63  }
0x1bf: {  	_ =	swait.ge [sflag:s3], $0x80  }
0x1c0: {  	s1 =	sld [smem:$0x7FC]  }
0x1c1: {  	[sflag:s3] =	ssyncset.done $0x0  }
0x1c2: {  	[sflag:s3] =	ssyncadd.s32 $0xFFFFFF80  }
0x1c3: {  	[hbm4b:s1+s2] =	stream.linear.scatter [tilespmem:s6], [sflag:$0x1], $0x80, $0x38;
	[tilespmem:$0x400] =	vst v63  }
0x1c4: {  	_ =	swait.ge [sflag:s3], $0x80  }
0x1c5: {  	s1 =	sld [smem:$0x7FD]  }
0x1c6: {  	[sflag:s3] =	ssyncset.done $0x0  }
0x1c7: {  	[sflag:s3] =	ssyncadd.s32 $0xFFFFFF80  }
0x1c8: {  	[hbm4b:s1+s2] =	stream.linear.scatter [tilespmem:s25], [sflag:$0x1], $0x80, $0x38;
	[tilespmem:$0x400] =	vst v63  }
0x1c9: {  	_ =	swait.ge [sflag:s3], $0x80  }
0x1ca: {  	[sflag:s3] =	ssyncset.done $0x0  }
0x1cb: {  	[sflag:s3] =	ssyncadd.s32 $0xFFFFFF80  }
0x1cc: {  	[hbm4b:s30+s2] =	stream.linear.scatter [tilespmem:s22], [sflag:$0x1], $0x80, $0x38;
	[tilespmem:$0x400] =	vst v63  }
0x1cd: {  	_ =	swait.ge [sflag:s3], $0x80  }
0x1ce: {  	[sflag:s3] =	ssyncset.done $0x0  }
0x1cf: {  	[sflag:s3] =	ssyncadd.s32 $0xFFFFFF80  }
0x1d0: {  	[hbm4b:s29+s2] =	stream.linear.scatter [tilespmem:s23], [sflag:$0x1], $0x80, $0x38;
	[tilespmem:$0x400] =	vst v63  }
0x1d1: {  	_ =	swait.ge [sflag:s3], $0x80  }
0x1d2: {  	[sflag:s3] =	ssyncset.done $0x0  }
0x1d3: {  	[sflag:s3] =	ssyncadd.s32 $0xFFFFFF80  }
0x1d4: {  	[hbm4b:s28+s2] =	stream.linear.scatter [tilespmem:s20], [sflag:$0x1], $0x80, $0x38;
	[tilespmem:$0x400] =	vst v63  }
0x1d5: {  	_ =	swait.ge [sflag:s3], $0x80  }
0x1d6: {  	[sflag:s3] =	ssyncset.done $0x0  }
0x1d7: {  	[sflag:s3] =	ssyncadd.s32 $0xFFFFFF80  }
0x1d8: {  	[hbm4b:s26+s2] =	stream.linear.scatter [tilespmem:s18], [sflag:$0x1], $0x80, $0x38;
	[tilespmem:$0x400] =	vst v63  }
0x1d9: {  	_ =	swait.ge [sflag:s3], $0x80  }
0x1da: {  	[sflag:s3] =	ssyncset.done $0x0  }
0x1db: {  	[sflag:s3] =	ssyncadd.s32 $0xFFFFFF80  }
0x1dc: {  	[hbm4b:s24+s2] =	stream.linear.scatter [tilespmem:s16], [sflag:$0x1], $0x80, $0x38;
	[tilespmem:$0x400] =	vst v63  }
0x1dd: {  	_ =	swait.ge [sflag:s3], $0x80  }
0x1de: {  	[sflag:s3] =	ssyncset.done $0x0  }
0x1df: {  	[sflag:s3] =	ssyncadd.s32 $0xFFFFFF80  }
0x1e0: {  	[tilespmem:s2], [sflag:$0x1] =	stream.linear.gather [hbm4b:s21+s2], $0x400, $0x38;
	[tilespmem:$0x400] =	vst v63  }
0x1e1: {  	_ =	swait.ge [sflag:s3], $0x400  }
0x1e2: {  	[sflag:s3] =	ssyncset.done $0x0  }
0x1e3: {  	[sflag:s3] =	ssyncadd.s32 $0xFFFFFC00  }
0x1e4: {  	[hbm4b:s19+s2] =	stream.linear.scatter [tilespmem:s2], [sflag:$0x1], $0x80, $0x38;
	[tilespmem:$0x400] =	vst v63  }
0x1e5: {  	_ =	swait.ge [sflag:s3], $0x80  }
0x1e6: {  	[sflag:s3] =	ssyncset.done $0x0  }
0x1e7: {  	[sflag:s3] =	ssyncadd.s32 $0xFFFFFF80  }
0x1e8: {  	[hbm4b:s17+s2] =	stream.linear.scatter [tilespmem:s6], [sflag:$0x1], $0x80, $0x38;
	[tilespmem:$0x400] =	vst v63  }
0x1e9: {  	_ =	swait.ge [sflag:s3], $0x80  }
0x1ea: {  	[sflag:s3] =	ssyncset.done $0x0  }
0x1eb: {  	[sflag:s3] =	ssyncadd.s32 $0xFFFFFF80  }
0x1ec: {  	[hbm4b:s15+s2] =	stream.linear.scatter [tilespmem:s25], [sflag:$0x1], $0x80, $0x38;
	[tilespmem:$0x400] =	vst v63  }
0x1ed: {  	_ =	swait.ge [sflag:s3], $0x80  }
0x1ee: {  	[sflag:s3] =	ssyncset.done $0x0  }
0x1ef: {  	[sflag:s3] =	ssyncadd.s32 $0xFFFFFF80  }
0x1f0: {  	[hbm4b:s12+s2] =	stream.linear.scatter [tilespmem:s22], [sflag:$0x1], $0x80, $0x38;
	[tilespmem:$0x400] =	vst v63  }
0x1f1: {  	_ =	swait.ge [sflag:s3], $0x80  }
0x1f2: {  	[sflag:s3] =	ssyncset.done $0x0  }
0x1f3: {  	[sflag:s3] =	ssyncadd.s32 $0xFFFFFF80  }
0x1f4: {  	[hbm4b:s11+s2] =	stream.linear.scatter [tilespmem:s23], [sflag:$0x1], $0x80, $0x38;
	[tilespmem:$0x400] =	vst v63  }
0x1f5: {  	_ =	swait.ge [sflag:s3], $0x80  }
0x1f6: {  	[sflag:s3] =	ssyncset.done $0x0  }
0x1f7: {  	[sflag:s3] =	ssyncadd.s32 $0xFFFFFF80  }
0x1f8: {  	[hbm4b:s10+s2] =	stream.linear.scatter [tilespmem:s20], [sflag:$0x1], $0x80, $0x38;
	[tilespmem:$0x400] =	vst v63  }
0x1f9: {  	_ =	swait.ge [sflag:s3], $0x80  }
0x1fa: {  	[sflag:s3] =	ssyncset.done $0x0  }
0x1fb: {  	[sflag:s3] =	ssyncadd.s32 $0xFFFFFF80  }
0x1fc: {  	[hbm4b:s9+s2] =	stream.linear.scatter [tilespmem:s18], [sflag:$0x1], $0x80, $0x38;
	[tilespmem:$0x400] =	vst v63  }
0x1fd: {  	_ =	swait.ge [sflag:s3], $0x80  }
0x1fe: {  	[sflag:s3] =	ssyncset.done $0x0  }
0x1ff: {  	[sflag:s3] =	ssyncadd.s32 $0xFFFFFF80  }
0x200: {  	[hbm4b:s8+s2] =	stream.linear.scatter [tilespmem:s16], [sflag:$0x1], $0x80, $0x38;
	[tilespmem:$0x400] =	vst v63  }
0x201: {  	_ =	swait.ge [sflag:s3], $0x80  }
0x202: {  	[sflag:s3] =	ssyncset.done $0x0  }
0x203: {  	[sflag:s3] =	ssyncadd.s32 $0xFFFFFF80  }
0x204: {  	[tilespmem:s2], [sflag:$0x1] =	stream.strided.gather [hbm4b:s7+s13], $0x0, s14, s13, $0x38;
	[tilespmem:$0x400] =	vst v63  }
0x205: {  	_ = 	snop  }
0x206: {  	[tilespmem:s2], [sflag:$0x1] =	stream.linear.gather [hbm4b:s7+s2], $0x100, $0x38;
	[tilespmem:$0x400] =	vst v63  }
0x207: {  	_ =	swait.ge [sflag:s3], $0x100  }
0x208: {  	[sflag:s3] =	ssyncset.done $0x0  }
0x209: {  	[sflag:s3] =	ssyncadd.s32 $0xFFFFFF00  }
0x20a: {  	[hbm4b:s5+s2] =	stream.linear.scatter [tilespmem:s2], [sflag:$0x1], $0x80, $0x38;
	[tilespmem:$0x400] =	vst v63  }
0x20b: {  	p1 =	sne.s32 s0, $0x1;
	_ =	swait.ge [sflag:s3], $0x80  }
.Ltmp2:
0x20c: {  	[sflag:s3] =	ssyncset.done $0x0;
	(pc) =	sbr.rel @p1 .LBB2_2-.Ltmp2, $4  }
0x20d: {  	[sflag:s3] =	ssyncadd.s32 $0xFFFFFF80  }
0x20e: {  	[hbm4b:s4+s2] =	stream.linear.scatter [tilespmem:s6], [sflag:$0x1], $0x80, $0x38;
	[tilespmem:$0x400] =	vst v63  }
0x20f: {  	_ =	swait.ge [sflag:s3], $0x80  }
0x210: {  	s0 =	sadd.s32 $0xFFFFFFFF, s0;
	s1 =	rddreg [dreg:$0x3];
	[sflag:s3] =	ssyncset.done $0x0  }
.LBB2_3:
0x211: {  	[sflag:s3] =	ssyncadd.s32 @p0 $0xFFFFFF80  }
0x212: {  	[tilespmem:s2], [sflag:$0x1] =	stream.linear.gather [hbm4b:s1+s2], $0x400, $0x38;
	[tilespmem:$0x400] =	vst v63  }
0x213: {  	_ =	swait.ge [sflag:s3], $0x400  }
0x214: {  	[sflag:s3] =	ssyncset.done $0x0  }
0x215: {  	[sflag:s3] =	ssyncadd.s32 $0xFFFFFC00  }
0x216: {  	[hbm4b:s31+s2] =	stream.linear.scatter [tilespmem:s2], [sflag:$0x1], $0x80, $0x38;
	[tilespmem:$0x400] =	vst v63  }
0x217: {  	_ =	swait.ge [sflag:s3], $0x80  }
0x218: {  	[sflag:s3] =	ssyncset.done $0x0  }
0x219: {  	s0 =	rddreg [dreg:$0x4];
	[sflag:s3] =	ssyncadd.s32 $0xFFFFFF80  }
0x21a: {  	[hbm4b:s0+s2] =	stream.linear.scatter [tilespmem:s6], [sflag:$0x1], $0x80, $0x38;
	[tilespmem:$0x400] =	vst v63  }
0x21b: {  	_ =	swait.ge [sflag:s3], $0x80  }
0x21c: {  	[sflag:s3] =	ssyncset.done $0x0  }
0x21d: {  	s1 =	rddreg [dreg:$0x5];
	[sflag:s3] =	ssyncadd.s32 $0xFFFFFF80  }
0x21e: {  	[hbm4b:s1+s2] =	stream.linear.scatter [tilespmem:s25], [sflag:$0x1], $0x80, $0x38;
	[tilespmem:$0x400] =	vst v63  }
0x21f: {  	_ =	swait.ge [sflag:s3], $0x80  }
0x220: {  	[sflag:s3] =	ssyncset.done $0x0  }
0x221: {  	s31 =	rddreg [dreg:$0x6];
	[sflag:s3] =	ssyncadd.s32 $0xFFFFFF80  }
0x222: {  	[hbm4b:s31+s2] =	stream.linear.scatter [tilespmem:s22], [sflag:$0x1], $0x80, $0x38;
	[tilespmem:$0x400] =	vst v63  }
0x223: {  	_ =	swait.ge [sflag:s3], $0x80  }
0x224: {  	[sflag:s3] =	ssyncset.done $0x0  }
0x225: {  	s1 =	rddreg [dreg:$0x7];
	[sflag:s3] =	ssyncadd.s32 $0xFFFFFF80  }
0x226: {  	[hbm4b:s1+s2] =	stream.linear.scatter [tilespmem:s23], [sflag:$0x1], $0x80, $0x38;
	[tilespmem:$0x400] =	vst v63  }
0x227: {  	_ =	swait.ge [sflag:s3], $0x80  }
0x228: {  	[sflag:s3] =	ssyncset.done $0x0  }
0x229: {  	s31 =	rddreg [dreg:$0x8];
	[sflag:s3] =	ssyncadd.s32 $0xFFFFFF80  }
0x22a: {  	[hbm4b:s31+s2] =	stream.linear.scatter [tilespmem:s20], [sflag:$0x1], $0x80, $0x38;
	[tilespmem:$0x400] =	vst v63  }
0x22b: {  	_ =	swait.ge [sflag:s3], $0x80  }
0x22c: {  	[sflag:s3] =	ssyncset.done $0x0  }
0x22d: {  	s1 =	rddreg [dreg:$0x9];
	[sflag:s3] =	ssyncadd.s32 $0xFFFFFF80  }
0x22e: {  	[hbm4b:s1+s2] =	stream.linear.scatter [tilespmem:s18], [sflag:$0x1], $0x80, $0x38;
	[tilespmem:$0x400] =	vst v63  }
0x22f: {  	_ =	swait.ge [sflag:s3], $0x80  }
0x230: {  	[sflag:s3] =	ssyncset.done $0x0  }
0x231: {  	s31 =	rddreg [dreg:$0xa];
	[sflag:s3] =	ssyncadd.s32 $0xFFFFFF80  }
0x232: {  	[hbm4b:s31+s2] =	stream.linear.scatter [tilespmem:s16], [sflag:$0x1], $0x80, $0x38;
	[tilespmem:$0x400] =	vst v63  }
0x233: {  	_ =	swait.ge [sflag:s3], $0x80  }
0x234: {  	[sflag:s3] =	ssyncset.done $0x0  }
0x235: {  	s1 =	rddreg [dreg:$0xb];
	[sflag:s3] =	ssyncadd.s32 $0xFFFFFF80  }
0x236: {  	[tilespmem:s2], [sflag:$0x1] =	stream.linear.gather [hbm4b:s1+s2], $0x400, $0x38;
	[tilespmem:$0x400] =	vst v63  }
0x237: {  	_ =	swait.ge [sflag:s3], $0x400  }
0x238: {  	[sflag:s3] =	ssyncset.done $0x0  }
0x239: {  	s31 =	rddreg [dreg:$0xc];
	[sflag:s3] =	ssyncadd.s32 $0xFFFFFC00  }
0x23a: {  	[hbm4b:s31+s2] =	stream.linear.scatter [tilespmem:s2], [sflag:$0x1], $0x80, $0x38;
	[tilespmem:$0x400] =	vst v63  }
0x23b: {  	_ =	swait.ge [sflag:s3], $0x80  }
0x23c: {  	[sflag:s3] =	ssyncset.done $0x0  }
0x23d: {  	s1 =	rddreg [dreg:$0xd];
	[sflag:s3] =	ssyncadd.s32 $0xFFFFFF80  }
0x23e: {  	[hbm4b:s1+s2] =	stream.linear.scatter [tilespmem:s6], [sflag:$0x1], $0x80, $0x38;
	[tilespmem:$0x400] =	vst v63  }
0x23f: {  	_ =	swait.ge [sflag:s3], $0x80  }
0x240: {  	[sflag:s3] =	ssyncset.done $0x0  }
0x241: {  	s31 =	rddreg [dreg:$0xe];
	[sflag:s3] =	ssyncadd.s32 $0xFFFFFF80  }
0x242: {  	[hbm4b:s31+s2] =	stream.linear.scatter [tilespmem:s25], [sflag:$0x1], $0x80, $0x38;
	[tilespmem:$0x400] =	vst v63  }
0x243: {  	_ =	swait.ge [sflag:s3], $0x80  }
0x244: {  	[sflag:s3] =	ssyncset.done $0x0  }
0x245: {  	s1 =	rddreg [dreg:$0xf];
	[sflag:s3] =	ssyncadd.s32 $0xFFFFFF80  }
0x246: {  	[hbm4b:s1+s2] =	stream.linear.scatter [tilespmem:s22], [sflag:$0x1], $0x80, $0x38;
	[tilespmem:$0x400] =	vst v63  }
0x247: {  	_ =	swait.ge [sflag:s3], $0x80  }
0x248: {  	[sflag:s3] =	ssyncset.done $0x0  }
0x249: {  	s31 =	rddreg [dreg:$0x10];
	[sflag:s3] =	ssyncadd.s32 $0xFFFFFF80  }
0x24a: {  	[hbm4b:s31+s2] =	stream.linear.scatter [tilespmem:s23], [sflag:$0x1], $0x80, $0x38;
	[tilespmem:$0x400] =	vst v63  }
0x24b: {  	_ =	swait.ge [sflag:s3], $0x80  }
0x24c: {  	[sflag:s3] =	ssyncset.done $0x0  }
0x24d: {  	s1 =	rddreg [dreg:$0x11];
	[sflag:s3] =	ssyncadd.s32 $0xFFFFFF80  }
0x24e: {  	[hbm4b:s1+s2] =	stream.linear.scatter [tilespmem:s20], [sflag:$0x1], $0x80, $0x38;
	[tilespmem:$0x400] =	vst v63  }
0x24f: {  	_ =	swait.ge [sflag:s3], $0x80  }
0x250: {  	[sflag:s3] =	ssyncset.done $0x0  }
0x251: {  	s31 =	rddreg [dreg:$0x12];
	[sflag:s3] =	ssyncadd.s32 $0xFFFFFF80  }
0x252: {  	[hbm4b:s31+s2] =	stream.linear.scatter [tilespmem:s18], [sflag:$0x1], $0x80, $0x38;
	[tilespmem:$0x400] =	vst v63  }
0x253: {  	_ =	swait.ge [sflag:s3], $0x80  }
0x254: {  	[sflag:s3] =	ssyncset.done $0x0  }
0x255: {  	s1 =	rddreg [dreg:$0x13];
	[sflag:s3] =	ssyncadd.s32 $0xFFFFFF80  }
0x256: {  	[hbm4b:s1+s2] =	stream.linear.scatter [tilespmem:s16], [sflag:$0x1], $0x80, $0x38;
	[tilespmem:$0x400] =	vst v63  }
0x257: {  	_ =	swait.ge [sflag:s3], $0x80  }
0x258: {  	[sflag:s3] =	ssyncset.done $0x0  }
0x259: {  	s31 =	rddreg [dreg:$0x14];
	[sflag:s3] =	ssyncadd.s32 $0xFFFFFF80  }
0x25a: {  	[tilespmem:s2], [sflag:$0x1] =	stream.linear.gather [hbm4b:s31+s2], $0x400, $0x38;
	[tilespmem:$0x400] =	vst v63  }
0x25b: {  	_ =	swait.ge [sflag:s3], $0x400  }
0x25c: {  	[sflag:s3] =	ssyncset.done $0x0  }
0x25d: {  	s1 =	rddreg [dreg:$0x15];
	[sflag:s3] =	ssyncadd.s32 $0xFFFFFC00  }
0x25e: {  	[hbm4b:s1+s2] =	stream.linear.scatter [tilespmem:s2], [sflag:$0x1], $0x80, $0x38;
	[tilespmem:$0x400] =	vst v63  }
0x25f: {  	_ =	swait.ge [sflag:s3], $0x80  }
0x260: {  	[sflag:s3] =	ssyncset.done $0x0  }
0x261: {  	s31 =	rddreg [dreg:$0x16];
	[sflag:s3] =	ssyncadd.s32 $0xFFFFFF80  }
0x262: {  	[hbm4b:s31+s2] =	stream.linear.scatter [tilespmem:s6], [sflag:$0x1], $0x80, $0x38;
	[tilespmem:$0x400] =	vst v63  }
0x263: {  	_ =	swait.ge [sflag:s3], $0x80  }
0x264: {  	[sflag:s3] =	ssyncset.done $0x0  }
0x265: {  	s1 =	rddreg [dreg:$0x17];
	[sflag:s3] =	ssyncadd.s32 $0xFFFFFF80  }
0x266: {  	[hbm4b:s1+s2] =	stream.linear.scatter [tilespmem:s25], [sflag:$0x1], $0x80, $0x38;
	[tilespmem:$0x400] =	vst v63  }
0x267: {  	_ =	swait.ge [sflag:s3], $0x80  }
0x268: {  	[sflag:s3] =	ssyncset.done $0x0  }
0x269: {  	s31 =	rddreg [dreg:$0x18];
	[sflag:s3] =	ssyncadd.s32 $0xFFFFFF80  }
0x26a: {  	[hbm4b:s31+s2] =	stream.linear.scatter [tilespmem:s22], [sflag:$0x1], $0x80, $0x38;
	[tilespmem:$0x400] =	vst v63  }
0x26b: {  	_ =	swait.ge [sflag:s3], $0x80  }
0x26c: {  	[sflag:s3] =	ssyncset.done $0x0  }
0x26d: {  	s1 =	rddreg [dreg:$0x19];
	[sflag:s3] =	ssyncadd.s32 $0xFFFFFF80  }
0x26e: {  	[hbm4b:s1+s2] =	stream.linear.scatter [tilespmem:s23], [sflag:$0x1], $0x80, $0x38;
	[tilespmem:$0x400] =	vst v63  }
0x26f: {  	_ =	swait.ge [sflag:s3], $0x80  }
0x270: {  	[sflag:s3] =	ssyncset.done $0x0  }
0x271: {  	s31 =	rddreg [dreg:$0x1a];
	[sflag:s3] =	ssyncadd.s32 $0xFFFFFF80  }
0x272: {  	[hbm4b:s31+s2] =	stream.linear.scatter [tilespmem:s20], [sflag:$0x1], $0x80, $0x38;
	[tilespmem:$0x400] =	vst v63  }
0x273: {  	_ =	swait.ge [sflag:s3], $0x80  }
0x274: {  	[sflag:s3] =	ssyncset.done $0x0  }
0x275: {  	s1 =	rddreg [dreg:$0x1b];
	[sflag:s3] =	ssyncadd.s32 $0xFFFFFF80  }
0x276: {  	[hbm4b:s1+s2] =	stream.linear.scatter [tilespmem:s18], [sflag:$0x1], $0x80, $0x38;
	[tilespmem:$0x400] =	vst v63  }
0x277: {  	_ =	swait.ge [sflag:s3], $0x80  }
0x278: {  	[sflag:s3] =	ssyncset.done $0x0  }
0x279: {  	s31 =	rddreg [dreg:$0x1c];
	[sflag:s3] =	ssyncadd.s32 $0xFFFFFF80  }
0x27a: {  	[hbm4b:s31+s2] =	stream.linear.scatter [tilespmem:s16], [sflag:$0x1], $0x80, $0x38;
	[tilespmem:$0x400] =	vst v63  }
0x27b: {  	_ =	swait.ge [sflag:s3], $0x80  }
0x27c: {  	[sflag:s3] =	ssyncset.done $0x0  }
0x27d: {  	s1 =	rddreg [dreg:$0x1d];
	[sflag:s3] =	ssyncadd.s32 $0xFFFFFF80  }
0x27e: {  	[tilespmem:s2], [sflag:$0x1] =	stream.linear.gather [hbm4b:s1+s2], $0x400, $0x38;
	[tilespmem:$0x400] =	vst v63  }
0x27f: {  	_ =	swait.ge [sflag:s3], $0x400  }
0x280: {  	[sflag:s3] =	ssyncset.done $0x0  }
0x281: {  	s31 =	rddreg [dreg:$0x1e];
	[sflag:s3] =	ssyncadd.s32 $0xFFFFFC00  }
0x282: {  	[hbm4b:s31+s2] =	stream.linear.scatter [tilespmem:s2], [sflag:$0x1], $0x80, $0x38;
	[tilespmem:$0x400] =	vst v63  }
0x283: {  	_ =	swait.ge [sflag:s3], $0x80  }
0x284: {  	[sflag:s3] =	ssyncset.done $0x0  }
0x285: {  	s1 =	rddreg [dreg:$0x1f];
	[sflag:s3] =	ssyncadd.s32 $0xFFFFFF80  }
0x286: {  	[hbm4b:s1+s2] =	stream.linear.scatter [tilespmem:s6], [sflag:$0x1], $0x80, $0x38;
	[tilespmem:$0x400] =	vst v63  }
0x287: {  	_ =	swait.ge [sflag:s3], $0x80  }
0x288: {  	s31 =	sld [smem:$0x7F4]  }
0x289: {  	[sflag:s3] =	ssyncset.done $0x0  }
0x28a: {  	[sflag:s3] =	ssyncadd.s32 $0xFFFFFF80  }
0x28b: {  	[hbm4b:s31+s2] =	stream.linear.scatter [tilespmem:s25], [sflag:$0x1], $0x80, $0x38;
	[tilespmem:$0x400] =	vst v63  }
0x28c: {  	_ =	swait.ge [sflag:s3], $0x80  }
0x28d: {  	s1 =	sld [smem:$0x7F5]  }
0x28e: {  	[sflag:s3] =	ssyncset.done $0x0  }
0x28f: {  	[sflag:s3] =	ssyncadd.s32 $0xFFFFFF80  }
0x290: {  	[hbm4b:s1+s2] =	stream.linear.scatter [tilespmem:s22], [sflag:$0x1], $0x80, $0x38;
	[tilespmem:$0x400] =	vst v63  }
0x291: {  	_ =	swait.ge [sflag:s3], $0x80  }
0x292: {  	s31 =	sld [smem:$0x7F6]  }
0x293: {  	[sflag:s3] =	ssyncset.done $0x0  }
0x294: {  	[sflag:s3] =	ssyncadd.s32 $0xFFFFFF80  }
0x295: {  	[hbm4b:s31+s2] =	stream.linear.scatter [tilespmem:s23], [sflag:$0x1], $0x80, $0x38;
	[tilespmem:$0x400] =	vst v63  }
0x296: {  	_ =	swait.ge [sflag:s3], $0x80  }
0x297: {  	s1 =	sld [smem:$0x7F7]  }
0x298: {  	[sflag:s3] =	ssyncset.done $0x0  }
0x299: {  	[sflag:s3] =	ssyncadd.s32 $0xFFFFFF80  }
0x29a: {  	[hbm4b:s1+s2] =	stream.linear.scatter [tilespmem:s20], [sflag:$0x1], $0x80, $0x38;
	[tilespmem:$0x400] =	vst v63  }
0x29b: {  	_ =	swait.ge [sflag:s3], $0x80  }
0x29c: {  	s31 =	sld [smem:$0x7F8]  }
0x29d: {  	[sflag:s3] =	ssyncset.done $0x0  }
0x29e: {  	[sflag:s3] =	ssyncadd.s32 $0xFFFFFF80  }
0x29f: {  	[hbm4b:s31+s2] =	stream.linear.scatter [tilespmem:s18], [sflag:$0x1], $0x80, $0x38;
	[tilespmem:$0x400] =	vst v63  }
0x2a0: {  	_ =	swait.ge [sflag:s3], $0x80  }
0x2a1: {  	s1 =	sld [smem:$0x7F9]  }
0x2a2: {  	[sflag:s3] =	ssyncset.done $0x0  }
0x2a3: {  	[sflag:s3] =	ssyncadd.s32 $0xFFFFFF80  }
0x2a4: {  	[hbm4b:s1+s2] =	stream.linear.scatter [tilespmem:s16], [sflag:$0x1], $0x80, $0x38;
	[tilespmem:$0x400] =	vst v63  }
0x2a5: {  	_ =	swait.ge [sflag:s3], $0x80  }
0x2a6: {  	s31 =	sld [smem:$0x7FA]  }
0x2a7: {  	[sflag:s3] =	ssyncset.done $0x0  }
0x2a8: {  	[sflag:s3] =	ssyncadd.s32 $0xFFFFFF80  }
0x2a9: {  	[tilespmem:s2], [sflag:$0x1] =	stream.linear.gather [hbm4b:s31+s2], $0x400, $0x38;
	[tilespmem:$0x400] =	vst v63  }
0x2aa: {  	_ =	swait.ge [sflag:s3], $0x400  }
0x2ab: {  	s1 =	sld [smem:$0x7FB]  }
0x2ac: {  	[sflag:s3] =	ssyncset.done $0x0  }
0x2ad: {  	[sflag:s3] =	ssyncadd.s32 $0xFFFFFC00  }
0x2ae: {  	[hbm4b:s1+s2] =	stream.linear.scatter [tilespmem:s2], [sflag:$0x1], $0x80, $0x38;
	[tilespmem:$0x400] =	vst v63  }
0x2af: {  	_ =	swait.ge [sflag:s3], $0x80  }
0x2b0: {  	s31 =	sld [smem:$0x7FC]  }
0x2b1: {  	[sflag:s3] =	ssyncset.done $0x0  }
0x2b2: {  	[sflag:s3] =	ssyncadd.s32 $0xFFFFFF80  }
0x2b3: {  	[hbm4b:s31+s2] =	stream.linear.scatter [tilespmem:s6], [sflag:$0x1], $0x80, $0x38;
	[tilespmem:$0x400] =	vst v63  }
0x2b4: {  	_ =	swait.ge [sflag:s3], $0x80  }
0x2b5: {  	s1 =	sld [smem:$0x7FD]  }
0x2b6: {  	[sflag:s3] =	ssyncset.done $0x0  }
0x2b7: {  	[sflag:s3] =	ssyncadd.s32 $0xFFFFFF80  }
0x2b8: {  	[hbm4b:s1+s2] =	stream.linear.scatter [tilespmem:s25], [sflag:$0x1], $0x80, $0x38;
	[tilespmem:$0x400] =	vst v63  }
0x2b9: {  	_ =	swait.ge [sflag:s3], $0x80  }
0x2ba: {  	[sflag:s3] =	ssyncset.done $0x0  }
0x2bb: {  	[sflag:s3] =	ssyncadd.s32 $0xFFFFFF80  }
0x2bc: {  	[hbm4b:s30+s2] =	stream.linear.scatter [tilespmem:s22], [sflag:$0x1], $0x80, $0x38;
	[tilespmem:$0x400] =	vst v63  }
0x2bd: {  	_ =	swait.ge [sflag:s3], $0x80  }
0x2be: {  	[sflag:s3] =	ssyncset.done $0x0  }
0x2bf: {  	[sflag:s3] =	ssyncadd.s32 $0xFFFFFF80  }
0x2c0: {  	[hbm4b:s29+s2] =	stream.linear.scatter [tilespmem:s23], [sflag:$0x1], $0x80, $0x38;
	[tilespmem:$0x400] =	vst v63  }
0x2c1: {  	_ =	swait.ge [sflag:s3], $0x80  }
0x2c2: {  	[sflag:s3] =	ssyncset.done $0x0  }
0x2c3: {  	[sflag:s3] =	ssyncadd.s32 $0xFFFFFF80  }
0x2c4: {  	[hbm4b:s28+s2] =	stream.linear.scatter [tilespmem:s20], [sflag:$0x1], $0x80, $0x38;
	[tilespmem:$0x400] =	vst v63  }
0x2c5: {  	_ =	swait.ge [sflag:s3], $0x80  }
0x2c6: {  	[sflag:s3] =	ssyncset.done $0x0  }
0x2c7: {  	[sflag:s3] =	ssyncadd.s32 $0xFFFFFF80  }
0x2c8: {  	[hbm4b:s26+s2] =	stream.linear.scatter [tilespmem:s18], [sflag:$0x1], $0x80, $0x38;
	[tilespmem:$0x400] =	vst v63  }
0x2c9: {  	_ =	swait.ge [sflag:s3], $0x80  }
0x2ca: {  	[sflag:s3] =	ssyncset.done $0x0  }
0x2cb: {  	[sflag:s3] =	ssyncadd.s32 $0xFFFFFF80  }
0x2cc: {  	[hbm4b:s24+s2] =	stream.linear.scatter [tilespmem:s16], [sflag:$0x1], $0x80, $0x38;
	[tilespmem:$0x400] =	vst v63  }
0x2cd: {  	_ =	swait.ge [sflag:s3], $0x80  }
0x2ce: {  	[sflag:s3] =	ssyncset.done $0x0  }
0x2cf: {  	[sflag:s3] =	ssyncadd.s32 $0xFFFFFF80  }
0x2d0: {  	[tilespmem:s2], [sflag:$0x1] =	stream.linear.gather [hbm4b:s21+s2], $0x400, $0x38;
	[tilespmem:$0x400] =	vst v63  }
0x2d1: {  	_ =	swait.ge [sflag:s3], $0x400  }
0x2d2: {  	[sflag:s3] =	ssyncset.done $0x0  }
0x2d3: {  	[sflag:s3] =	ssyncadd.s32 $0xFFFFFC00  }
0x2d4: {  	[hbm4b:s19+s2] =	stream.linear.scatter [tilespmem:s2], [sflag:$0x1], $0x80, $0x38;
	[tilespmem:$0x400] =	vst v63  }
0x2d5: {  	_ =	swait.ge [sflag:s3], $0x80  }
0x2d6: {  	[sflag:s3] =	ssyncset.done $0x0  }
0x2d7: {  	[sflag:s3] =	ssyncadd.s32 $0xFFFFFF80  }
0x2d8: {  	[hbm4b:s17+s2] =	stream.linear.scatter [tilespmem:s6], [sflag:$0x1], $0x80, $0x38;
	[tilespmem:$0x400] =	vst v63  }
0x2d9: {  	_ =	swait.ge [sflag:s3], $0x80  }
0x2da: {  	[sflag:s3] =	ssyncset.done $0x0  }
0x2db: {  	[sflag:s3] =	ssyncadd.s32 $0xFFFFFF80  }
0x2dc: {  	[hbm4b:s15+s2] =	stream.linear.scatter [tilespmem:s25], [sflag:$0x1], $0x80, $0x38;
	[tilespmem:$0x400] =	vst v63  }
0x2dd: {  	_ =	swait.ge [sflag:s3], $0x80  }
0x2de: {  	[sflag:s3] =	ssyncset.done $0x0  }
0x2df: {  	[sflag:s3] =	ssyncadd.s32 $0xFFFFFF80  }
0x2e0: {  	[hbm4b:s12+s2] =	stream.linear.scatter [tilespmem:s22], [sflag:$0x1], $0x80, $0x38;
	[tilespmem:$0x400] =	vst v63  }
0x2e1: {  	_ =	swait.ge [sflag:s3], $0x80  }
0x2e2: {  	[sflag:s3] =	ssyncset.done $0x0  }
0x2e3: {  	[sflag:s3] =	ssyncadd.s32 $0xFFFFFF80  }
0x2e4: {  	[hbm4b:s11+s2] =	stream.linear.scatter [tilespmem:s23], [sflag:$0x1], $0x80, $0x38;
	[tilespmem:$0x400] =	vst v63  }
0x2e5: {  	_ =	swait.ge [sflag:s3], $0x80  }
0x2e6: {  	[sflag:s3] =	ssyncset.done $0x0  }
0x2e7: {  	[sflag:s3] =	ssyncadd.s32 $0xFFFFFF80  }
0x2e8: {  	[hbm4b:s10+s2] =	stream.linear.scatter [tilespmem:s20], [sflag:$0x1], $0x80, $0x38;
	[tilespmem:$0x400] =	vst v63  }
0x2e9: {  	_ =	swait.ge [sflag:s3], $0x80  }
0x2ea: {  	[sflag:s3] =	ssyncset.done $0x0  }
0x2eb: {  	[sflag:s3] =	ssyncadd.s32 $0xFFFFFF80  }
0x2ec: {  	[hbm4b:s9+s2] =	stream.linear.scatter [tilespmem:s18], [sflag:$0x1], $0x80, $0x38;
	[tilespmem:$0x400] =	vst v63  }
0x2ed: {  	_ =	swait.ge [sflag:s3], $0x80  }
0x2ee: {  	[sflag:s3] =	ssyncset.done $0x0  }
0x2ef: {  	[sflag:s3] =	ssyncadd.s32 $0xFFFFFF80  }
0x2f0: {  	[hbm4b:s8+s2] =	stream.linear.scatter [tilespmem:s16], [sflag:$0x1], $0x80, $0x38;
	[tilespmem:$0x400] =	vst v63  }
0x2f1: {  	_ =	swait.ge [sflag:s3], $0x80  }
0x2f2: {  	[sflag:s3] =	ssyncset.done $0x0  }
0x2f3: {  	[sflag:s3] =	ssyncadd.s32 $0xFFFFFF80  }
0x2f4: {  	[tilespmem:s2], [sflag:$0x1] =	stream.strided.gather [hbm4b:s7+s13], $0x0, s14, s13, $0x38;
	[tilespmem:$0x400] =	vst v63  }
0x2f5: {  	_ = 	snop  }
0x2f6: {  	[tilespmem:s2], [sflag:$0x1] =	stream.linear.gather [hbm4b:s7+s2], $0x100, $0x38;
	[tilespmem:$0x400] =	vst v63  }
0x2f7: {  	_ =	swait.ge [sflag:s3], $0x100  }
0x2f8: {  	[sflag:s3] =	ssyncset.done $0x0  }
0x2f9: {  	[sflag:s3] =	ssyncadd.s32 $0xFFFFFF00  }
0x2fa: {  	[hbm4b:s5+s2] =	stream.linear.scatter [tilespmem:s2], [sflag:$0x1], $0x80, $0x38;
	[tilespmem:$0x400] =	vst v63  }
0x2fb: {  	_ =	swait.ge [sflag:s3], $0x80  }
0x2fc: {  	[sflag:s3] =	ssyncset.done $0x0  }
0x2fd: {  	[sflag:s3] =	ssyncadd.s32 $0xFFFFFF80  }
0x2fe: {  	[hbm4b:s4+s2] =	stream.linear.scatter [tilespmem:s6], [sflag:$0x1], $0x80, $0x38;
	[tilespmem:$0x400] =	vst v63  }
0x2ff: {  	_ =	swait.ge [sflag:s3], $0x80  }
0x300: {  	[sflag:s3] =	ssyncset.done $0x0  }
0x301: {  	[sflag:s3] =	ssyncadd.s32 $0xFFFFFF80  }
0x302: {  	_ =	sfence.sel $0x180000  }
0x303: {  	[bflag:$0x0] =	sbarrier.arrive $0xFFFF  }
0x304: {  	_ =	strace $0x90000047  }
0x305: {  	s31 =	stileid.u32;
	[bflag:$0x2] =	sbarrier.arrive $0xFFFF  }
0x306: {  	p0 =	sne.s32 s31, $0x0;
	s0 =	rddreg [dreg:$0x2]  }
0x307: {  	s0 =	sadd.s32 @!p0 $0x100000, s0  }
0x308: {  	[sflag:s0] =	ssyncadd.tile.s32 @!p0 $0x1;
	_ =	shalt  }
.Lfunc_end2:
_tile_overlayer_lowered:
.L_overlay_start_2:
0x309: {  	(tag) =	ssettag $0x2  }
0x30a: {  	s0 =	rddreg [dreg:$0x0];
	s2 =	stileid.u32  }
0x30b: {  	s1 =	rddreg [dreg:$0x1];
	p0 =	sne.s32 s2, $0x0  }
0x30c: {  	s3 =	rddreg [dreg:$0x2];
	[bflag:$0x3] =	sbarrier.arrive $0xFFFF;
	s2 =	simm.s32 @!p0 $0x1C01  }
0x30d: {  	[timem:s3], [sflag:s2] =	dma.local @!p0 [hbm:s0], s1  }
0x30e: {  	s0 =	simm.s32 @!p0 $0x1  }
0x30f: {  	_ =	swait.ge @!p0 [sflag:s0], s1  }
0x310: {  	s1 =	ssub.s32 @!p0 $0x0, s1;
	[sflag:s0] =	ssyncset.done @!p0 $0x0  }
0x311: {  	[sflag:s0] =	ssyncadd.s32 @!p0 s1  }
0x312: {  	[bflag:$0x3] =	sbarrier.arrive $0xFFFF  }
0x313: {  	_ =	shalt  }

// kernel: kernel.7.cloned.1.call-start
scs
__scs_entry_jumppad:
0x0: {  	(pc) =	sbr.rel $0x88, $3  }
0x1: {  	(tag) =	ssettag $0x0;
	lr =	simm.s32 $0x1  }
0x2: {  	[smem:$0x3F9F] =	sst lr;
	_ =	strace $0xD0000000  }
0x3: {  	_ = 	snop  }
0x4: {  	_ = 	snop  }
0x5: {  	_ = 	snop  }
0x6: {  	_ = 	snop  }
0x7: {  	_ = 	snop  }
__scs_overlays_trampoline_lowered:
0x8: {  	[smem:$0x3FAE] =	sst s0  }
0x9: {  	[smem:$0x3FAF] =	sst s1  }
0xa: {  	[smem:$0x3FB0] =	sst s2  }
0xb: {  	[smem:$0x3FB1] =	sst s3  }
0xc: {  	[smem:$0x3FB2] =	sst s4  }
0xd: {  	[smem:$0x3FB3] =	sst s5  }
0xe: {  	[smem:$0x3FB4] =	sst s6  }
0xf: {  	[smem:$0x3FB5] =	sst s7  }
0x10: {  	[smem:$0x3FB6] =	sst s8  }
0x11: {  	[smem:$0x3FB7] =	sst s9;
	s0 =	simm.s32 @!p0 $0x0  }
0x12: {  	s1 =	sld [smem:$0x3F9D];
	s0 =	simm.s32 @p0 $0x1  }
0x13: {  	[smem:$0x3FB8] =	sst s0;
	s0 =	simm.s32 @!p1 $0x0  }
0x14: {  	s2 =	sld [smem:$0x3F9C];
	s0 =	simm.s32 @p1 $0x1  }
0x15: {  	[smem:$0x3FB9] =	sst s0;
	s0 =	simm.s32 @!p2 $0x0  }
0x16: {  	s3 =	sld [smem:$0x3FDB];
	s0 =	simm.s32 @p2 $0x1  }
0x17: {  	s4 =	simm.s32 $0x1BF5;
	[smem:$0x3FBB] =	sst s0  }
0x18: {  	s0 =	sld [smem:$0x3F9E];
	_ =	swait.ge [sflag:s4], $0x0  }
0x19: {  	s7 =	sld [smem:$0x3F9F]  }
0x1a: {  	s8 =	sadd.s32 $0xFFFFE003, lr  }
0x1b: {  	s9 =	sadd.s32 $0xFFFFFEF7, lr;
	s5 =	simm.s32 $0xFFFFFFFF;
	p2 =	slt.u32 s8, $0xFFFFF086  }
0x1c: {  	p1 =	slt.u32 s9, $0xF7A;
	s5 =	simm.s32 @!p2 $0x0  }
0x1d: {  	s5 =	simm.s32 @p1 $0x1;
	p0 =	seq.s32 s7, s2  }
0x1e: {  	s7 =	smul.u32 @!p0 $0xF7A, s2;
	p2 =	seq.s32 @!p0 s5, $0x0  }
0x1f: {  	s9 =	smul.u32 $0xF7A, s1;
	s8 =	simm.s32 @!p0 $0x1BF5;
	p2 =	por !p2, p0  }
0x20: {  	[sflag:s8] =	ssyncset.s32 @!p0 $0xFFFFF086;
	s6 =	sadd.s32 @!p0 s3, s7;
	s7 =	simm.s32 @!p0 $0x108  }
0x21: {  	s3 =	sadd.s32 s3, s9;
	s6 =	sadd.s32 @!p0 $0x88, s6;
	s7 =	simm.s32 @p2 $0x1082  }
0x22: {  	[simem:s7], [sflag:s8] =	dma.local @!p0 [hbm:s6], $0xF7A  }
0x23: {  	s9 =	sor.u32 $0xD0000000, s2;
	s6 =	simm.s32 $0x108;
	_ =	swait.ge @!p0 [sflag:s8], $0x0  }
0x24: {  	s3 =	sadd.s32 $0x88, s3;
	s6 =	simm.s32 @!p1 $0x1082;
	[sflag:s4] =	ssyncset.s32 $0xFFFFF086  }
0x25: {  	[simem:s6], [sflag:s4] =	dma.local [hbm:s3], $0xF7A  }
0x26: {  	[smem:$0x3F9F] =	sst s1;
	(tag) =	ssettag s2;
	_ =	strace s9  }
0x27: {  	s1 =	sld [smem:$0x3FAF]  }
0x28: {  	s2 =	sld [smem:$0x3FB0]  }
0x29: {  	s4 =	sld [smem:$0x3FB2]  }
0x2a: {  	p0 =	seq.s32 s5, $0x0;
	s5 =	sld [smem:$0x3FB3]  }
0x2b: {  	s6 =	sld [smem:$0x3FB4]  }
0x2c: {  	s7 =	sld [smem:$0x3FB5]  }
0x2d: {  	s3 =	simm.s32 $0x108;
	s8 =	sld [smem:$0x3FB6]  }
0x2e: {  	s3 =	simm.s32 @!p0 $0x1082;
	s9 =	sld [smem:$0x3FB7]  }
0x2f: {  	lr =	sadd.s32 s0, s3;
	s0 =	sld [smem:$0x3FAE]  }
0x30: {  	s3 =	sld [smem:$0x3FB1]  }
0x31: {  	[smem:$0x3FBA] =	sst s10  }
0x32: {  	s10 =	sld [smem:$0x3FB8];
	_ =	sdelay $0x3  }
0x33: {  	p0 =	seq.s32 s10, $0x1;
	s10 =	sld [smem:$0x3FBA];
	_ =	sdelay $0x3  }
0x34: {  	[smem:$0x3FBA] =	sst s10  }
0x35: {  	s10 =	sld [smem:$0x3FB9];
	_ =	sdelay $0x3  }
0x36: {  	p1 =	seq.s32 s10, $0x1;
	s10 =	sld [smem:$0x3FBA];
	_ =	sdelay $0x3  }
0x37: {  	[smem:$0x3FBA] =	sst s10  }
0x38: {  	s10 =	sld [smem:$0x3FBB]  }
0x39: {  	_ = 	snop;
	(pc) =	sbr.ind lr, $3  }
0x3a: {  	_ = 	snop  }
0x3b: {  	_ = 	snop  }
0x3c: {  	p2 =	seq.s32 s10, $0x1;
	s10 =	sld [smem:$0x3FBA]  }
0x3d: {  	_ =	shalt  }
0x3e: {  	_ =	shalt  }
0x3f: {  	_ =	shalt  }
0x40: {  	_ =	shalt  }
0x41: {  	_ =	shalt  }
0x42: {  	_ =	shalt  }
0x43: {  	_ =	shalt  }
0x44: {  	_ =	shalt  }
0x45: {  	_ =	shalt  }
0x46: {  	_ =	shalt  }
0x47: {  	_ =	shalt  }
0x48: {  	_ =	shalt  }
0x49: {  	_ =	shalt  }
0x4a: {  	_ =	shalt  }
0x4b: {  	_ =	shalt  }
0x4c: {  	_ =	shalt  }
0x4d: {  	_ =	shalt  }
0x4e: {  	_ =	shalt  }
0x4f: {  	_ =	shalt  }
0x50: {  	_ =	shalt  }
0x51: {  	_ =	shalt  }
0x52: {  	_ =	shalt  }
0x53: {  	_ =	shalt  }
0x54: {  	_ =	shalt  }
0x55: {  	_ =	shalt  }
0x56: {  	_ =	shalt  }
0x57: {  	_ =	shalt  }
0x58: {  	_ =	shalt  }
0x59: {  	_ =	shalt  }
0x5a: {  	_ =	shalt  }
0x5b: {  	_ =	shalt  }
0x5c: {  	_ =	shalt  }
0x5d: {  	_ =	shalt  }
0x5e: {  	_ =	shalt  }
0x5f: {  	_ =	shalt  }
0x60: {  	_ =	shalt  }
0x61: {  	_ =	shalt  }
0x62: {  	_ =	shalt  }
0x63: {  	_ =	shalt  }
0x64: {  	_ =	shalt  }
0x65: {  	_ =	shalt  }
0x66: {  	_ =	shalt  }
0x67: {  	_ =	shalt  }
0x68: {  	_ =	shalt  }
0x69: {  	_ =	shalt  }
0x6a: {  	_ =	shalt  }
0x6b: {  	_ =	shalt  }
0x6c: {  	_ =	shalt  }
0x6d: {  	_ =	shalt  }
0x6e: {  	_ =	shalt  }
0x6f: {  	_ =	shalt  }
0x70: {  	_ =	shalt  }
0x71: {  	_ =	shalt  }
0x72: {  	_ =	shalt  }
0x73: {  	_ =	shalt  }
0x74: {  	_ =	shalt  }
0x75: {  	_ =	shalt  }
0x76: {  	_ =	shalt  }
0x77: {  	_ =	shalt  }
0x78: {  	_ =	shalt  }
0x79: {  	_ =	shalt  }
0x7a: {  	_ =	shalt  }
0x7b: {  	_ =	shalt  }
0x7c: {  	_ =	shalt  }
0x7d: {  	_ =	shalt  }
0x7e: {  	_ =	shalt  }
0x7f: {  	_ =	shalt  }
0x80: {  	_ =	shalt  }
0x81: {  	_ =	shalt  }
0x82: {  	_ =	shalt  }
0x83: {  	_ =	shalt  }
0x84: {  	_ =	shalt  }
0x85: {  	_ =	shalt  }
0x86: {  	_ =	shalt  }
0x87: {  	_ =	shalt  }
.Lfunc_end0:
.L_simem_size_0:
called_computation.2_lowered:
.L_overlay_start_0:
0x88: {  	s2 =	sld [smem:$0x3FD9]  }
0x89: {  	s3 =	sld [smem:$0x3FFE];
	_ =	sdelay $0x1  }
0x8a: {  	s1 =	srdreg.scid  }
0x8b: {  	s0 =	sand.u32 $0x1, s1  }
0x8c: {  	s17 =	sshll.u32 s0, $0xA;
	s2 =	sadd.s32 s3, s2  }
0x8d: {  	s2 =	sadd.s32 s2, s17  }
0x8e: {  	[smem:$0x3FC6] =	sst s2  }
0x8f: {  	_ = 	snop  }
0x90: {  	s2 =	sld [smem:$0x3FD0];
	(tm) =	ssettm $0x1  }
0x91: {  	s18 =	sld [smem:$0x3FFB];
	_ =	sdelay $0x3  }
0x92: {  	_ =	strace s18  }
0x93: {  	s3 =	sld [smem:$0x3FFC];
	_ =	sdelay $0x3  }
0x94: {  	_ =	strace s3  }
0x95: {  	s3 =	sld [smem:$0x3FFD];
	_ =	sdelay $0x3  }
0x96: {  	_ =	strace s3  }
0x97: {  	_ =	strace $0x8FFFFFFF  }
0x98: {  	s19 =	sld [smem:$0x3FDB];
	_ =	sdelay $0x1  }
0x99: {  	s4 =	simm.s32 $_scs_section_size  }
0x9a: {  	s5 =	simm.s32 $_size__tile_overlayer_lowered;
	s6 =	simm.s32 $_tile_overlayer_lowered  }
0x9b: {  	s22 =	simm.s32 $0x1BFF;
	s21 =	sshll.u32 s6, $0x1;
	s3 =	sadd.s32 s4, s19  }
0x9c: {  	s7 =	simm.s32 $0x0;
	s20 =	sshll.u32 s5, $0x1;
	s5 =	sadd.s32 s21, s3  }
0x9d: {  	[timem:s7], [sflag:s22] =	dma.local [hbm:s5], s20  }
0x9e: {  	_ =	swait.ge [sflag:s22], s20  }
0x9f: {  	s4 =	ssub.s32 $0x0, s20;
	[sflag:s22] =	ssyncset.done $0x0  }
0xa0: {  	[sflag:s22] =	ssyncadd.s32 s4;
	_ =	sdelay $0x1  }
0xa1: {  	s23 =	simm.s32 $0x1B8B  }
0xa2: {  	_ =	swait.ge [sflag:s23], $0x1  }
0xa3: {  	[sflag:s23] =	ssyncset.done $0x0  }
0xa4: {  	s25 =	simm.s32 $0x1B8E;
	s24 =	sld [smem:$0x3FFE];
	[sflag:s23] =	ssyncadd.s32 $0xFFFFFFFF  }
0xa5: {  	s26 =	simm.s32 $execute0_lowered;
	[smem:$0x3FD2] =	sst s25  }
0xa6: {  	s5 =	sshll.u32 s26, $0x1;
	_ =	strace $0x80000049;
	[dreg:$0x1] =	wrdreg $0xFFFFFFFF  }
0xa7: {  	s28 =	simm.s32 $_size_execute0_lowered;
	s3 =	sadd.s32 s3, s5;
	[dreg:$0x0] =	wrdreg $0x0  }
0xa8: {  	s5 =	sshll.u32 s28, $0x1;
	[dreg:$0x2] =	wrdreg s3  }
0xa9: {  	[dreg:$0x3] =	wrdreg s5  }
0xaa: {  	[dreg:$0x4] =	wrdreg $0xC0  }
0xab: {  	_ =	task [dreg:s7], $0x5FFFF  }
0xac: {  	[dreg:$0x1] =	wrdreg $0xFFFFFFFF  }
0xad: {  	[dreg:$0x0] =	wrdreg $0x60  }
0xae: {  	[dreg:$0x2] =	wrdreg s24  }
0xaf: {  	[dreg:$0x3] =	wrdreg s2  }
0xb0: {  	[dreg:$0x4] =	wrdreg $0x9  }
0xb1: {  	_ =	task.clear_ibuf [dreg:s7], $0x5FFFF;
	_ =	strace $0x90000049  }
0xb2: {  	s29 =	simm.s32 $0x9;
	_ =	strace $0x8000004B  }
0xb3: {  	_ =	swait.ge [sflag:s29], $0x1  }
0xb4: {  	[sflag:s29] =	ssyncadd.s32 $0xFFFFFFFF  }
0xb5: {  	_ =	strace $0x9000004B  }
0xb6: {  	_ =	sfence  }
0xb7: {  	s30 =	sld [smem:$0x0];
	_ =	sdelay $0x2  }
0xb8: {  	s31 =	sshll.u32 s1, $0xD;
	s1 =	sshrl.u32 s1, $0x2  }
0xb9: {  	s3 =	sand.u32 $0x4000, s31;
	s1 =	sadd.s32 s1, s30  }
0xba: {  	s0 =	sor.u32 s3, s0;
	s1 =	sshll.u32 s1, $0x11  }
0xbb: {  	s0 =	sor.u32 s1, s0  }
0xbc: {  	s0 =	sadd.s32 $0x8F2B, s0  }
0xbd: {  	[sflag:s0] =	ssyncadd.remote.s32 $0x1  }
0xbe: {  	_ =	sfence.sel $0xFFFF  }
0xbf: {  	[dreg:$0x0] =	wrdreg $0xFFFFFFFF;
	(pc) =	sbr.abs _section_cstart, $3  }
0xc0: {  	[dreg:$0x1] =	wrdreg $0xFFFFFFFF  }
0xc1: {  	_ =	task.clear_ibuf [dreg:s7], $0x2FFFF;
	_ =	strace $0x9FFFFFFF  }
0xc2: {  	(tm) =	ssettm $0x7FFFFFFF  }
0xc3: {  	_ =	shalt  }
tec
execute0_lowered:
.L_overlay_start_1:
0x0: {  	(tag) =	ssettag $0x1  }
0x1: {  	s1 =	srdreg.scid;
	s0 =	stileid.u32  }
0x2: {  	s24 =	sand.u32 $0x1, s1;
	s31 =	sshll.u32 s0, $0x1  }
0x3: {  	s10 =	sor.u32 s24, s31  }
0x4: {  	s5 =	rddreg [dreg:$0x0];
	s3 =	smul.u32 $0x320, s10  }
0x5: {  	s11 =	rddreg [dreg:$0x1];
	s2 =	simm.s32 $0x0  }
0x6: {  	s4 =	simm.s32 $0x3;
	[smem:$0x7FF] =	sst s2;
	s3 =	sadd.s32 s3, s5  }
0x7: {  	s1 =	rddreg [dreg:$0x2];
	_ =	strace $0x8000004A;
	s3 =	sadd.s32 $0xC00, s3  }
0x8: {  	[tilespmem:s2], [sflag:$0x3] =	stream.linear.gather [hbm4b:s3+s2], $0x1900, $0x38;
	[tilespmem:$0x1A900] =	vst v63  }
0x9: {  	_ =	swait.ge [sflag:s4], $0x1900  }
0xa: {  	s6 =	simm.s32 $0x320;
	[sflag:s4] =	ssyncset.done $0x0  }
0xb: {  	s7 =	simm.s32 $0x1900;
	s5 =	sadd.s32 $0xF49400, s5;
	[sflag:s4] =	ssyncadd.s32 $0xFFFFE700  }
0xc: {  	[tilespmem:s7], [sflag:$0x1] =	stream.indirect.gather [hbm4b:s5+s6], $0x40, s2, s6, $0xb8;
	[tilespmem:$0x1A900] =	vst v63  }
0xd: {  	s9 =	simm.s32 $0xE100;
	s8 =	simm.s32 $0x1  }
0xe: {  	[tilespmem:s9], [sflag:$0x2] =	stream.indirect.gather [hbm4b:s5+s6], $0x40, s6, s6, $0xb8;
	[tilespmem:$0x1A900] =	vst v63  }
0xf: {  	s10 =	smul.u32 $0xC800, s10;
	_ =	swait.ge [sflag:s8], $0xC800  }
0x10: {  	[sflag:s8] =	ssyncset.done $0x0  }
0x11: {  	s10 =	sadd.s32 s11, s10;
	[sflag:s8] =	ssyncadd.s32 $0xFFFF3800  }
0x12: {  	[hbm4b:s10+s2] =	stream.linear.scatter [tilespmem:s7], [sflag:$0x3], $0xC800, $0x38;
	[tilespmem:$0x1A900] =	vst v63  }
0x13: {  	_ =	swait.ge [sflag:s4], $0xC800  }
0x14: {  	[sflag:s4] =	ssyncset.done $0x0  }
0x15: {  	s12 =	simm.s32 $0x2;
	s11 =	simm.s32 $0x640;
	[sflag:s4] =	ssyncadd.s32 $0xFFFF3800  }
0x16: {  	[tilespmem:s7], [sflag:$0x1] =	stream.indirect.gather [hbm4b:s5+s6], $0x40, s11, s6, $0xb8;
	[tilespmem:$0x1A900] =	vst v63  }
0x17: {  	_ =	swait.ge [sflag:s12], $0xC800  }
0x18: {  	[sflag:s12] =	ssyncset.done $0x0  }
0x19: {  	s13 =	sadd.s32 $0x1900, s10;
	[sflag:s12] =	ssyncadd.s32 $0xFFFF3800  }
0x1a: {  	[hbm4b:s13+s2] =	stream.linear.scatter [tilespmem:s9], [sflag:$0x3], $0xC800, $0x38;
	[tilespmem:$0x1A900] =	vst v63  }
0x1b: {  	_ =	swait.ge [sflag:s4], $0xC800  }
0x1c: {  	[sflag:s4] =	ssyncset.done $0x0  }
0x1d: {  	s14 =	simm.s32 $0x960;
	[sflag:s4] =	ssyncadd.s32 $0xFFFF3800  }
0x1e: {  	[tilespmem:s9], [sflag:$0x2] =	stream.indirect.gather [hbm4b:s5+s6], $0x40, s14, s6, $0xb8;
	[tilespmem:$0x1A900] =	vst v63  }
0x1f: {  	_ =	swait.ge [sflag:s8], $0xC800  }
0x20: {  	[sflag:s8] =	ssyncset.done $0x0  }
0x21: {  	s15 =	sadd.s32 $0x3200, s10;
	[sflag:s8] =	ssyncadd.s32 $0xFFFF3800  }
0x22: {  	[hbm4b:s15+s2] =	stream.linear.scatter [tilespmem:s7], [sflag:$0x3], $0xC800, $0x38;
	[tilespmem:$0x1A900] =	vst v63  }
0x23: {  	_ =	swait.ge [sflag:s4], $0xC800  }
0x24: {  	[sflag:s4] =	ssyncset.done $0x0  }
0x25: {  	s16 =	simm.s32 $0xC80;
	[sflag:s4] =	ssyncadd.s32 $0xFFFF3800  }
0x26: {  	[tilespmem:s7], [sflag:$0x1] =	stream.indirect.gather [hbm4b:s5+s6], $0x40, s16, s6, $0xb8;
	[tilespmem:$0x1A900] =	vst v63  }
0x27: {  	_ =	swait.ge [sflag:s12], $0xC800  }
0x28: {  	[sflag:s12] =	ssyncset.done $0x0  }
0x29: {  	s17 =	sadd.s32 $0x4B00, s10;
	[sflag:s12] =	ssyncadd.s32 $0xFFFF3800  }
0x2a: {  	[hbm4b:s17+s2] =	stream.linear.scatter [tilespmem:s9], [sflag:$0x3], $0xC800, $0x38;
	[tilespmem:$0x1A900] =	vst v63  }
0x2b: {  	_ =	swait.ge [sflag:s4], $0xC800  }
0x2c: {  	[sflag:s4] =	ssyncset.done $0x0  }
0x2d: {  	s18 =	simm.s32 $0xFA0;
	[sflag:s4] =	ssyncadd.s32 $0xFFFF3800  }
0x2e: {  	[tilespmem:s9], [sflag:$0x2] =	stream.indirect.gather [hbm4b:s5+s6], $0x40, s18, s6, $0xb8;
	[tilespmem:$0x1A900] =	vst v63  }
0x2f: {  	_ =	swait.ge [sflag:s8], $0xC800  }
0x30: {  	[sflag:s8] =	ssyncset.done $0x0  }
0x31: {  	s19 =	sadd.s32 $0x6400, s10;
	[sflag:s8] =	ssyncadd.s32 $0xFFFF3800  }
0x32: {  	[hbm4b:s19+s2] =	stream.linear.scatter [tilespmem:s7], [sflag:$0x3], $0xC800, $0x38;
	[tilespmem:$0x1A900] =	vst v63  }
0x33: {  	_ =	swait.ge [sflag:s4], $0xC800  }
0x34: {  	[sflag:s4] =	ssyncset.done $0x0  }
0x35: {  	s20 =	simm.s32 $0x12C0;
	[sflag:s4] =	ssyncadd.s32 $0xFFFF3800  }
0x36: {  	[tilespmem:s7], [sflag:$0x1] =	stream.indirect.gather [hbm4b:s5+s6], $0x40, s20, s6, $0xb8;
	[tilespmem:$0x1A900] =	vst v63  }
0x37: {  	_ =	swait.ge [sflag:s12], $0xC800  }
0x38: {  	[sflag:s12] =	ssyncset.done $0x0  }
0x39: {  	s21 =	sadd.s32 $0x7D00, s10;
	[sflag:s12] =	ssyncadd.s32 $0xFFFF3800  }
0x3a: {  	[hbm4b:s21+s2] =	stream.linear.scatter [tilespmem:s9], [sflag:$0x3], $0xC800, $0x38;
	[tilespmem:$0x1A900] =	vst v63  }
0x3b: {  	_ =	swait.ge [sflag:s4], $0xC800  }
0x3c: {  	[sflag:s4] =	ssyncset.done $0x0  }
0x3d: {  	s22 =	simm.s32 $0x15E0;
	[sflag:s4] =	ssyncadd.s32 $0xFFFF3800  }
0x3e: {  	[tilespmem:s9], [sflag:$0x2] =	stream.indirect.gather [hbm4b:s5+s6], $0x40, s22, s6, $0xb8;
	[tilespmem:$0x1A900] =	vst v63  }
0x3f: {  	_ =	swait.ge [sflag:s8], $0xC800  }
0x40: {  	[sflag:s8] =	ssyncset.done $0x0  }
0x41: {  	s23 =	sadd.s32 $0x9600, s10;
	[sflag:s8] =	ssyncadd.s32 $0xFFFF3800  }
0x42: {  	[hbm4b:s23+s2] =	stream.linear.scatter [tilespmem:s7], [sflag:$0x3], $0xC800, $0x38;
	[tilespmem:$0x1A900] =	vst v63  }
0x43: {  	_ =	swait.ge [sflag:s4], $0xC800  }
0x44: {  	s25 =	ssub.s32 $0x2, s24;
	[sflag:s4] =	ssyncset.done $0x0  }
0x45: {  	s26 =	sshrl.u32 s25, $0x1;
	[sflag:s4] =	ssyncadd.s32 $0xFFFF3800  }
0x46: {  	[tilespmem:s7], [sflag:$0x1] =	stream.indirect.gather [hbm4b:s5+s6], $0x40, s20, s6, $0xb8;
	[tilespmem:$0x1A900] =	vst v63  }
0x47: {  	s25 =	ssub.s32 s25, s26;
	_ =	swait.ge [sflag:s12], $0xC800  }
0x48: {  	s25 =	smax.u32 s25, $0x1;
	[sflag:s12] =	ssyncset.done $0x0  }
0x49: {  	s24 =	sadd.s32 $0xAF00, s10;
	p0 =	sne.s32 s25, $0x1;
	[sflag:s12] =	ssyncadd.s32 $0xFFFF3800  }
0x4a: {  	[hbm4b:s24+s2] =	stream.linear.scatter [tilespmem:s9], [sflag:$0x3], $0xC800, $0x38;
	[tilespmem:$0x1A900] =	vst v63  }
.Ltmp0:
0x4b: {  	_ =	swait.ge [sflag:s4], $0xC800;
	(pc) =	sbr.rel @!p0 .LBB2_2-.Ltmp0, $4  }
0x4c: {  	[sflag:s4] =	ssyncset.done $0x0  }
0x4d: {  	[sflag:s4] =	ssyncadd.s32 $0xFFFF3800  }
0x4e: {  	_ =	swait.ge [sflag:s8], $0xC800  }
0x4f: {  	s25 =	sadd.s32 $0xFFFFFFFF, s25;
	[sflag:s8] =	ssyncset.done $0x0  }
.LBB2_1:
0x50: {  	p0 =	sne.s32 s25, $0x1;
	s25 =	sadd.s32 $0xFFFFFFFF, s25;
	[sflag:s8] =	ssyncadd.s32 $0xFFFF3800  }
0x51: {  	[tilespmem:s2], [sflag:$0x3] =	stream.linear.gather [hbm4b:s3+s2], $0x1900, $0x38;
	[tilespmem:$0x1A900] =	vst v63  }
0x52: {  	_ =	swait.ge [sflag:s4], $0x1900  }
0x53: {  	[sflag:s4] =	ssyncset.done $0x0  }
0x54: {  	[sflag:s4] =	ssyncadd.s32 $0xFFFFE700  }
0x55: {  	[tilespmem:s7], [sflag:$0x1] =	stream.indirect.gather [hbm4b:s5+s6], $0x40, s2, s6, $0xb8;
	[tilespmem:$0x1A900] =	vst v63  }
0x56: {  	_ = 	snop  }
0x57: {  	[tilespmem:s9], [sflag:$0x2] =	stream.indirect.gather [hbm4b:s5+s6], $0x40, s6, s6, $0xb8;
	[tilespmem:$0x1A900] =	vst v63  }
0x58: {  	_ =	swait.ge [sflag:s8], $0xC800  }
0x59: {  	[sflag:s8] =	ssyncset.done $0x0  }
0x5a: {  	[sflag:s8] =	ssyncadd.s32 $0xFFFF3800  }
0x5b: {  	[hbm4b:s10+s2] =	stream.linear.scatter [tilespmem:s7], [sflag:$0x3], $0xC800, $0x38;
	[tilespmem:$0x1A900] =	vst v63  }
0x5c: {  	_ =	swait.ge [sflag:s4], $0xC800  }
0x5d: {  	[sflag:s4] =	ssyncset.done $0x0  }
0x5e: {  	[sflag:s4] =	ssyncadd.s32 $0xFFFF3800  }
0x5f: {  	[tilespmem:s7], [sflag:$0x1] =	stream.indirect.gather [hbm4b:s5+s6], $0x40, s11, s6, $0xb8;
	[tilespmem:$0x1A900] =	vst v63  }
0x60: {  	_ =	swait.ge [sflag:s12], $0xC800  }
0x61: {  	[sflag:s12] =	ssyncset.done $0x0  }
0x62: {  	[sflag:s12] =	ssyncadd.s32 $0xFFFF3800  }
0x63: {  	[hbm4b:s13+s2] =	stream.linear.scatter [tilespmem:s9], [sflag:$0x3], $0xC800, $0x38;
	[tilespmem:$0x1A900] =	vst v63  }
0x64: {  	_ =	swait.ge [sflag:s4], $0xC800  }
0x65: {  	[sflag:s4] =	ssyncset.done $0x0  }
0x66: {  	[sflag:s4] =	ssyncadd.s32 $0xFFFF3800  }
0x67: {  	[tilespmem:s9], [sflag:$0x2] =	stream.indirect.gather [hbm4b:s5+s6], $0x40, s14, s6, $0xb8;
	[tilespmem:$0x1A900] =	vst v63  }
0x68: {  	_ =	swait.ge [sflag:s8], $0xC800  }
0x69: {  	[sflag:s8] =	ssyncset.done $0x0  }
0x6a: {  	[sflag:s8] =	ssyncadd.s32 $0xFFFF3800  }
0x6b: {  	[hbm4b:s15+s2] =	stream.linear.scatter [tilespmem:s7], [sflag:$0x3], $0xC800, $0x38;
	[tilespmem:$0x1A900] =	vst v63  }
0x6c: {  	_ =	swait.ge [sflag:s4], $0xC800  }
0x6d: {  	[sflag:s4] =	ssyncset.done $0x0  }
0x6e: {  	[sflag:s4] =	ssyncadd.s32 $0xFFFF3800  }
0x6f: {  	[tilespmem:s7], [sflag:$0x1] =	stream.indirect.gather [hbm4b:s5+s6], $0x40, s16, s6, $0xb8;
	[tilespmem:$0x1A900] =	vst v63  }
0x70: {  	_ =	swait.ge [sflag:s12], $0xC800  }
0x71: {  	[sflag:s12] =	ssyncset.done $0x0  }
0x72: {  	[sflag:s12] =	ssyncadd.s32 $0xFFFF3800  }
0x73: {  	[hbm4b:s17+s2] =	stream.linear.scatter [tilespmem:s9], [sflag:$0x3], $0xC800, $0x38;
	[tilespmem:$0x1A900] =	vst v63  }
0x74: {  	_ =	swait.ge [sflag:s4], $0xC800  }
0x75: {  	[sflag:s4] =	ssyncset.done $0x0  }
0x76: {  	[sflag:s4] =	ssyncadd.s32 $0xFFFF3800  }
0x77: {  	[tilespmem:s9], [sflag:$0x2] =	stream.indirect.gather [hbm4b:s5+s6], $0x40, s18, s6, $0xb8;
	[tilespmem:$0x1A900] =	vst v63  }
0x78: {  	_ =	swait.ge [sflag:s8], $0xC800  }
0x79: {  	[sflag:s8] =	ssyncset.done $0x0  }
0x7a: {  	[sflag:s8] =	ssyncadd.s32 $0xFFFF3800  }
0x7b: {  	[hbm4b:s19+s2] =	stream.linear.scatter [tilespmem:s7], [sflag:$0x3], $0xC800, $0x38;
	[tilespmem:$0x1A900] =	vst v63  }
0x7c: {  	_ =	swait.ge [sflag:s4], $0xC800  }
0x7d: {  	[sflag:s4] =	ssyncset.done $0x0  }
0x7e: {  	[sflag:s4] =	ssyncadd.s32 $0xFFFF3800  }
0x7f: {  	[tilespmem:s7], [sflag:$0x1] =	stream.indirect.gather [hbm4b:s5+s6], $0x40, s20, s6, $0xb8;
	[tilespmem:$0x1A900] =	vst v63  }
0x80: {  	_ =	swait.ge [sflag:s12], $0xC800  }
0x81: {  	[sflag:s12] =	ssyncset.done $0x0  }
0x82: {  	[sflag:s12] =	ssyncadd.s32 $0xFFFF3800  }
0x83: {  	[hbm4b:s21+s2] =	stream.linear.scatter [tilespmem:s9], [sflag:$0x3], $0xC800, $0x38;
	[tilespmem:$0x1A900] =	vst v63  }
0x84: {  	_ =	swait.ge [sflag:s4], $0xC800  }
0x85: {  	[sflag:s4] =	ssyncset.done $0x0  }
0x86: {  	[sflag:s4] =	ssyncadd.s32 $0xFFFF3800  }
0x87: {  	[tilespmem:s9], [sflag:$0x2] =	stream.indirect.gather [hbm4b:s5+s6], $0x40, s22, s6, $0xb8;
	[tilespmem:$0x1A900] =	vst v63  }
0x88: {  	_ =	swait.ge [sflag:s8], $0xC800  }
0x89: {  	[sflag:s8] =	ssyncset.done $0x0  }
0x8a: {  	[sflag:s8] =	ssyncadd.s32 $0xFFFF3800  }
0x8b: {  	[hbm4b:s23+s2] =	stream.linear.scatter [tilespmem:s7], [sflag:$0x3], $0xC800, $0x38;
	[tilespmem:$0x1A900] =	vst v63  }
0x8c: {  	_ =	swait.ge [sflag:s4], $0xC800  }
0x8d: {  	[sflag:s4] =	ssyncset.done $0x0  }
0x8e: {  	[sflag:s4] =	ssyncadd.s32 $0xFFFF3800  }
0x8f: {  	[tilespmem:s7], [sflag:$0x1] =	stream.indirect.gather [hbm4b:s5+s6], $0x40, s20, s6, $0xb8;
	[tilespmem:$0x1A900] =	vst v63  }
0x90: {  	_ =	swait.ge [sflag:s12], $0xC800  }
0x91: {  	[sflag:s12] =	ssyncset.done $0x0  }
0x92: {  	[sflag:s12] =	ssyncadd.s32 $0xFFFF3800  }
0x93: {  	[hbm4b:s24+s2] =	stream.linear.scatter [tilespmem:s9], [sflag:$0x3], $0xC800, $0x38;
	[tilespmem:$0x1A900] =	vst v63  }
.Ltmp1:
0x94: {  	_ =	swait.ge [sflag:s4], $0xC800;
	(pc) =	sbr.rel @p0 .LBB2_1-.Ltmp1, $4  }
0x95: {  	[sflag:s4] =	ssyncset.done $0x0  }
0x96: {  	[sflag:s4] =	ssyncadd.s32 $0xFFFF3800  }
0x97: {  	_ =	swait.ge [sflag:s8], $0xC800  }
0x98: {  	[sflag:s8] =	ssyncset.done $0x0  }
.LBB2_2:
0x99: {  	[sflag:s8] =	ssyncadd.s32 $0xFFFF3800  }
0x9a: {  	_ =	sfence.sel $0x180000  }
0x9b: {  	[bflag:$0x0] =	sbarrier.arrive $0xFFFF  }
0x9c: {  	p0 =	sne.s32 s0, $0x0;
	_ =	strace $0x9000004A  }
0x9d: {  	s0 =	sadd.s32 @!p0 $0x100000, s1;
	[bflag:$0x2] =	sbarrier.arrive $0xFFFF  }
0x9e: {  	[sflag:s0] =	ssyncadd.tile.s32 @!p0 $0x1;
	_ =	shalt  }
.Lfunc_end2:
_tile_overlayer_lowered:
.L_overlay_start_2:
0x9f: {  	(tag) =	ssettag $0x2  }
0xa0: {  	s0 =	rddreg [dreg:$0x0];
	s2 =	stileid.u32  }
0xa1: {  	s1 =	rddreg [dreg:$0x1];
	p0 =	sne.s32 s2, $0x0  }
0xa2: {  	s3 =	rddreg [dreg:$0x2];
	[bflag:$0x3] =	sbarrier.arrive $0xFFFF;
	s2 =	simm.s32 @!p0 $0x1C03  }
0xa3: {  	[timem:s3], [sflag:s2] =	dma.local @!p0 [hbm:s0], s1  }
0xa4: {  	s0 =	simm.s32 @!p0 $0x3  }
0xa5: {  	_ =	swait.ge @!p0 [sflag:s0], s1  }
0xa6: {  	s1 =	ssub.s32 @!p0 $0x0, s1;
	[sflag:s0] =	ssyncset.done @!p0 $0x0  }
0xa7: {  	[sflag:s0] =	ssyncadd.s32 @!p0 s1  }
0xa8: {  	[bflag:$0x3] =	sbarrier.arrive $0xFFFF  }
0xa9: {  	_ =	shalt  }

// kernel: sparse-core-data-format-call.cloned.1.call-start
scs
called_computation_lowered:
.L_overlay_start_0:
0x0: {  	s2 =	sld [smem:$0x3FD9]  }
0x1: {  	s3 =	sld [smem:$0x3FFE];
	_ =	sdelay $0x1  }
0x2: {  	s1 =	srdreg.scid  }
0x3: {  	s0 =	sand.u32 $0x1, s1  }
0x4: {  	s18 =	sshll.u32 s0, $0xA;
	s2 =	sadd.s32 s3, s2  }
0x5: {  	s2 =	sadd.s32 s2, s18  }
0x6: {  	[smem:$0x3FC6] =	sst s2  }
0x7: {  	_ = 	snop  }
0x8: {  	s2 =	sld [smem:$0x3FD0];
	(tm) =	ssettm $0x1  }
0x9: {  	s19 =	sld [smem:$0x3FFB];
	_ =	sdelay $0x3  }
0xa: {  	_ =	strace s19  }
0xb: {  	s3 =	sld [smem:$0x3FFC];
	_ =	sdelay $0x3  }
0xc: {  	_ =	strace s3  }
0xd: {  	s3 =	sld [smem:$0x3FFD];
	_ =	sdelay $0x3  }
0xe: {  	_ =	strace s3  }
0xf: {  	_ =	strace $0x8FFFFFFF  }
0x10: {  	s20 =	sld [smem:$0x3FDB];
	_ =	sdelay $0x1  }
0x11: {  	s4 =	simm.s32 $_scs_section_size  }
0x12: {  	s5 =	simm.s32 $_size__tile_overlayer_lowered;
	s6 =	simm.s32 $_tile_overlayer_lowered  }
0x13: {  	s23 =	simm.s32 $0x1BFF;
	s22 =	sshll.u32 s6, $0x1;
	s3 =	sadd.s32 s4, s20  }
0x14: {  	s7 =	simm.s32 $0x0;
	s21 =	sshll.u32 s5, $0x1;
	s5 =	sadd.s32 s22, s3  }
0x15: {  	[timem:s7], [sflag:s23] =	dma.local [hbm:s5], s21  }
0x16: {  	_ =	swait.ge [sflag:s23], s21  }
0x17: {  	s4 =	ssub.s32 $0x0, s21;
	[sflag:s23] =	ssyncset.done $0x0  }
0x18: {  	[sflag:s23] =	ssyncadd.s32 s4;
	_ =	sdelay $0x1  }
0x19: {  	s24 =	simm.s32 $0x1B8B  }
0x1a: {  	_ =	swait.ge [sflag:s24], $0x1  }
0x1b: {  	[sflag:s24] =	ssyncset.done $0x0  }
0x1c: {  	s26 =	simm.s32 $0x1B8E;
	s25 =	sld [smem:$0x3FFE];
	[sflag:s24] =	ssyncadd.s32 $0xFFFFFFFF  }
0x1d: {  	s27 =	simm.s32 $execute0_lowered;
	[smem:$0x3FD2] =	sst s26  }
0x1e: {  	s5 =	sshll.u32 s27, $0x1;
	_ =	strace $0x8000004C;
	[dreg:$0x1] =	wrdreg $0xFFFFFFFF  }
0x1f: {  	s28 =	simm.s32 $_size_execute0_lowered;
	s3 =	sadd.s32 s3, s5;
	[dreg:$0x0] =	wrdreg $0x0  }
0x20: {  	s5 =	sshll.u32 s28, $0x1;
	[dreg:$0x2] =	wrdreg s3  }
0x21: {  	[dreg:$0x3] =	wrdreg s5  }
0x22: {  	[dreg:$0x4] =	wrdreg $0xC0  }
0x23: {  	_ =	task [dreg:s7], $0x5FFFF  }
0x24: {  	[dreg:$0x1] =	wrdreg $0xFFFFFFFF  }
0x25: {  	[dreg:$0x0] =	wrdreg $0x60  }
0x26: {  	[dreg:$0x2] =	wrdreg s25  }
0x27: {  	[dreg:$0x3] =	wrdreg s2  }
0x28: {  	[dreg:$0x4] =	wrdreg $0x9  }
0x29: {  	_ =	task.clear_ibuf [dreg:s7], $0x5FFFF;
	_ =	strace $0x9000004C  }
0x2a: {  	s29 =	simm.s32 $0x9;
	_ =	strace $0x8000004E  }
0x2b: {  	_ =	swait.ge [sflag:s29], $0x1  }
0x2c: {  	[sflag:s29] =	ssyncadd.s32 $0xFFFFFFFF  }
0x2d: {  	_ =	strace $0x9000004E  }
0x2e: {  	_ =	sfence  }
0x2f: {  	s30 =	sld [smem:$0x0];
	_ =	sdelay $0x2  }
0x30: {  	s31 =	sshll.u32 s1, $0xD;
	s1 =	sshrl.u32 s1, $0x2  }
0x31: {  	s3 =	sand.u32 $0x4000, s31;
	s1 =	sadd.s32 s1, s30  }
0x32: {  	s0 =	sor.u32 s3, s0;
	s1 =	sshll.u32 s1, $0x11  }
0x33: {  	s0 =	sor.u32 s1, s0  }
0x34: {  	s0 =	sadd.s32 $0x8F2B, s0  }
0x35: {  	[sflag:s0] =	ssyncadd.remote.s32 $0x1  }
0x36: {  	_ =	sfence.sel $0xFFFF  }
0x37: {  	[dreg:$0x0] =	wrdreg $0xFFFFFFFF;
	(pc) =	sbr.abs _section_cstart, $3  }
0x38: {  	[dreg:$0x1] =	wrdreg $0xFFFFFFFF  }
0x39: {  	_ =	task.clear_ibuf [dreg:s7], $0x2FFFF;
	_ =	strace $0x9FFFFFFF  }
0x3a: {  	(tm) =	ssettm $0x7FFFFFFF  }
0x3b: {  	_ =	shalt  }
tec
execute0_lowered:
.L_overlay_start_1:
0x0: {  	(tag) =	ssettag $0x1  }
0x1: {  	s0 =	srdreg.scid  }
0x2: {  	s1 =	sshll.u32 s0, $0x4  }
0x3: {  	s5 =	rddreg [dreg:$0x0];
	s0 =	stileid.u32;
	s1 =	sand.u32 $0x10, s1  }
0x4: {  	s3 =	rddreg [dreg:$0x1];
	s31 =	simm.s32 $0x2;
	s4 =	sor.u32 s0, s1  }
0x5: {  	s13 =	simm.s32 $0x0;
	s9 =	simm.s32 $0x400;
	s2 =	sshll.u32 s4, $0x7  }
0x6: {  	s10 =	simm.s32 $0x8000;
	s14 =	simm.s32 $0x0;
	s6 =	ssub.s32 $0x1000, s2  }
0x7: {  	s1 =	rddreg [dreg:$0x2];
	_ =	strace $0x8000004D;
	s7 =	sand.u32 $0xF80, s6  }
0x8: {  	s4 =	sshll.u32 s4, $0xB;
	p0 =	sne.s32 s7, $0x0;
	s7 =	simm.s32 $0x1  }
.Ltmp0:
0x9: {  	s6 =	sshrl.u32 s6, $0xC;
	s7 =	simm.s32 @!p0 $0x0;
	(pc) =	sbr.rel .LBB1_1-.Ltmp0, $4  }
0xa: {  	s8 =	sadd.s32 s4, s5;
	s4 =	simm.s32 $0x1;
	s30 =	sadd.s32 s7, s6  }
0xb: {  	s11 =	simm.s32 $0x0;
	[sflag:s4] =	ssyncpa.u1 $0x0;
	s5 =	smul.u32 $0x19, s30  }
0xc: {  	s12 =	simm.s32 $0x0;
	[sflag:s31] =	ssyncpa.u1 $0x0;
	p0 =	por $0x0, $0x0  }
0xd: {  	s6 =	sadd.s32 $0xC00, s8;
	s7 =	sadd.s32 $0x10C00, s8;
	s8 =	sadd.s32 $0x1, s5  }
.LBB1_7:
0xe: {  	s15 =	sadd.s32 $0x2, s11  }
0xf: {  	p2 =	sgt.s32 s15, $0x31  }
0x10: {  	s15 =	simm.s32 @p2 $0x0;
	p2 =	sne.s32 s12, s8  }
.Ltmp1:
0x11: {  	p1 =	slt.u32 s12, $0x2;
	(pc) =	sbr.rel @!p2 .LBB1_8-.Ltmp1, $4  }
0x12: {  	s13 =	simm.s32 @!p1 $0x2  }
0x13: {  	s16 =	sadd.s32 $0x1, s12;
	s14 =	smov.u32 s11;
	_ =	swait.ge @!p1 [sflag:s13], $0x4000  }
0x14: {  	p0 =	por !p0, !p0;
	s12 =	smov.u32 s16;
	[sflag:s13] =	ssyncset.done @!p1 $0x0  }
0x15: {  	s11 =	smov.u32 s15;
	[sflag:s13] =	ssyncadd.s32 @!p1 $0xFFFFC000;
	s13 =	smov.u32 s2  }
.LBB1_1:
0x16: {  	p1 =	sge.u32 s12, s5  }
0x17: {  	s15 =	sxor.u32 @!p1 $0xFFFFFFFF, s12  }
0x18: {  	s16 =	sshll.u32 @!p1 s11, $0x10;
	s18 =	simm.s32 @!p1 $0x40;
	s15 =	sshll.u32 @!p1 s15, $0xE  }
0x19: {  	s19 =	simm.s32 @!p1 $0x80;
	s17 =	sadd.s32 @!p1 s16, s6;
	s15 =	sand.u32 @!p1 $0x4000, s15  }
0x1a: {  	[tilespmem:s15], [sflag:$0x1] =	stream.strided.gather @!p1 [hbm4b:s17+s18], $0x2000, s19, s18, $0x38;
	[tilespmem:$0x10100] =	vst v63  }
0x1b: {  	s31 =	sadd.s32 $0xFFFFFFFF, s12;
	s16 =	sadd.s32 @!p1 s16, s7;
	s15 =	sor.u32 @!p1 $0x2000, s15  }
0x1c: {  	[tilespmem:s15], [sflag:$0x1] =	stream.strided.gather @!p1 [hbm4b:s16+s18], $0x2000, s19, s18, $0x38;
	[tilespmem:$0x10100] =	vst v63  }
0x1d: {  	p1 =	sge.u32 s31, s5  }
.Ltmp2:
0x1e: {  	_ = 	snop;
	(pc) =	sbr.rel @p1 .LBB1_7-.Ltmp2, $1  }
0x1f: {  	_ =	sdelay $0x3  }
0x20: {  	s15 =	simm.s32 $0x1;
	s17 =	sand.u32 $0x1, s12  }
0x21: {  	_ =	swait.ge [sflag:s4], $0x4000;
	s15 =	simm.s32 @!p0 $0x0;
	s17 =	smul.u32 $0x10200, s17  }
0x22: {  	p2 =	por $0x1, $0x1;
	[sflag:s4] =	ssyncset.done $0x0;
	s16 =	smul.u32 $0x10200, s15  }
0x23: {  	s18 =	sshll.u32 s15, $0x10;
	[sflag:s4] =	ssyncadd.s32 $0xFFFFC000;
	s30 =	sshrl.u32 s17, $0x2  }
0x24: {  	s31 =	sshrl.u32 s18, $0x2;
	s18 =	simm.s32 $0x0;
	s16 =	sshrl.u32 s16, $0x2  }
0x25: {  	s15 =	sor.u32 $0x8000, s30;
	s17 =	sadd.s32 $0x20, s31;
	s16 =	sor.u32 $0x8000, s16  }
.LBB1_3:
0x26: {  	s19 =	sshll.u32 s18, $0xD  }
0x27: {  	s19 =	sand.u32 $0x3FFFE000, s19  }
0x28: {  	s21 =	sadd.s32 s19, s17  }
0x29: {  	s31 =	smul.u32 $0x8100, s18;
	v3 =	vld [tilespmem:s21+$0x10]  }
0x2a: {  	v1 =	vld [tilespmem:s21+$0xFFFFFFF0]  }
0x2b: {  	s18 =	sshra.s32 s31, $0x2;
	v0 =	vld [tilespmem:s21+$0x0]  }
0x2c: {  	s18 =	sadd.s32 s18, s16;
	v2 =	vld [tilespmem:s21+$0xFFFFFFE0]  }
0x2d: {  	s19 =	sadd.s32 $0x0, s18  }
0x2e: {  	p1 =	por p2, p2;
	s20 =	simm.s32 $0x4;
	s21 =	sadd.s32 $0x40, s21;
	[tilespmem:s19+$0x1830 ss:$0x81] =	vst.msk $0xffff, v3  }
.LBB1_4:
0x2f: {  	v3 =	vld [tilespmem:s21+$0x10];
	p2 =	sne.s32 s20, $0x1FC;
	[tilespmem:s19+$0x810 ss:$0x81] =	vst.msk $0xffff, v1;
	s22 =	smov.u32 s20;
	s20 =	sadd.s32 $0x4, s20  }
.Ltmp3:
0x30: {  	v1 =	vld [tilespmem:s21+$0xFFFFFFF0];
	[tilespmem:s19+$0x1020 ss:$0x81] =	vst.msk $0xffff, v0;
	(pc) =	sbr.rel @p2 .LBB1_4-.Ltmp3, $4  }
0x31: {  	v0 =	vld [tilespmem:s21+$0x0];
	[tilespmem:s19+$0x0 ss:$0x81] =	vst.msk $0xffff, v2  }
0x32: {  	s19 =	sshra.s32 s22, $0x2;
	v2 =	vld [tilespmem:s21+$0xFFFFFFE0]  }
0x33: {  	s19 =	sadd.s32 s19, s18  }
0x34: {  	s21 =	sadd.s32 $0x40, s21;
	[tilespmem:s19+$0x1830 ss:$0x81] =	vst.msk $0xffff, v3  }
.Ltmp4:
0x35: {  	(pc) =	sbr.rel @p1 .LBB1_3-.Ltmp4, $4  }
0x36: {  	_ = 	snop  }
0x37: {  	[tilespmem:s19+$0x810 ss:$0x81] =	vst.msk $0xffff, v1  }
0x38: {  	[tilespmem:s19+$0x1020 ss:$0x81] =	vst.msk $0xffff, v0  }
0x39: {  	s18 =	simm.s32 $0x1;
	p2 =	por $0x0, $0x0;
	[tilespmem:s19+$0x0 ss:$0x81] =	vst.msk $0xffff, v2  }
.Ltmp5:
0x3a: {  	(pc) =	sbr.rel .LBB1_7-.Ltmp5, $4  }
0x3b: {  	s14 =	sshll.u32 s14, $0xF  }
0x3c: {  	s14 =	sadd.s32 s3, s14  }
0x3d: {  	s13 =	sadd.s32 s13, s14  }
0x3e: {  	[hbm4b:s13+s9] =	stream.strided.scatter [tilespmem:s15], [sflag:$0x2], $0x4000, s10, s9, $0x20;
	[tilespmem:$0x10100] =	vst v63  }
.LBB1_8:
0x3f: {  	_ =	sfence.sel $0x180000  }
0x40: {  	s2 =	simm.s32 $0x1;
	[bflag:$0x0] =	sbarrier.arrive $0xFFFF  }
0x41: {  	s31 =	simm.s32 $0x2;
	[sflag:s2] =	ssyncpa.u1 $0x1  }
0x42: {  	[sflag:s31] =	ssyncpa.u1 $0x1  }
0x43: {  	p0 =	sne.s32 s0, $0x0;
	_ =	strace $0x9000004D  }
0x44: {  	s0 =	sadd.s32 @!p0 $0x100000, s1;
	[bflag:$0x2] =	sbarrier.arrive $0xFFFF  }
0x45: {  	[sflag:s0] =	ssyncadd.tile.s32 @!p0 $0x1;
	_ =	shalt  }
.Lfunc_end1:
_tile_overlayer_lowered:
.L_overlay_start_2:
0x46: {  	(tag) =	ssettag $0x2  }
0x47: {  	s0 =	rddreg [dreg:$0x0];
	s2 =	stileid.u32  }
0x48: {  	s1 =	rddreg [dreg:$0x1];
	p0 =	sne.s32 s2, $0x0  }
0x49: {  	s3 =	rddreg [dreg:$0x2];
	[bflag:$0x3] =	sbarrier.arrive $0xFFFF;
	s2 =	simm.s32 @!p0 $0x1C01  }
0x4a: {  	[timem:s3], [sflag:s2] =	dma.local @!p0 [hbm:s0], s1  }
0x4b: {  	s0 =	simm.s32 @!p0 $0x1  }
0x4c: {  	_ =	swait.ge @!p0 [sflag:s0], s1  }
0x4d: {  	s1 =	ssub.s32 @!p0 $0x0, s1;
	[sflag:s0] =	ssyncset.done @!p0 $0x0  }
0x4e: {  	[sflag:s0] =	ssyncadd.s32 @!p0 s1  }
0x4f: {  	[bflag:$0x3] =	sbarrier.arrive $0xFFFF  }
0x50: {  	_ =	shalt  }

</sc_bundles>
